<compile_context>
chip_gen: v7x
topology: tpu7x:2x2x1
jax: 0.10.2.dev20260603
libtpu: 0.0.44.dev20260713+nightly
codegen_flags: <defaults>
</compile_context>

<pallas_src>
import functools

import jax
import jax.numpy as jnp
from jax import lax
from jax.experimental import pallas as pl
from jax.experimental.pallas import tpu as pltpu
from jax.experimental.pallas import tpu_sc as plsc

NN = 10000
EE = 320000
DD = 128
GG = 64

NC = 2
NS = 16
NW = NC * NS

CHUNK = 128
EPT = -(-EE // NW)
CPT = -(-EPT // CHUNK)
EPTP = CPT * CHUNK
EPAD = NW * EPTP

NPAD = 10112
RPT = NPAD // NS

RB = 400
GRID = NN // RB

_sc_mesh = plsc.VectorSubcoreMesh(core_axis_name="c", subcore_axis_name="s")


@functools.partial(
    pl.kernel,
    out_type=jax.ShapeDtypeStruct((NC, NPAD, DD), jnp.float32),
    mesh=_sc_mesh,
    scratch_types=[
        pltpu.VMEM((CPT, CHUNK), jnp.int32),
        pltpu.VMEM((CHUNK, DD), jnp.float32),
        pltpu.VMEM((CHUNK, DD), jnp.float32),
        pltpu.VMEM_SHARED((NPAD, DD), jnp.float32),
    ],
)
def _sc_deg(dst_hbm, ones_hbm, zero_hbm, out_hbm, dst_v, ones_v, zero_v, acc):
    c = lax.axis_index("c")
    s = lax.axis_index("s")
    wid = c * NS + s
    pltpu.sync_copy(dst_hbm.at[wid], dst_v)
    pltpu.sync_copy(ones_hbm, ones_v)
    pltpu.sync_copy(zero_hbm, zero_v)
    base = s * RPT
    for k in range(RPT // CHUNK):
        pltpu.sync_copy(zero_v, acc.at[pl.ds(base + k * CHUNK, CHUNK)])
    rem = RPT % CHUNK
    if rem:
        pltpu.sync_copy(zero_v.at[pl.ds(0, rem)],
                        acc.at[pl.ds(base + (RPT // CHUNK) * CHUNK, rem)])
    plsc.subcore_barrier()

    def body(j, carry):
        pltpu.sync_copy(ones_v, acc.at[dst_v.at[j]], add=True)
        return carry

    lax.fori_loop(0, CPT, body, 0)
    plsc.subcore_barrier()
    pltpu.sync_copy(acc.at[pl.ds(base, RPT)], out_hbm.at[c, pl.ds(base, RPT)])


@functools.partial(
    pl.kernel,
    out_type=jax.ShapeDtypeStruct((NC, NPAD, DD), jnp.float32),
    mesh=_sc_mesh,
    scratch_types=[
        pltpu.VMEM((4, 2, CHUNK), jnp.int32),
        pltpu.VMEM((CHUNK, DD), jnp.float32),
        pltpu.VMEM((CHUNK, DD), jnp.float32),
        pltpu.VMEM_SHARED((NPAD, DD), jnp.float32),
        pltpu.SemaphoreType.DMA,
        pltpu.SemaphoreType.DMA,
        pltpu.SemaphoreType.DMA,
        pltpu.SemaphoreType.DMA,
        pltpu.SemaphoreType.DMA,
        pltpu.SemaphoreType.DMA,
    ],
)
def _sc_agg(y_hbm, ei_hbm, zero_hbm, out_hbm, ring_v, rows_a, rows_b, acc,
            is0, is1, is2, is3, ga, gb):
    c = lax.axis_index("c")
    s = lax.axis_index("s")
    wid = c * NS + s
    isems = [is0, is1, is2, is3]
    rows = [rows_a, rows_b]
    gsems = [ga, gb]

    def idx_start(chunk, slot, sem):
        pltpu.async_copy(ei_hbm.at[wid, chunk], ring_v.at[slot], sem)

    def idx_wait(chunk, slot, sem):
        pltpu.make_async_copy(
            ei_hbm.at[wid, chunk], ring_v.at[slot], sem).wait()

    def g_start(slot, buf, sem):
        pltpu.async_copy(y_hbm.at[ring_v.at[slot, 0]], buf, sem)

    def g_wait(slot, buf, sem):
        pltpu.make_async_copy(y_hbm.at[ring_v.at[slot, 0]], buf, sem).wait()

    def scat(slot, buf):
        pltpu.sync_copy(buf, acc.at[ring_v.at[slot, 1]], add=True)

    pltpu.sync_copy(zero_hbm, rows_a)
    base = s * RPT
    for k in range(RPT // CHUNK):
        pltpu.sync_copy(rows_a, acc.at[pl.ds(base + k * CHUNK, CHUNK)])
    rem = RPT % CHUNK
    if rem:
        pltpu.sync_copy(rows_a.at[pl.ds(0, rem)],
                        acc.at[pl.ds(base + (RPT // CHUNK) * CHUNK, rem)])
    plsc.subcore_barrier()

    L = CPT // 4
    R = CPT - 4 * L
    for k in range(4):
        idx_start(k, k, isems[k])
    idx_wait(0, 0, isems[0])
    g_start(0, rows_a, ga)

    def body(j2, carry):
        j = j2 * 4
        for u in range(4):
            cu = j + u
            nslot = (u + 1) % 4
            nbuf = (u + 1) % 2
            if u < 3:
                idx_wait(cu + 1, nslot, isems[nslot])
                g_start(nslot, rows[nbuf], gsems[nbuf])
            else:
                @pl.when(cu + 1 < CPT)
                def _():
                    idx_wait(cu + 1, nslot, isems[nslot])
                    g_start(nslot, rows[nbuf], gsems[nbuf])
            g_wait(u, rows[u % 2], gsems[u % 2])
            scat(u, rows[u % 2])
            @pl.when(cu + 4 < CPT)
            def _():
                idx_start(cu + 4, u, isems[u])
        return carry

    lax.fori_loop(0, L, body, 0)
    for k in range(R):
        cu = 4 * L + k
        if k + 1 < R:
            idx_wait(cu + 1, k + 1, isems[k + 1])
            g_start(k + 1, rows[(k + 1) % 2], gsems[(k + 1) % 2])
        g_wait(k, rows[k % 2], gsems[k % 2])
        scat(k, rows[k % 2])
    plsc.subcore_barrier()
    pltpu.sync_copy(acc.at[pl.ds(base, RPT)], out_hbm.at[c, pl.ds(base, RPT)])


def _sig(v):
    return 1.0 / (1.0 + jnp.exp(-v))


def _tc_dinv_body(deg_ref, out_ref):
    d = deg_ref[0, :, 0:1] + deg_ref[1, :, 0:1] + 1.0
    dv = lax.rsqrt(d)
    out_ref[...] = jnp.broadcast_to(dv, (RB, DD))


_tc_dinv = pl.pallas_call(
    _tc_dinv_body,
    grid=(GRID,),
    in_specs=[pl.BlockSpec((NC, RB, DD), lambda i: (0, i, 0))],
    out_specs=pl.BlockSpec((RB, DD), lambda i: (i, 0)),
    out_shape=jax.ShapeDtypeStruct((NN, DD), jnp.float32),
)


def _tc_prep1_body(x_ref, dinv_ref, w_ref, b_ref, y_ref, s_ref):
    xw = jnp.dot(x_ref[...], w_ref[...], preferred_element_type=jnp.float32)
    dv = dinv_ref[...]
    y_ref[...] = dv * xw
    s_ref[...] = dv * dv * xw + b_ref[...]


_tc_prep1 = pl.pallas_call(
    _tc_prep1_body,
    grid=(GRID,),
    in_specs=[
        pl.BlockSpec((RB, DD), lambda i: (i, 0)),
        pl.BlockSpec((RB, DD), lambda i: (i, 0)),
        pl.BlockSpec((DD, DD), lambda i: (0, 0)),
        pl.BlockSpec((1, DD), lambda i: (0, 0)),
    ],
    out_specs=[
        pl.BlockSpec((RB, DD), lambda i: (i, 0)),
        pl.BlockSpec((RB, DD), lambda i: (i, 0)),
    ],
    out_shape=[
        jax.ShapeDtypeStruct((NN, DD), jnp.float32),
        jax.ShapeDtypeStruct((NN, DD), jnp.float32),
    ],
)


def _tc_mid_body(agg_ref, s_ref, dinv_ref, w_ref, b_ref, y_ref, s2_ref):
    dv = dinv_ref[...]
    h = _sig(dv * (agg_ref[0] + agg_ref[1]) + s_ref[...])
    xw = jnp.dot(h, w_ref[...], preferred_element_type=jnp.float32)
    y_ref[...] = dv * xw
    s2_ref[...] = dv * dv * xw + b_ref[...]


_tc_mid = pl.pallas_call(
    _tc_mid_body,
    grid=(GRID,),
    in_specs=[
        pl.BlockSpec((NC, RB, DD), lambda i: (0, i, 0)),
        pl.BlockSpec((RB, DD), lambda i: (i, 0)),
        pl.BlockSpec((RB, DD), lambda i: (i, 0)),
        pl.BlockSpec((DD, DD), lambda i: (0, 0)),
        pl.BlockSpec((1, DD), lambda i: (0, 0)),
    ],
    out_specs=[
        pl.BlockSpec((RB, DD), lambda i: (i, 0)),
        pl.BlockSpec((RB, DD), lambda i: (i, 0)),
    ],
    out_shape=[
        jax.ShapeDtypeStruct((NN, DD), jnp.float32),
        jax.ShapeDtypeStruct((NN, DD), jnp.float32),
    ],
)


def _tc_final_body(agg_ref, s_ref, dinv_ref, batch_ref, wc1_ref, bc1_ref,
                   wc2_ref, bc2_ref, out_ref, sums_ref, cnts_ref):
    i = pl.program_id(0)

    @pl.when(i == 0)
    def _():
        sums_ref[...] = jnp.zeros((GG, DD), jnp.float32)
        cnts_ref[...] = jnp.zeros((GG, DD), jnp.float32)
        out_ref[...] = jnp.zeros((GG, 1), jnp.float32)

    dv = dinv_ref[...]
    h = _sig(dv * (agg_ref[0] + agg_ref[1]) + s_ref[...])
    ids = batch_ref[0, 0, :]
    oh = (ids[None, :] == lax.broadcasted_iota(jnp.int32, (GG, RB), 0))
    oh = oh.astype(jnp.float32)
    sums_ref[...] += jnp.dot(oh, h, preferred_element_type=jnp.float32)
    cnts_ref[...] += jnp.broadcast_to(
        jnp.sum(oh, axis=1, keepdims=True), (GG, DD))

    @pl.when(i == GRID - 1)
    def _():
        pooled = sums_ref[...] / jnp.maximum(cnts_ref[...], 1.0)
        hc = _sig(jnp.dot(pooled, wc1_ref[...],
                          preferred_element_type=jnp.float32) + bc1_ref[...])
        out_ref[...] = jnp.dot(hc, wc2_ref[...],
                               preferred_element_type=jnp.float32) + bc2_ref[...]


_tc_final = pl.pallas_call(
    _tc_final_body,
    grid=(GRID,),
    in_specs=[
        pl.BlockSpec((NC, RB, DD), lambda i: (0, i, 0)),
        pl.BlockSpec((RB, DD), lambda i: (i, 0)),
        pl.BlockSpec((RB, DD), lambda i: (i, 0)),
        pl.BlockSpec((1, 1, RB), lambda i: (i, 0, 0)),
        pl.BlockSpec((DD, GG), lambda i: (0, 0)),
        pl.BlockSpec((1, GG), lambda i: (0, 0)),
        pl.BlockSpec((GG, 1), lambda i: (0, 0)),
        pl.BlockSpec((1, 1), lambda i: (0, 0)),
    ],
    out_specs=pl.BlockSpec((GG, 1), lambda i: (0, 0)),
    out_shape=jax.ShapeDtypeStruct((GG, 1), jnp.float32),
    scratch_shapes=[
        pltpu.VMEM((GG, DD), jnp.float32),
        pltpu.VMEM((GG, DD), jnp.float32),
    ],
)


def kernel(x, edge_index, batch, num_graphs, W1, b1, W2, b2, Wc1, bc1, Wc2, bc2):
    src = edge_index[0]
    dst = edge_index[1]
    npad = EPAD - EE
    src3 = jnp.concatenate(
        [src, jnp.zeros((npad,), jnp.int32)]).reshape(NW, CPT, CHUNK)
    dst3 = jnp.concatenate(
        [dst, jnp.full((npad,), NN, jnp.int32)]).reshape(NW, CPT, CHUNK)
    ei4 = jnp.stack([src3, dst3], axis=2)
    batch3 = batch.reshape(GRID, 1, RB)
    ones_row = jnp.ones((CHUNK, DD), jnp.float32)
    zero_row = jnp.zeros((CHUNK, DD), jnp.float32)

    deg2 = _sc_deg(dst3, ones_row, zero_row)
    dinvb = _tc_dinv(deg2)
    y1, s1 = _tc_prep1(x, dinvb, W1, b1.reshape(1, DD))
    agg1 = _sc_agg(y1, ei4, zero_row)
    y2, s2 = _tc_mid(agg1, s1, dinvb, W2, b2.reshape(1, DD))
    agg2 = _sc_agg(y2, ei4, zero_row)
    out = _tc_final(agg2, s2, dinvb, batch3, Wc1, bc1.reshape(1, GG),
                    Wc2, bc2.reshape(1, 1))
    return out

# --- scband reference (transcript-rebuilt; emitter-appended) ---
"""Pipeline reference for scband-baseline-gnn-23124103922004 (READ-ONLY COPY).

The authoritative reference and input builder live on the scoring server;
editing this copy changes nothing except your own understanding.
"""

import jax, jax.numpy as jnp
import numpy as np

N = 10000
E = 320000
D = 128
H = 128
G = 64


def gcn_conv(x, src, dst, W, b):
    n = x.shape[0]
    xw = x @ W
    loop = jnp.arange(n, dtype=src.dtype)
    src_sl = jnp.concatenate([src, loop])
    dst_sl = jnp.concatenate([dst, loop])
    deg = jnp.zeros((n,), dtype=xw.dtype).at[dst_sl].add(1.0)
    dinv = jnp.where(deg > 0, deg ** -0.5, 0.0)
    norm = dinv[src_sl] * dinv[dst_sl]
    out = jnp.zeros_like(xw).at[dst_sl].add(norm[:, None] * xw[src_sl])
    return out + b


def setup_inputs(seed: int = 0) -> dict:
    key = jax.random.key(seed)
    ks = jax.random.split(key, 12)
    x = jax.random.normal(ks[0], (N, D), dtype=jnp.float32)
    edge_index = jax.random.randint(ks[1], (2, E), 0, N, dtype=jnp.int32)
    batch = jnp.sort(jax.random.randint(ks[2], (N,), 0, G, dtype=jnp.int32))
    s1 = 1.0 / np.sqrt(D)
    s2 = 1.0 / np.sqrt(H)
    W1 = jax.random.uniform(ks[3], (D, H), jnp.float32, -s1, s1)
    b1 = jnp.zeros((H,), jnp.float32)
    W2 = jax.random.uniform(ks[4], (H, H), jnp.float32, -s2, s2)
    b2 = jnp.zeros((H,), jnp.float32)
    Wc1 = jax.random.uniform(ks[5], (H, H // 2), jnp.float32, -s2, s2)
    bc1 = jax.random.uniform(ks[6], (H // 2,), jnp.float32, -s2, s2)
    sc = 1.0 / np.sqrt(H // 2)
    Wc2 = jax.random.uniform(ks[7], (H // 2, 1), jnp.float32, -sc, sc)
    bc2 = jax.random.uniform(ks[8], (1,), jnp.float32, -sc, sc)
    return {"x": x, "edge_index": edge_index, "batch": batch, "num_graphs": G,
            "W1": W1, "b1": b1, "W2": W2, "b2": b2,
            "Wc1": Wc1, "bc1": bc1, "Wc2": Wc2, "bc2": bc2}


def reference(x, edge_index, batch, num_graphs, W1, b1, W2, b2, Wc1, bc1, Wc2, bc2):
    src = edge_index[0]
    dst = edge_index[1]
    h = jax.nn.sigmoid(gcn_conv(x, src, dst, W1, b1))
    h = jax.nn.sigmoid(gcn_conv(h, src, dst, W2, b2))
    seg_ids = batch + 0 * jnp.asarray(num_graphs, dtype=batch.dtype)
    sums = jax.ops.segment_sum(h, seg_ids, num_segments=G)
    counts = jax.ops.segment_sum(jnp.ones((h.shape[0],), h.dtype), seg_ids, num_segments=G)
    pooled = sums / jnp.clip(counts, 1.0)[:, None]
    hc = jax.nn.sigmoid(pooled @ Wc1 + bc1)
    out = hc @ Wc2 + bc2
    return out

if __name__ == "__main__":
    import jax
    _d = setup_inputs()
    print(jax.jit(kernel)(*tuple(_d.values())))

</pallas_src>

<mosaic_0001>
#map = affine_map<(d0, d1) -> (0, 0)>
#map1 = affine_map<(d0, d1) -> (0, 0, 0, 0)>
#map2 = affine_map<(d0, d1) -> (0, 0, 0)>
module attributes {stable_mosaic.version = 14 : i64} {
  func.func @_sc_agg(%arg0: i32, %arg1: i32, %arg2: memref<10000x128xf32, #tpu.memory_space<hbm>>, %arg3: memref<32x79x2x128xi32, #tpu.memory_space<hbm>>, %arg4: memref<128x128xf32, #tpu.memory_space<hbm>>, %arg5: memref<2x10112x128xf32, #tpu.memory_space<hbm>>, %arg6: memref<4x2x128xi32, #tpu.memory_space<vmem>>, %arg7: memref<128x128xf32, #tpu.memory_space<vmem>>, %arg8: memref<128x128xf32, #tpu.memory_space<vmem>>, %arg9: memref<10112x128xf32, #tpu.memory_space<vmem_shared>>, %arg10: memref<!tpu.dma_semaphore, #tpu.memory_space<semaphore_mem>>, %arg11: memref<!tpu.dma_semaphore, #tpu.memory_space<semaphore_mem>>, %arg12: memref<!tpu.dma_semaphore, #tpu.memory_space<semaphore_mem>>, %arg13: memref<!tpu.dma_semaphore, #tpu.memory_space<semaphore_mem>>, %arg14: memref<!tpu.dma_semaphore, #tpu.memory_space<semaphore_mem>>, %arg15: memref<!tpu.dma_semaphore, #tpu.memory_space<semaphore_mem>>) attributes {dimension_semantics = [#tpu.dimension_semantics<core_parallel>, #tpu.dimension_semantics<subcore_parallel>], iteration_bounds = array<i64: 2, 16>, scalar_prefetch = 0 : i64, scratch_operands = 10 : i64, tpu.core_type = #tpu.core_type<sc_vector_subcore>, window_params = [{transform_indices = #map}, {transform_indices = #map1}, {transform_indices = #map}, {transform_indices = #map2}]} {
    %mul3A = arith.constant 16 : i32
    %mul3A_0 = arith.muli %arg0, %mul3A : i32
    %add3A = arith.addi %mul3A_0, %arg1 : i32
    "tpu.region"() ({
      %run_scoped3A_196 = tpu.sem_alloc : memref<!tpu.dma_semaphore, #tpu.memory_space<semaphore_mem>>
      tpu.enqueue_dma source(%arg4 : memref<128x128xf32, #tpu.memory_space<hbm>>) target(%arg7 : memref<128x128xf32, #tpu.memory_space<vmem>>) target_semaphore(%run_scoped3A_196 : memref<!tpu.dma_semaphore, #tpu.memory_space<semaphore_mem>>)
      tpu.wait_dma2 semaphore(%run_scoped3A_196 : memref<!tpu.dma_semaphore, #tpu.memory_space<semaphore_mem>>) src(%arg4 : memref<128x128xf32, #tpu.memory_space<hbm>>) dst(%arg7 : memref<128x128xf32, #tpu.memory_space<vmem>>)
      tpu.yield
    }) : () -> ()
    %mul3A_1 = arith.constant 632 : i32
    %mul3A_2 = arith.muli %arg1, %mul3A_1 : i32
    %add3A_3 = arith.constant 0 : i32
    %add3A_4 = arith.addi %mul3A_2, %add3A_3 : i32
    "tpu.region"() ({
      %run_scoped3A_196 = tpu.sem_alloc : memref<!tpu.dma_semaphore, #tpu.memory_space<semaphore_mem>>
      %dma_start3A_197 = arith.constant 0 : i32
      %dma_start3A_198 = tpu.memref_slice %arg9[%add3A_4, %dma_start3A_197] : memref<10112x128xf32, #tpu.memory_space<vmem_shared>> -> memref<128x128xf32, #tpu.memory_space<vmem_shared>>
      %dma_start3A_199 = arith.constant 0 : i32
      %dma_start3A_200 = tpu.memref_slice %arg9[%add3A_4, %dma_start3A_199] : memref<10112x128xf32, #tpu.memory_space<vmem_shared>> -> memref<128x128xf32, #tpu.memory_space<vmem_shared>>
      tpu.enqueue_dma source(%arg7 : memref<128x128xf32, #tpu.memory_space<vmem>>) target(%dma_start3A_200 : memref<128x128xf32, #tpu.memory_space<vmem_shared>>) target_semaphore(%run_scoped3A_196 : memref<!tpu.dma_semaphore, #tpu.memory_space<semaphore_mem>>)
      %dma_wait3A_201 = arith.constant 0 : i32
      %dma_wait3A_202 = tpu.memref_slice %arg9[%add3A_4, %dma_wait3A_201] : memref<10112x128xf32, #tpu.memory_space<vmem_shared>> -> memref<128x128xf32, #tpu.memory_space<vmem_shared>>
      %dma_wait3A_203 = arith.constant 0 : i32
      %dma_wait3A_204 = tpu.memref_slice %arg9[%add3A_4, %dma_wait3A_203] : memref<10112x128xf32, #tpu.memory_space<vmem_shared>> -> memref<128x128xf32, #tpu.memory_space<vmem_shared>>
      tpu.wait_dma2 semaphore(%run_scoped3A_196 : memref<!tpu.dma_semaphore, #tpu.memory_space<semaphore_mem>>) src(%arg7 : memref<128x128xf32, #tpu.memory_space<vmem>>) dst(%dma_wait3A_204 : memref<128x128xf32, #tpu.memory_space<vmem_shared>>)
      tpu.yield
    }) : () -> ()
    %add3A_5 = arith.constant 128 : i32
    %add3A_6 = arith.addi %mul3A_2, %add3A_5 : i32
    "tpu.region"() ({
      %run_scoped3A_196 = tpu.sem_alloc : memref<!tpu.dma_semaphore, #tpu.memory_space<semaphore_mem>>
      %dma_start3A_197 = arith.constant 0 : i32
      %dma_start3A_198 = tpu.memref_slice %arg9[%add3A_6, %dma_start3A_197] : memref<10112x128xf32, #tpu.memory_space<vmem_shared>> -> memref<128x128xf32, #tpu.memory_space<vmem_shared>>
      %dma_start3A_199 = arith.constant 0 : i32
      %dma_start3A_200 = tpu.memref_slice %arg9[%add3A_6, %dma_start3A_199] : memref<10112x128xf32, #tpu.memory_space<vmem_shared>> -> memref<128x128xf32, #tpu.memory_space<vmem_shared>>
      tpu.enqueue_dma source(%arg7 : memref<128x128xf32, #tpu.memory_space<vmem>>) target(%dma_start3A_200 : memref<128x128xf32, #tpu.memory_space<vmem_shared>>) target_semaphore(%run_scoped3A_196 : memref<!tpu.dma_semaphore, #tpu.memory_space<semaphore_mem>>)
      %dma_wait3A_201 = arith.constant 0 : i32
      %dma_wait3A_202 = tpu.memref_slice %arg9[%add3A_6, %dma_wait3A_201] : memref<10112x128xf32, #tpu.memory_space<vmem_shared>> -> memref<128x128xf32, #tpu.memory_space<vmem_shared>>
      %dma_wait3A_203 = arith.constant 0 : i32
      %dma_wait3A_204 = tpu.memref_slice %arg9[%add3A_6, %dma_wait3A_203] : memref<10112x128xf32, #tpu.memory_space<vmem_shared>> -> memref<128x128xf32, #tpu.memory_space<vmem_shared>>
      tpu.wait_dma2 semaphore(%run_scoped3A_196 : memref<!tpu.dma_semaphore, #tpu.memory_space<semaphore_mem>>) src(%arg7 : memref<128x128xf32, #tpu.memory_space<vmem>>) dst(%dma_wait3A_204 : memref<128x128xf32, #tpu.memory_space<vmem_shared>>)
      tpu.yield
    }) : () -> ()
    %add3A_7 = arith.constant 256 : i32
    %add3A_8 = arith.addi %mul3A_2, %add3A_7 : i32
    "tpu.region"() ({
      %run_scoped3A_196 = tpu.sem_alloc : memref<!tpu.dma_semaphore, #tpu.memory_space<semaphore_mem>>
      %dma_start3A_197 = arith.constant 0 : i32
      %dma_start3A_198 = tpu.memref_slice %arg9[%add3A_8, %dma_start3A_197] : memref<10112x128xf32, #tpu.memory_space<vmem_shared>> -> memref<128x128xf32, #tpu.memory_space<vmem_shared>>
      %dma_start3A_199 = arith.constant 0 : i32
      %dma_start3A_200 = tpu.memref_slice %arg9[%add3A_8, %dma_start3A_199] : memref<10112x128xf32, #tpu.memory_space<vmem_shared>> -> memref<128x128xf32, #tpu.memory_space<vmem_shared>>
      tpu.enqueue_dma source(%arg7 : memref<128x128xf32, #tpu.memory_space<vmem>>) target(%dma_start3A_200 : memref<128x128xf32, #tpu.memory_space<vmem_shared>>) target_semaphore(%run_scoped3A_196 : memref<!tpu.dma_semaphore, #tpu.memory_space<semaphore_mem>>)
      %dma_wait3A_201 = arith.constant 0 : i32
      %dma_wait3A_202 = tpu.memref_slice %arg9[%add3A_8, %dma_wait3A_201] : memref<10112x128xf32, #tpu.memory_space<vmem_shared>> -> memref<128x128xf32, #tpu.memory_space<vmem_shared>>
      %dma_wait3A_203 = arith.constant 0 : i32
      %dma_wait3A_204 = tpu.memref_slice %arg9[%add3A_8, %dma_wait3A_203] : memref<10112x128xf32, #tpu.memory_space<vmem_shared>> -> memref<128x128xf32, #tpu.memory_space<vmem_shared>>
      tpu.wait_dma2 semaphore(%run_scoped3A_196 : memref<!tpu.dma_semaphore, #tpu.memory_space<semaphore_mem>>) src(%arg7 : memref<128x128xf32, #tpu.memory_space<vmem>>) dst(%dma_wait3A_204 : memref<128x128xf32, #tpu.memory_space<vmem_shared>>)
      tpu.yield
    }) : () -> ()
    %add3A_9 = arith.constant 384 : i32
    %add3A_10 = arith.addi %mul3A_2, %add3A_9 : i32
    "tpu.region"() ({
      %run_scoped3A_196 = tpu.sem_alloc : memref<!tpu.dma_semaphore, #tpu.memory_space<semaphore_mem>>
      %dma_start3A_197 = arith.constant 0 : i32
      %dma_start3A_198 = tpu.memref_slice %arg9[%add3A_10, %dma_start3A_197] : memref<10112x128xf32, #tpu.memory_space<vmem_shared>> -> memref<128x128xf32, #tpu.memory_space<vmem_shared>>
      %dma_start3A_199 = arith.constant 0 : i32
      %dma_start3A_200 = tpu.memref_slice %arg9[%add3A_10, %dma_start3A_199] : memref<10112x128xf32, #tpu.memory_space<vmem_shared>> -> memref<128x128xf32, #tpu.memory_space<vmem_shared>>
      tpu.enqueue_dma source(%arg7 : memref<128x128xf32, #tpu.memory_space<vmem>>) target(%dma_start3A_200 : memref<128x128xf32, #tpu.memory_space<vmem_shared>>) target_semaphore(%run_scoped3A_196 : memref<!tpu.dma_semaphore, #tpu.memory_space<semaphore_mem>>)
      %dma_wait3A_201 = arith.constant 0 : i32
      %dma_wait3A_202 = tpu.memref_slice %arg9[%add3A_10, %dma_wait3A_201] : memref<10112x128xf32, #tpu.memory_space<vmem_shared>> -> memref<128x128xf32, #tpu.memory_space<vmem_shared>>
      %dma_wait3A_203 = arith.constant 0 : i32
      %dma_wait3A_204 = tpu.memref_slice %arg9[%add3A_10, %dma_wait3A_203] : memref<10112x128xf32, #tpu.memory_space<vmem_shared>> -> memref<128x128xf32, #tpu.memory_space<vmem_shared>>
      tpu.wait_dma2 semaphore(%run_scoped3A_196 : memref<!tpu.dma_semaphore, #tpu.memory_space<semaphore_mem>>) src(%arg7 : memref<128x128xf32, #tpu.memory_space<vmem>>) dst(%dma_wait3A_204 : memref<128x128xf32, #tpu.memory_space<vmem_shared>>)
      tpu.yield
    }) : () -> ()
    %add3A_11 = arith.constant 512 : i32
    %add3A_12 = arith.addi %mul3A_2, %add3A_11 : i32
    "tpu.region"() ({
      %run_scoped3A_196 = tpu.sem_alloc : memref<!tpu.dma_semaphore, #tpu.memory_space<semaphore_mem>>
      %dma_start3A_197 = arith.constant 0 : i32
      %dma_start3A_198 = arith.constant 0 : i32
      %dma_start3A_199 = tpu.memref_slice %arg7[%dma_start3A_197, %dma_start3A_198] : memref<128x128xf32, #tpu.memory_space<vmem>> -> memref<120x128xf32, #tpu.memory_space<vmem>>
      %dma_start3A_200 = arith.constant 0 : i32
      %dma_start3A_201 = tpu.memref_slice %arg9[%add3A_12, %dma_start3A_200] : memref<10112x128xf32, #tpu.memory_space<vmem_shared>> -> memref<120x128xf32, #tpu.memory_space<vmem_shared>>
      %dma_start3A_202 = arith.constant 0 : i32
      %dma_start3A_203 = tpu.memref_slice %arg9[%add3A_12, %dma_start3A_202] : memref<10112x128xf32, #tpu.memory_space<vmem_shared>> -> memref<120x128xf32, #tpu.memory_space<vmem_shared>>
      %dma_start3A_204 = arith.constant 0 : i32
      %dma_start3A_205 = arith.constant 0 : i32
      %dma_start3A_206 = tpu.memref_slice %arg7[%dma_start3A_204, %dma_start3A_205] : memref<128x128xf32, #tpu.memory_space<vmem>> -> memref<120x128xf32, #tpu.memory_space<vmem>>
      tpu.enqueue_dma source(%dma_start3A_206 : memref<120x128xf32, #tpu.memory_space<vmem>>) target(%dma_start3A_203 : memref<120x128xf32, #tpu.memory_space<vmem_shared>>) target_semaphore(%run_scoped3A_196 : memref<!tpu.dma_semaphore, #tpu.memory_space<semaphore_mem>>)
      %dma_wait3A_207 = arith.constant 0 : i32
      %dma_wait3A_208 = arith.constant 0 : i32
      %dma_wait3A_209 = tpu.memref_slice %arg7[%dma_wait3A_207, %dma_wait3A_208] : memref<128x128xf32, #tpu.memory_space<vmem>> -> memref<120x128xf32, #tpu.memory_space<vmem>>
      %dma_wait3A_210 = arith.constant 0 : i32
      %dma_wait3A_211 = tpu.memref_slice %arg9[%add3A_12, %dma_wait3A_210] : memref<10112x128xf32, #tpu.memory_space<vmem_shared>> -> memref<120x128xf32, #tpu.memory_space<vmem_shared>>
      %dma_wait3A_212 = arith.constant 0 : i32
      %dma_wait3A_213 = tpu.memref_slice %arg9[%add3A_12, %dma_wait3A_212] : memref<10112x128xf32, #tpu.memory_space<vmem_shared>> -> memref<120x128xf32, #tpu.memory_space<vmem_shared>>
      %dma_wait3A_214 = arith.constant 0 : i32
      %dma_wait3A_215 = arith.constant 0 : i32
      %dma_wait3A_216 = tpu.memref_slice %arg7[%dma_wait3A_214, %dma_wait3A_215] : memref<128x128xf32, #tpu.memory_space<vmem>> -> memref<120x128xf32, #tpu.memory_space<vmem>>
      tpu.wait_dma2 semaphore(%run_scoped3A_196 : memref<!tpu.dma_semaphore, #tpu.memory_space<semaphore_mem>>) src(%dma_wait3A_216 : memref<120x128xf32, #tpu.memory_space<vmem>>) dst(%dma_wait3A_213 : memref<120x128xf32, #tpu.memory_space<vmem_shared>>)
      tpu.yield
    }) : () -> ()
    %barrier3A = arith.constant 0 : index
    tpu.barrier barrier_id(%barrier3A)
    %dma_start3A = arith.constant 0 : i32
    %dma_start3A_13 = arith.constant 0 : i32
    %dma_start3A_14 = arith.constant 0 : i32
    %dma_start3A_15 = arith.constant 0 : i32
    %dma_start3A_16 = tpu.memref_slice %arg6[%dma_start3A_13, %dma_start3A_14, %dma_start3A_15] : memref<4x2x128xi32, #tpu.memory_space<vmem>> -> memref<1x2x128xi32, #tpu.memory_space<vmem>>
    %dma_start3A_17 = tpu.memref_squeeze %dma_start3A_16 : memref<1x2x128xi32, #tpu.memory_space<vmem>> -> memref<2x128xi32, #tpu.memory_space<vmem>>
    %dma_start3A_18 = arith.constant 0 : i32
    %dma_start3A_19 = arith.constant 0 : i32
    %dma_start3A_20 = tpu.memref_slice %arg3[%add3A, %dma_start3A, %dma_start3A_18, %dma_start3A_19] : memref<32x79x2x128xi32, #tpu.memory_space<hbm>> -> memref<1x1x2x128xi32, #tpu.memory_space<hbm>>
    %dma_start3A_21 = tpu.memref_squeeze %dma_start3A_20 : memref<1x1x2x128xi32, #tpu.memory_space<hbm>> -> memref<2x128xi32, #tpu.memory_space<hbm>>
    %dma_start3A_22 = arith.constant 0 : i32
    %dma_start3A_23 = arith.constant 0 : i32
    %dma_start3A_24 = tpu.memref_slice %arg6[%dma_start3A_13, %dma_start3A_22, %dma_start3A_23] : memref<4x2x128xi32, #tpu.memory_space<vmem>> -> memref<1x2x128xi32, #tpu.memory_space<vmem>>
    %dma_start3A_25 = tpu.memref_squeeze %dma_start3A_24 : memref<1x2x128xi32, #tpu.memory_space<vmem>> -> memref<2x128xi32, #tpu.memory_space<vmem>>
    %dma_start3A_26 = arith.constant 0 : i32
    %dma_start3A_27 = arith.constant 0 : i32
    %dma_start3A_28 = tpu.memref_slice %arg3[%add3A, %dma_start3A, %dma_start3A_26, %dma_start3A_27] : memref<32x79x2x128xi32, #tpu.memory_space<hbm>> -> memref<1x1x2x128xi32, #tpu.memory_space<hbm>>
    %dma_start3A_29 = tpu.memref_squeeze %dma_start3A_28 : memref<1x1x2x128xi32, #tpu.memory_space<hbm>> -> memref<2x128xi32, #tpu.memory_space<hbm>>
    tpu.enqueue_dma source(%dma_start3A_29 : memref<2x128xi32, #tpu.memory_space<hbm>>) target(%dma_start3A_25 : memref<2x128xi32, #tpu.memory_space<vmem>>) target_semaphore(%arg10 : memref<!tpu.dma_semaphore, #tpu.memory_space<semaphore_mem>>)
    %dma_start3A_30 = arith.constant 1 : i32
    %dma_start3A_31 = arith.constant 1 : i32
    %dma_start3A_32 = arith.constant 0 : i32
    %dma_start3A_33 = arith.constant 0 : i32
    %dma_start3A_34 = tpu.memref_slice %arg6[%dma_start3A_31, %dma_start3A_32, %dma_start3A_33] : memref<4x2x128xi32, #tpu.memory_space<vmem>> -> memref<1x2x128xi32, #tpu.memory_space<vmem>>
    %dma_start3A_35 = tpu.memref_squeeze %dma_start3A_34 : memref<1x2x128xi32, #tpu.memory_space<vmem>> -> memref<2x128xi32, #tpu.memory_space<vmem>>
    %dma_start3A_36 = arith.constant 0 : i32
    %dma_start3A_37 = arith.constant 0 : i32
    %dma_start3A_38 = tpu.memref_slice %arg3[%add3A, %dma_start3A_30, %dma_start3A_36, %dma_start3A_37] : memref<32x79x2x128xi32, #tpu.memory_space<hbm>> -> memref<1x1x2x128xi32, #tpu.memory_space<hbm>>
    %dma_start3A_39 = tpu.memref_squeeze %dma_start3A_38 : memref<1x1x2x128xi32, #tpu.memory_space<hbm>> -> memref<2x128xi32, #tpu.memory_space<hbm>>
    %dma_start3A_40 = arith.constant 0 : i32
    %dma_start3A_41 = arith.constant 0 : i32
    %dma_start3A_42 = tpu.memref_slice %arg6[%dma_start3A_31, %dma_start3A_40, %dma_start3A_41] : memref<4x2x128xi32, #tpu.memory_space<vmem>> -> memref<1x2x128xi32, #tpu.memory_space<vmem>>
    %dma_start3A_43 = tpu.memref_squeeze %dma_start3A_42 : memref<1x2x128xi32, #tpu.memory_space<vmem>> -> memref<2x128xi32, #tpu.memory_space<vmem>>
    %dma_start3A_44 = arith.constant 0 : i32
    %dma_start3A_45 = arith.constant 0 : i32
    %dma_start3A_46 = tpu.memref_slice %arg3[%add3A, %dma_start3A_30, %dma_start3A_44, %dma_start3A_45] : memref<32x79x2x128xi32, #tpu.memory_space<hbm>> -> memref<1x1x2x128xi32, #tpu.memory_space<hbm>>
    %dma_start3A_47 = tpu.memref_squeeze %dma_start3A_46 : memref<1x1x2x128xi32, #tpu.memory_space<hbm>> -> memref<2x128xi32, #tpu.memory_space<hbm>>
    tpu.enqueue_dma source(%dma_start3A_47 : memref<2x128xi32, #tpu.memory_space<hbm>>) target(%dma_start3A_43 : memref<2x128xi32, #tpu.memory_space<vmem>>) target_semaphore(%arg11 : memref<!tpu.dma_semaphore, #tpu.memory_space<semaphore_mem>>)
    %dma_start3A_48 = arith.constant 2 : i32
    %dma_start3A_49 = arith.constant 2 : i32
    %dma_start3A_50 = arith.constant 0 : i32
    %dma_start3A_51 = arith.constant 0 : i32
    %dma_start3A_52 = tpu.memref_slice %arg6[%dma_start3A_49, %dma_start3A_50, %dma_start3A_51] : memref<4x2x128xi32, #tpu.memory_space<vmem>> -> memref<1x2x128xi32, #tpu.memory_space<vmem>>
    %dma_start3A_53 = tpu.memref_squeeze %dma_start3A_52 : memref<1x2x128xi32, #tpu.memory_space<vmem>> -> memref<2x128xi32, #tpu.memory_space<vmem>>
    %dma_start3A_54 = arith.constant 0 : i32
    %dma_start3A_55 = arith.constant 0 : i32
    %dma_start3A_56 = tpu.memref_slice %arg3[%add3A, %dma_start3A_48, %dma_start3A_54, %dma_start3A_55] : memref<32x79x2x128xi32, #tpu.memory_space<hbm>> -> memref<1x1x2x128xi32, #tpu.memory_space<hbm>>
    %dma_start3A_57 = tpu.memref_squeeze %dma_start3A_56 : memref<1x1x2x128xi32, #tpu.memory_space<hbm>> -> memref<2x128xi32, #tpu.memory_space<hbm>>
    %dma_start3A_58 = arith.constant 0 : i32
    %dma_start3A_59 = arith.constant 0 : i32
    %dma_start3A_60 = tpu.memref_slice %arg6[%dma_start3A_49, %dma_start3A_58, %dma_start3A_59] : memref<4x2x128xi32, #tpu.memory_space<vmem>> -> memref<1x2x128xi32, #tpu.memory_space<vmem>>
    %dma_start3A_61 = tpu.memref_squeeze %dma_start3A_60 : memref<1x2x128xi32, #tpu.memory_space<vmem>> -> memref<2x128xi32, #tpu.memory_space<vmem>>
    %dma_start3A_62 = arith.constant 0 : i32
    %dma_start3A_63 = arith.constant 0 : i32
    %dma_start3A_64 = tpu.memref_slice %arg3[%add3A, %dma_start3A_48, %dma_start3A_62, %dma_start3A_63] : memref<32x79x2x128xi32, #tpu.memory_space<hbm>> -> memref<1x1x2x128xi32, #tpu.memory_space<hbm>>
    %dma_start3A_65 = tpu.memref_squeeze %dma_start3A_64 : memref<1x1x2x128xi32, #tpu.memory_space<hbm>> -> memref<2x128xi32, #tpu.memory_space<hbm>>
    tpu.enqueue_dma source(%dma_start3A_65 : memref<2x128xi32, #tpu.memory_space<hbm>>) target(%dma_start3A_61 : memref<2x128xi32, #tpu.memory_space<vmem>>) target_semaphore(%arg12 : memref<!tpu.dma_semaphore, #tpu.memory_space<semaphore_mem>>)
    %dma_start3A_66 = arith.constant 3 : i32
    %dma_start3A_67 = arith.constant 3 : i32
    %dma_start3A_68 = arith.constant 0 : i32
    %dma_start3A_69 = arith.constant 0 : i32
    %dma_start3A_70 = tpu.memref_slice %arg6[%dma_start3A_67, %dma_start3A_68, %dma_start3A_69] : memref<4x2x128xi32, #tpu.memory_space<vmem>> -> memref<1x2x128xi32, #tpu.memory_space<vmem>>
    %dma_start3A_71 = tpu.memref_squeeze %dma_start3A_70 : memref<1x2x128xi32, #tpu.memory_space<vmem>> -> memref<2x128xi32, #tpu.memory_space<vmem>>
    %dma_start3A_72 = arith.constant 0 : i32
    %dma_start3A_73 = arith.constant 0 : i32
    %dma_start3A_74 = tpu.memref_slice %arg3[%add3A, %dma_start3A_66, %dma_start3A_72, %dma_start3A_73] : memref<32x79x2x128xi32, #tpu.memory_space<hbm>> -> memref<1x1x2x128xi32, #tpu.memory_space<hbm>>
    %dma_start3A_75 = tpu.memref_squeeze %dma_start3A_74 : memref<1x1x2x128xi32, #tpu.memory_space<hbm>> -> memref<2x128xi32, #tpu.memory_space<hbm>>
    %dma_start3A_76 = arith.constant 0 : i32
    %dma_start3A_77 = arith.constant 0 : i32
    %dma_start3A_78 = tpu.memref_slice %arg6[%dma_start3A_67, %dma_start3A_76, %dma_start3A_77] : memref<4x2x128xi32, #tpu.memory_space<vmem>> -> memref<1x2x128xi32, #tpu.memory_space<vmem>>
    %dma_start3A_79 = tpu.memref_squeeze %dma_start3A_78 : memref<1x2x128xi32, #tpu.memory_space<vmem>> -> memref<2x128xi32, #tpu.memory_space<vmem>>
    %dma_start3A_80 = arith.constant 0 : i32
    %dma_start3A_81 = arith.constant 0 : i32
    %dma_start3A_82 = tpu.memref_slice %arg3[%add3A, %dma_start3A_66, %dma_start3A_80, %dma_start3A_81] : memref<32x79x2x128xi32, #tpu.memory_space<hbm>> -> memref<1x1x2x128xi32, #tpu.memory_space<hbm>>
    %dma_start3A_83 = tpu.memref_squeeze %dma_start3A_82 : memref<1x1x2x128xi32, #tpu.memory_space<hbm>> -> memref<2x128xi32, #tpu.memory_space<hbm>>
    tpu.enqueue_dma source(%dma_start3A_83 : memref<2x128xi32, #tpu.memory_space<hbm>>) target(%dma_start3A_79 : memref<2x128xi32, #tpu.memory_space<vmem>>) target_semaphore(%arg13 : memref<!tpu.dma_semaphore, #tpu.memory_space<semaphore_mem>>)
    %dma_wait3A = arith.constant 0 : i32
    %dma_wait3A_84 = arith.constant 0 : i32
    %dma_wait3A_85 = arith.constant 0 : i32
    %dma_wait3A_86 = arith.constant 0 : i32
    %dma_wait3A_87 = tpu.memref_slice %arg6[%dma_wait3A_84, %dma_wait3A_85, %dma_wait3A_86] : memref<4x2x128xi32, #tpu.memory_space<vmem>> -> memref<1x2x128xi32, #tpu.memory_space<vmem>>
    %dma_wait3A_88 = tpu.memref_squeeze %dma_wait3A_87 : memref<1x2x128xi32, #tpu.memory_space<vmem>> -> memref<2x128xi32, #tpu.memory_space<vmem>>
    %dma_wait3A_89 = arith.constant 0 : i32
    %dma_wait3A_90 = arith.constant 0 : i32
    %dma_wait3A_91 = tpu.memref_slice %arg3[%add3A, %dma_wait3A, %dma_wait3A_89, %dma_wait3A_90] : memref<32x79x2x128xi32, #tpu.memory_space<hbm>> -> memref<1x1x2x128xi32, #tpu.memory_space<hbm>>
    %dma_wait3A_92 = tpu.memref_squeeze %dma_wait3A_91 : memref<1x1x2x128xi32, #tpu.memory_space<hbm>> -> memref<2x128xi32, #tpu.memory_space<hbm>>
    %dma_wait3A_93 = arith.constant 0 : i32
    %dma_wait3A_94 = arith.constant 0 : i32
    %dma_wait3A_95 = tpu.memref_slice %arg6[%dma_wait3A_84, %dma_wait3A_93, %dma_wait3A_94] : memref<4x2x128xi32, #tpu.memory_space<vmem>> -> memref<1x2x128xi32, #tpu.memory_space<vmem>>
    %dma_wait3A_96 = tpu.memref_squeeze %dma_wait3A_95 : memref<1x2x128xi32, #tpu.memory_space<vmem>> -> memref<2x128xi32, #tpu.memory_space<vmem>>
    %dma_wait3A_97 = arith.constant 0 : i32
    %dma_wait3A_98 = arith.constant 0 : i32
    %dma_wait3A_99 = tpu.memref_slice %arg3[%add3A, %dma_wait3A, %dma_wait3A_97, %dma_wait3A_98] : memref<32x79x2x128xi32, #tpu.memory_space<hbm>> -> memref<1x1x2x128xi32, #tpu.memory_space<hbm>>
    %dma_wait3A_100 = tpu.memref_squeeze %dma_wait3A_99 : memref<1x1x2x128xi32, #tpu.memory_space<hbm>> -> memref<2x128xi32, #tpu.memory_space<hbm>>
    tpu.wait_dma2 semaphore(%arg10 : memref<!tpu.dma_semaphore, #tpu.memory_space<semaphore_mem>>) src(%dma_wait3A_100 : memref<2x128xi32, #tpu.memory_space<hbm>>) dst(%dma_wait3A_96 : memref<2x128xi32, #tpu.memory_space<vmem>>)
    %dma_start3A_101 = arith.constant 0 : i32
    %dma_start3A_102 = arith.constant 0 : i32
    %dma_start3A_103 = arith.constant 0 : i32
    %dma_start3A_104 = tpu.memref_slice %arg6[%dma_start3A_101, %dma_start3A_102, %dma_start3A_103] : memref<4x2x128xi32, #tpu.memory_space<vmem>> -> memref<1x1x128xi32, #tpu.memory_space<vmem>>
    %dma_start3A_105 = tpu.memref_squeeze %dma_start3A_104 : memref<1x1x128xi32, #tpu.memory_space<vmem>> -> memref<128xi32, #tpu.memory_space<vmem>>
    %dma_start3A_106 = arith.constant 0 : i32
    %dma_start3A_107 = arith.constant 0 : i32
    %dma_start3A_108 = tpu.memref_slice %arg2[%dma_start3A_106, %dma_start3A_107] : memref<10000x128xf32, #tpu.memory_space<hbm>> -> memref<10000x128xf32, #tpu.memory_space<hbm>>
    tpu.enqueue_indirect_dma source(%dma_start3A_108 : memref<10000x128xf32, #tpu.memory_space<hbm>>) target(%arg7 : memref<128x128xf32, #tpu.memory_space<vmem>>) offsets(%dma_start3A_105 : memref<128xi32, #tpu.memory_space<vmem>>) semaphore(%arg14 : memref<!tpu.dma_semaphore, #tpu.memory_space<semaphore_mem>>)
    %scan3A = arith.constant 0 : i32
    %scan3A_109 = arith.constant 0 : i32
    %scan3A_110 = arith.constant 19 : i32
    %scan3A_111 = arith.addi %scan3A_109, %scan3A_110 : i32
    %scan3A_112 = arith.constant 1 : i32
    scf.for %scan3A_196 = %scan3A_109 to %scan3A_111 step %scan3A_112  : i32 {
      %mul3A_197 = arith.constant 4 : i32
      %mul3A_198 = arith.muli %scan3A_196, %mul3A_197 : i32
      %add3A_199 = arith.constant 0 : i32
      %add3A_200 = arith.addi %mul3A_198, %add3A_199 : i32
      %add3A_201 = arith.constant 1 : i32
      %add3A_202 = arith.addi %add3A_200, %add3A_201 : i32
      %dma_wait3A_203 = arith.constant 1 : i32
      %dma_wait3A_204 = arith.constant 0 : i32
      %dma_wait3A_205 = arith.constant 0 : i32
      %dma_wait3A_206 = tpu.memref_slice %arg6[%dma_wait3A_203, %dma_wait3A_204, %dma_wait3A_205] : memref<4x2x128xi32, #tpu.memory_space<vmem>> -> memref<1x2x128xi32, #tpu.memory_space<vmem>>
      %dma_wait3A_207 = tpu.memref_squeeze %dma_wait3A_206 : memref<1x2x128xi32, #tpu.memory_space<vmem>> -> memref<2x128xi32, #tpu.memory_space<vmem>>
      %dma_wait3A_208 = arith.constant 0 : i32
      %dma_wait3A_209 = arith.constant 0 : i32
      %dma_wait3A_210 = tpu.memref_slice %arg3[%add3A, %add3A_202, %dma_wait3A_208, %dma_wait3A_209] : memref<32x79x2x128xi32, #tpu.memory_space<hbm>> -> memref<1x1x2x128xi32, #tpu.memory_space<hbm>>
      %dma_wait3A_211 = tpu.memref_squeeze %dma_wait3A_210 : memref<1x1x2x128xi32, #tpu.memory_space<hbm>> -> memref<2x128xi32, #tpu.memory_space<hbm>>
      %dma_wait3A_212 = arith.constant 0 : i32
      %dma_wait3A_213 = arith.constant 0 : i32
      %dma_wait3A_214 = tpu.memref_slice %arg6[%dma_wait3A_203, %dma_wait3A_212, %dma_wait3A_213] : memref<4x2x128xi32, #tpu.memory_space<vmem>> -> memref<1x2x128xi32, #tpu.memory_space<vmem>>
      %dma_wait3A_215 = tpu.memref_squeeze %dma_wait3A_214 : memref<1x2x128xi32, #tpu.memory_space<vmem>> -> memref<2x128xi32, #tpu.memory_space<vmem>>
      %dma_wait3A_216 = arith.constant 0 : i32
      %dma_wait3A_217 = arith.constant 0 : i32
      %dma_wait3A_218 = tpu.memref_slice %arg3[%add3A, %add3A_202, %dma_wait3A_216, %dma_wait3A_217] : memref<32x79x2x128xi32, #tpu.memory_space<hbm>> -> memref<1x1x2x128xi32, #tpu.memory_space<hbm>>
      %dma_wait3A_219 = tpu.memref_squeeze %dma_wait3A_218 : memref<1x1x2x128xi32, #tpu.memory_space<hbm>> -> memref<2x128xi32, #tpu.memory_space<hbm>>
      tpu.wait_dma2 semaphore(%arg11 : memref<!tpu.dma_semaphore, #tpu.memory_space<semaphore_mem>>) src(%dma_wait3A_219 : memref<2x128xi32, #tpu.memory_space<hbm>>) dst(%dma_wait3A_215 : memref<2x128xi32, #tpu.memory_space<vmem>>)
      %dma_start3A_220 = arith.constant 1 : i32
      %dma_start3A_221 = arith.constant 0 : i32
      %dma_start3A_222 = arith.constant 0 : i32
      %dma_start3A_223 = tpu.memref_slice %arg6[%dma_start3A_220, %dma_start3A_221, %dma_start3A_222] : memref<4x2x128xi32, #tpu.memory_space<vmem>> -> memref<1x1x128xi32, #tpu.memory_space<vmem>>
      %dma_start3A_224 = tpu.memref_squeeze %dma_start3A_223 : memref<1x1x128xi32, #tpu.memory_space<vmem>> -> memref<128xi32, #tpu.memory_space<vmem>>
      %dma_start3A_225 = arith.constant 0 : i32
      %dma_start3A_226 = arith.constant 0 : i32
      %dma_start3A_227 = tpu.memref_slice %arg2[%dma_start3A_225, %dma_start3A_226] : memref<10000x128xf32, #tpu.memory_space<hbm>> -> memref<10000x128xf32, #tpu.memory_space<hbm>>
      tpu.enqueue_indirect_dma source(%dma_start3A_227 : memref<10000x128xf32, #tpu.memory_space<hbm>>) target(%arg8 : memref<128x128xf32, #tpu.memory_space<vmem>>) offsets(%dma_start3A_224 : memref<128xi32, #tpu.memory_space<vmem>>) semaphore(%arg15 : memref<!tpu.dma_semaphore, #tpu.memory_space<semaphore_mem>>)
      %dma_wait3A_228 = arith.constant 0 : i32
      %dma_wait3A_229 = arith.constant 0 : i32
      %dma_wait3A_230 = arith.constant 0 : i32
      %dma_wait3A_231 = tpu.memref_slice %arg6[%dma_wait3A_228, %dma_wait3A_229, %dma_wait3A_230] : memref<4x2x128xi32, #tpu.memory_space<vmem>> -> memref<1x1x128xi32, #tpu.memory_space<vmem>>
      %dma_wait3A_232 = tpu.memref_squeeze %dma_wait3A_231 : memref<1x1x128xi32, #tpu.memory_space<vmem>> -> memref<128xi32, #tpu.memory_space<vmem>>
      %dma_wait3A_233 = arith.constant 0 : i32
      %dma_wait3A_234 = arith.constant 0 : i32
      %dma_wait3A_235 = tpu.memref_slice %arg2[%dma_wait3A_233, %dma_wait3A_234] : memref<10000x128xf32, #tpu.memory_space<hbm>> -> memref<10000x128xf32, #tpu.memory_space<hbm>>
      tpu.wait_indirect_dma semaphore(%arg14 : memref<!tpu.dma_semaphore, #tpu.memory_space<semaphore_mem>>) src(%dma_wait3A_235 : memref<10000x128xf32, #tpu.memory_space<hbm>>) dst(%arg7 : memref<128x128xf32, #tpu.memory_space<vmem>>)
      %run_scoped3A_236 = arith.constant 0 : i32
      %run_scoped3A_237 = arith.constant 1 : i32
      "tpu.region"() ({
        %run_scoped3A_360 = tpu.sem_alloc : memref<!tpu.dma_semaphore, #tpu.memory_space<semaphore_mem>>
        %dma_start3A_361 = arith.constant 0 : i32
        %dma_start3A_362 = tpu.memref_slice %arg6[%run_scoped3A_236, %run_scoped3A_237, %dma_start3A_361] : memref<4x2x128xi32, #tpu.memory_space<vmem>> -> memref<1x1x128xi32, #tpu.memory_space<vmem>>
        %dma_start3A_363 = tpu.memref_squeeze %dma_start3A_362 : memref<1x1x128xi32, #tpu.memory_space<vmem>> -> memref<128xi32, #tpu.memory_space<vmem>>
        %dma_start3A_364 = arith.constant 0 : i32
        %dma_start3A_365 = arith.constant 0 : i32
        %dma_start3A_366 = tpu.memref_slice %arg9[%dma_start3A_364, %dma_start3A_365] : memref<10112x128xf32, #tpu.memory_space<vmem_shared>> -> memref<10112x128xf32, #tpu.memory_space<vmem_shared>>
        tpu.enqueue_indirect_dma source(%arg7 : memref<128x128xf32, #tpu.memory_space<vmem>>) target(%dma_start3A_366 : memref<10112x128xf32, #tpu.memory_space<vmem_shared>>) offsets(%dma_start3A_363 : memref<128xi32, #tpu.memory_space<vmem>>) semaphore(%run_scoped3A_360 : memref<!tpu.dma_semaphore, #tpu.memory_space<semaphore_mem>>) {add = true}
        %dma_wait3A_367 = arith.constant 0 : i32
        %dma_wait3A_368 = tpu.memref_slice %arg6[%run_scoped3A_236, %run_scoped3A_237, %dma_wait3A_367] : memref<4x2x128xi32, #tpu.memory_space<vmem>> -> memref<1x1x128xi32, #tpu.memory_space<vmem>>
        %dma_wait3A_369 = tpu.memref_squeeze %dma_wait3A_368 : memref<1x1x128xi32, #tpu.memory_space<vmem>> -> memref<128xi32, #tpu.memory_space<vmem>>
        %dma_wait3A_370 = arith.constant 0 : i32
        %dma_wait3A_371 = arith.constant 0 : i32
        %dma_wait3A_372 = tpu.memref_slice %arg9[%dma_wait3A_370, %dma_wait3A_371] : memref<10112x128xf32, #tpu.memory_space<vmem_shared>> -> memref<10112x128xf32, #tpu.memory_space<vmem_shared>>
        tpu.wait_indirect_dma semaphore(%run_scoped3A_360 : memref<!tpu.dma_semaphore, #tpu.memory_space<semaphore_mem>>) src(%arg7 : memref<128x128xf32, #tpu.memory_space<vmem>>) dst(%dma_wait3A_372 : memref<10112x128xf32, #tpu.memory_space<vmem_shared>>)
        tpu.yield
      }) : () -> ()
      %add3A_238 = arith.constant 4 : i32
      %add3A_239 = arith.addi %add3A_200, %add3A_238 : i32
      %lt3A = arith.constant 79 : i32
      %lt3A_240 = arith.cmpi slt, %add3A_239, %lt3A : i32
      %convert_element_type3A = arith.extui %lt3A_240 : i1 to i32
      %cond3A = arith.constant 0 : i32
      %cond3A_241 = arith.cmpi ne, %convert_element_type3A, %cond3A : i32
      scf.if %cond3A_241 {
        %add3A_360 = arith.constant 4 : i32
        %add3A_361 = arith.addi %add3A_200, %add3A_360 : i32
        %dma_start3A_362 = arith.constant 0 : i32
        %dma_start3A_363 = arith.constant 0 : i32
        %dma_start3A_364 = arith.constant 0 : i32
        %dma_start3A_365 = tpu.memref_slice %arg6[%dma_start3A_362, %dma_start3A_363, %dma_start3A_364] : memref<4x2x128xi32, #tpu.memory_space<vmem>> -> memref<1x2x128xi32, #tpu.memory_space<vmem>>
        %dma_start3A_366 = tpu.memref_squeeze %dma_start3A_365 : memref<1x2x128xi32, #tpu.memory_space<vmem>> -> memref<2x128xi32, #tpu.memory_space<vmem>>
        %dma_start3A_367 = arith.constant 0 : i32
        %dma_start3A_368 = arith.constant 0 : i32
        %dma_start3A_369 = tpu.memref_slice %arg3[%add3A, %add3A_361, %dma_start3A_367, %dma_start3A_368] : memref<32x79x2x128xi32, #tpu.memory_space<hbm>> -> memref<1x1x2x128xi32, #tpu.memory_space<hbm>>
        %dma_start3A_370 = tpu.memref_squeeze %dma_start3A_369 : memref<1x1x2x128xi32, #tpu.memory_space<hbm>> -> memref<2x128xi32, #tpu.memory_space<hbm>>
        %dma_start3A_371 = arith.constant 0 : i32
        %dma_start3A_372 = arith.constant 0 : i32
        %dma_start3A_373 = tpu.memref_slice %arg6[%dma_start3A_362, %dma_start3A_371, %dma_start3A_372] : memref<4x2x128xi32, #tpu.memory_space<vmem>> -> memref<1x2x128xi32, #tpu.memory_space<vmem>>
        %dma_start3A_374 = tpu.memref_squeeze %dma_start3A_373 : memref<1x2x128xi32, #tpu.memory_space<vmem>> -> memref<2x128xi32, #tpu.memory_space<vmem>>
        %dma_start3A_375 = arith.constant 0 : i32
        %dma_start3A_376 = arith.constant 0 : i32
        %dma_start3A_377 = tpu.memref_slice %arg3[%add3A, %add3A_361, %dma_start3A_375, %dma_start3A_376] : memref<32x79x2x128xi32, #tpu.memory_space<hbm>> -> memref<1x1x2x128xi32, #tpu.memory_space<hbm>>
        %dma_start3A_378 = tpu.memref_squeeze %dma_start3A_377 : memref<1x1x2x128xi32, #tpu.memory_space<hbm>> -> memref<2x128xi32, #tpu.memory_space<hbm>>
        tpu.enqueue_dma source(%dma_start3A_378 : memref<2x128xi32, #tpu.memory_space<hbm>>) target(%dma_start3A_374 : memref<2x128xi32, #tpu.memory_space<vmem>>) target_semaphore(%arg10 : memref<!tpu.dma_semaphore, #tpu.memory_space<semaphore_mem>>)
      } else {
      }
      %add3A_242 = arith.constant 1 : i32
      %add3A_243 = arith.addi %mul3A_198, %add3A_242 : i32
      %add3A_244 = arith.constant 1 : i32
      %add3A_245 = arith.addi %add3A_243, %add3A_244 : i32
      %dma_wait3A_246 = arith.constant 2 : i32
      %dma_wait3A_247 = arith.constant 0 : i32
      %dma_wait3A_248 = arith.constant 0 : i32
      %dma_wait3A_249 = tpu.memref_slice %arg6[%dma_wait3A_246, %dma_wait3A_247, %dma_wait3A_248] : memref<4x2x128xi32, #tpu.memory_space<vmem>> -> memref<1x2x128xi32, #tpu.memory_space<vmem>>
      %dma_wait3A_250 = tpu.memref_squeeze %dma_wait3A_249 : memref<1x2x128xi32, #tpu.memory_space<vmem>> -> memref<2x128xi32, #tpu.memory_space<vmem>>
      %dma_wait3A_251 = arith.constant 0 : i32
      %dma_wait3A_252 = arith.constant 0 : i32
      %dma_wait3A_253 = tpu.memref_slice %arg3[%add3A, %add3A_245, %dma_wait3A_251, %dma_wait3A_252] : memref<32x79x2x128xi32, #tpu.memory_space<hbm>> -> memref<1x1x2x128xi32, #tpu.memory_space<hbm>>
      %dma_wait3A_254 = tpu.memref_squeeze %dma_wait3A_253 : memref<1x1x2x128xi32, #tpu.memory_space<hbm>> -> memref<2x128xi32, #tpu.memory_space<hbm>>
      %dma_wait3A_255 = arith.constant 0 : i32
      %dma_wait3A_256 = arith.constant 0 : i32
      %dma_wait3A_257 = tpu.memref_slice %arg6[%dma_wait3A_246, %dma_wait3A_255, %dma_wait3A_256] : memref<4x2x128xi32, #tpu.memory_space<vmem>> -> memref<1x2x128xi32, #tpu.memory_space<vmem>>
      %dma_wait3A_258 = tpu.memref_squeeze %dma_wait3A_257 : memref<1x2x128xi32, #tpu.memory_space<vmem>> -> memref<2x128xi32, #tpu.memory_space<vmem>>
      %dma_wait3A_259 = arith.constant 0 : i32
      %dma_wait3A_260 = arith.constant 0 : i32
      %dma_wait3A_261 = tpu.memref_slice %arg3[%add3A, %add3A_245, %dma_wait3A_259, %dma_wait3A_260] : memref<32x79x2x128xi32, #tpu.memory_space<hbm>> -> memref<1x1x2x128xi32, #tpu.memory_space<hbm>>
      %dma_wait3A_262 = tpu.memref_squeeze %dma_wait3A_261 : memref<1x1x2x128xi32, #tpu.memory_space<hbm>> -> memref<2x128xi32, #tpu.memory_space<hbm>>
      tpu.wait_dma2 semaphore(%arg12 : memref<!tpu.dma_semaphore, #tpu.memory_space<semaphore_mem>>) src(%dma_wait3A_262 : memref<2x128xi32, #tpu.memory_space<hbm>>) dst(%dma_wait3A_258 : memref<2x128xi32, #tpu.memory_space<vmem>>)
      %dma_start3A_263 = arith.constant 2 : i32
      %dma_start3A_264 = arith.constant 0 : i32
      %dma_start3A_265 = arith.constant 0 : i32
      %dma_start3A_266 = tpu.memref_slice %arg6[%dma_start3A_263, %dma_start3A_264, %dma_start3A_265] : memref<4x2x128xi32, #tpu.memory_space<vmem>> -> memref<1x1x128xi32, #tpu.memory_space<vmem>>
      %dma_start3A_267 = tpu.memref_squeeze %dma_start3A_266 : memref<1x1x128xi32, #tpu.memory_space<vmem>> -> memref<128xi32, #tpu.memory_space<vmem>>
      %dma_start3A_268 = arith.constant 0 : i32
      %dma_start3A_269 = arith.constant 0 : i32
      %dma_start3A_270 = tpu.memref_slice %arg2[%dma_start3A_268, %dma_start3A_269] : memref<10000x128xf32, #tpu.memory_space<hbm>> -> memref<10000x128xf32, #tpu.memory_space<hbm>>
      tpu.enqueue_indirect_dma source(%dma_start3A_270 : memref<10000x128xf32, #tpu.memory_space<hbm>>) target(%arg7 : memref<128x128xf32, #tpu.memory_space<vmem>>) offsets(%dma_start3A_267 : memref<128xi32, #tpu.memory_space<vmem>>) semaphore(%arg14 : memref<!tpu.dma_semaphore, #tpu.memory_space<semaphore_mem>>)
      %dma_wait3A_271 = arith.constant 1 : i32
      %dma_wait3A_272 = arith.constant 0 : i32
      %dma_wait3A_273 = arith.constant 0 : i32
      %dma_wait3A_274 = tpu.memref_slice %arg6[%dma_wait3A_271, %dma_wait3A_272, %dma_wait3A_273] : memref<4x2x128xi32, #tpu.memory_space<vmem>> -> memref<1x1x128xi32, #tpu.memory_space<vmem>>
      %dma_wait3A_275 = tpu.memref_squeeze %dma_wait3A_274 : memref<1x1x128xi32, #tpu.memory_space<vmem>> -> memref<128xi32, #tpu.memory_space<vmem>>
      %dma_wait3A_276 = arith.constant 0 : i32
      %dma_wait3A_277 = arith.constant 0 : i32
      %dma_wait3A_278 = tpu.memref_slice %arg2[%dma_wait3A_276, %dma_wait3A_277] : memref<10000x128xf32, #tpu.memory_space<hbm>> -> memref<10000x128xf32, #tpu.memory_space<hbm>>
      tpu.wait_indirect_dma semaphore(%arg15 : memref<!tpu.dma_semaphore, #tpu.memory_space<semaphore_mem>>) src(%dma_wait3A_278 : memref<10000x128xf32, #tpu.memory_space<hbm>>) dst(%arg8 : memref<128x128xf32, #tpu.memory_space<vmem>>)
      %run_scoped3A_279 = arith.constant 1 : i32
      %run_scoped3A_280 = arith.constant 1 : i32
      "tpu.region"() ({
        %run_scoped3A_360 = tpu.sem_alloc : memref<!tpu.dma_semaphore, #tpu.memory_space<semaphore_mem>>
        %dma_start3A_361 = arith.constant 0 : i32
        %dma_start3A_362 = tpu.memref_slice %arg6[%run_scoped3A_279, %run_scoped3A_280, %dma_start3A_361] : memref<4x2x128xi32, #tpu.memory_space<vmem>> -> memref<1x1x128xi32, #tpu.memory_space<vmem>>
        %dma_start3A_363 = tpu.memref_squeeze %dma_start3A_362 : memref<1x1x128xi32, #tpu.memory_space<vmem>> -> memref<128xi32, #tpu.memory_space<vmem>>
        %dma_start3A_364 = arith.constant 0 : i32
        %dma_start3A_365 = arith.constant 0 : i32
        %dma_start3A_366 = tpu.memref_slice %arg9[%dma_start3A_364, %dma_start3A_365] : memref<10112x128xf32, #tpu.memory_space<vmem_shared>> -> memref<10112x128xf32, #tpu.memory_space<vmem_shared>>
        tpu.enqueue_indirect_dma source(%arg8 : memref<128x128xf32, #tpu.memory_space<vmem>>) target(%dma_start3A_366 : memref<10112x128xf32, #tpu.memory_space<vmem_shared>>) offsets(%dma_start3A_363 : memref<128xi32, #tpu.memory_space<vmem>>) semaphore(%run_scoped3A_360 : memref<!tpu.dma_semaphore, #tpu.memory_space<semaphore_mem>>) {add = true}
        %dma_wait3A_367 = arith.constant 0 : i32
        %dma_wait3A_368 = tpu.memref_slice %arg6[%run_scoped3A_279, %run_scoped3A_280, %dma_wait3A_367] : memref<4x2x128xi32, #tpu.memory_space<vmem>> -> memref<1x1x128xi32, #tpu.memory_space<vmem>>
        %dma_wait3A_369 = tpu.memref_squeeze %dma_wait3A_368 : memref<1x1x128xi32, #tpu.memory_space<vmem>> -> memref<128xi32, #tpu.memory_space<vmem>>
        %dma_wait3A_370 = arith.constant 0 : i32
        %dma_wait3A_371 = arith.constant 0 : i32
        %dma_wait3A_372 = tpu.memref_slice %arg9[%dma_wait3A_370, %dma_wait3A_371] : memref<10112x128xf32, #tpu.memory_space<vmem_shared>> -> memref<10112x128xf32, #tpu.memory_space<vmem_shared>>
        tpu.wait_indirect_dma semaphore(%run_scoped3A_360 : memref<!tpu.dma_semaphore, #tpu.memory_space<semaphore_mem>>) src(%arg8 : memref<128x128xf32, #tpu.memory_space<vmem>>) dst(%dma_wait3A_372 : memref<10112x128xf32, #tpu.memory_space<vmem_shared>>)
        tpu.yield
      }) : () -> ()
      %add3A_281 = arith.constant 4 : i32
      %add3A_282 = arith.addi %add3A_243, %add3A_281 : i32
      %lt3A_283 = arith.constant 79 : i32
      %lt3A_284 = arith.cmpi slt, %add3A_282, %lt3A_283 : i32
      %convert_element_type3A_285 = arith.extui %lt3A_284 : i1 to i32
      %cond3A_286 = arith.constant 0 : i32
      %cond3A_287 = arith.cmpi ne, %convert_element_type3A_285, %cond3A_286 : i32
      scf.if %cond3A_287 {
        %add3A_360 = arith.constant 4 : i32
        %add3A_361 = arith.addi %add3A_243, %add3A_360 : i32
        %dma_start3A_362 = arith.constant 1 : i32
        %dma_start3A_363 = arith.constant 0 : i32
        %dma_start3A_364 = arith.constant 0 : i32
        %dma_start3A_365 = tpu.memref_slice %arg6[%dma_start3A_362, %dma_start3A_363, %dma_start3A_364] : memref<4x2x128xi32, #tpu.memory_space<vmem>> -> memref<1x2x128xi32, #tpu.memory_space<vmem>>
        %dma_start3A_366 = tpu.memref_squeeze %dma_start3A_365 : memref<1x2x128xi32, #tpu.memory_space<vmem>> -> memref<2x128xi32, #tpu.memory_space<vmem>>
        %dma_start3A_367 = arith.constant 0 : i32
        %dma_start3A_368 = arith.constant 0 : i32
        %dma_start3A_369 = tpu.memref_slice %arg3[%add3A, %add3A_361, %dma_start3A_367, %dma_start3A_368] : memref<32x79x2x128xi32, #tpu.memory_space<hbm>> -> memref<1x1x2x128xi32, #tpu.memory_space<hbm>>
        %dma_start3A_370 = tpu.memref_squeeze %dma_start3A_369 : memref<1x1x2x128xi32, #tpu.memory_space<hbm>> -> memref<2x128xi32, #tpu.memory_space<hbm>>
        %dma_start3A_371 = arith.constant 0 : i32
        %dma_start3A_372 = arith.constant 0 : i32
        %dma_start3A_373 = tpu.memref_slice %arg6[%dma_start3A_362, %dma_start3A_371, %dma_start3A_372] : memref<4x2x128xi32, #tpu.memory_space<vmem>> -> memref<1x2x128xi32, #tpu.memory_space<vmem>>
        %dma_start3A_374 = tpu.memref_squeeze %dma_start3A_373 : memref<1x2x128xi32, #tpu.memory_space<vmem>> -> memref<2x128xi32, #tpu.memory_space<vmem>>
        %dma_start3A_375 = arith.constant 0 : i32
        %dma_start3A_376 = arith.constant 0 : i32
        %dma_start3A_377 = tpu.memref_slice %arg3[%add3A, %add3A_361, %dma_start3A_375, %dma_start3A_376] : memref<32x79x2x128xi32, #tpu.memory_space<hbm>> -> memref<1x1x2x128xi32, #tpu.memory_space<hbm>>
        %dma_start3A_378 = tpu.memref_squeeze %dma_start3A_377 : memref<1x1x2x128xi32, #tpu.memory_space<hbm>> -> memref<2x128xi32, #tpu.memory_space<hbm>>
        tpu.enqueue_dma source(%dma_start3A_378 : memref<2x128xi32, #tpu.memory_space<hbm>>) target(%dma_start3A_374 : memref<2x128xi32, #tpu.memory_space<vmem>>) target_semaphore(%arg11 : memref<!tpu.dma_semaphore, #tpu.memory_space<semaphore_mem>>)
      } else {
      }
      %add3A_288 = arith.constant 2 : i32
      %add3A_289 = arith.addi %mul3A_198, %add3A_288 : i32
      %add3A_290 = arith.constant 1 : i32
      %add3A_291 = arith.addi %add3A_289, %add3A_290 : i32
      %dma_wait3A_292 = arith.constant 3 : i32
      %dma_wait3A_293 = arith.constant 0 : i32
      %dma_wait3A_294 = arith.constant 0 : i32
      %dma_wait3A_295 = tpu.memref_slice %arg6[%dma_wait3A_292, %dma_wait3A_293, %dma_wait3A_294] : memref<4x2x128xi32, #tpu.memory_space<vmem>> -> memref<1x2x128xi32, #tpu.memory_space<vmem>>
      %dma_wait3A_296 = tpu.memref_squeeze %dma_wait3A_295 : memref<1x2x128xi32, #tpu.memory_space<vmem>> -> memref<2x128xi32, #tpu.memory_space<vmem>>
      %dma_wait3A_297 = arith.constant 0 : i32
      %dma_wait3A_298 = arith.constant 0 : i32
      %dma_wait3A_299 = tpu.memref_slice %arg3[%add3A, %add3A_291, %dma_wait3A_297, %dma_wait3A_298] : memref<32x79x2x128xi32, #tpu.memory_space<hbm>> -> memref<1x1x2x128xi32, #tpu.memory_space<hbm>>
      %dma_wait3A_300 = tpu.memref_squeeze %dma_wait3A_299 : memref<1x1x2x128xi32, #tpu.memory_space<hbm>> -> memref<2x128xi32, #tpu.memory_space<hbm>>
      %dma_wait3A_301 = arith.constant 0 : i32
      %dma_wait3A_302 = arith.constant 0 : i32
      %dma_wait3A_303 = tpu.memref_slice %arg6[%dma_wait3A_292, %dma_wait3A_301, %dma_wait3A_302] : memref<4x2x128xi32, #tpu.memory_space<vmem>> -> memref<1x2x128xi32, #tpu.memory_space<vmem>>
      %dma_wait3A_304 = tpu.memref_squeeze %dma_wait3A_303 : memref<1x2x128xi32, #tpu.memory_space<vmem>> -> memref<2x128xi32, #tpu.memory_space<vmem>>
      %dma_wait3A_305 = arith.constant 0 : i32
      %dma_wait3A_306 = arith.constant 0 : i32
      %dma_wait3A_307 = tpu.memref_slice %arg3[%add3A, %add3A_291, %dma_wait3A_305, %dma_wait3A_306] : memref<32x79x2x128xi32, #tpu.memory_space<hbm>> -> memref<1x1x2x128xi32, #tpu.memory_space<hbm>>
      %dma_wait3A_308 = tpu.memref_squeeze %dma_wait3A_307 : memref<1x1x2x128xi32, #tpu.memory_space<hbm>> -> memref<2x128xi32, #tpu.memory_space<hbm>>
      tpu.wait_dma2 semaphore(%arg13 : memref<!tpu.dma_semaphore, #tpu.memory_space<semaphore_mem>>) src(%dma_wait3A_308 : memref<2x128xi32, #tpu.memory_space<hbm>>) dst(%dma_wait3A_304 : memref<2x128xi32, #tpu.memory_space<vmem>>)
      %dma_start3A_309 = arith.constant 3 : i32
      %dma_start3A_310 = arith.constant 0 : i32
      %dma_start3A_311 = arith.constant 0 : i32
      %dma_start3A_312 = tpu.memref_slice %arg6[%dma_start3A_309, %dma_start3A_310, %dma_start3A_311] : memref<4x2x128xi32, #tpu.memory_space<vmem>> -> memref<1x1x128xi32, #tpu.memory_space<vmem>>
      %dma_start3A_313 = tpu.memref_squeeze %dma_start3A_312 : memref<1x1x128xi32, #tpu.memory_space<vmem>> -> memref<128xi32, #tpu.memory_space<vmem>>
      %dma_start3A_314 = arith.constant 0 : i32
      %dma_start3A_315 = arith.constant 0 : i32
      %dma_start3A_316 = tpu.memref_slice %arg2[%dma_start3A_314, %dma_start3A_315] : memref<10000x128xf32, #tpu.memory_space<hbm>> -> memref<10000x128xf32, #tpu.memory_space<hbm>>
      tpu.enqueue_indirect_dma source(%dma_start3A_316 : memref<10000x128xf32, #tpu.memory_space<hbm>>) target(%arg8 : memref<128x128xf32, #tpu.memory_space<vmem>>) offsets(%dma_start3A_313 : memref<128xi32, #tpu.memory_space<vmem>>) semaphore(%arg15 : memref<!tpu.dma_semaphore, #tpu.memory_space<semaphore_mem>>)
      %dma_wait3A_317 = arith.constant 2 : i32
      %dma_wait3A_318 = arith.constant 0 : i32
      %dma_wait3A_319 = arith.constant 0 : i32
      %dma_wait3A_320 = tpu.memref_slice %arg6[%dma_wait3A_317, %dma_wait3A_318, %dma_wait3A_319] : memref<4x2x128xi32, #tpu.memory_space<vmem>> -> memref<1x1x128xi32, #tpu.memory_space<vmem>>
      %dma_wait3A_321 = tpu.memref_squeeze %dma_wait3A_320 : memref<1x1x128xi32, #tpu.memory_space<vmem>> -> memref<128xi32, #tpu.memory_space<vmem>>
      %dma_wait3A_322 = arith.constant 0 : i32
      %dma_wait3A_323 = arith.constant 0 : i32
      %dma_wait3A_324 = tpu.memref_slice %arg2[%dma_wait3A_322, %dma_wait3A_323] : memref<10000x128xf32, #tpu.memory_space<hbm>> -> memref<10000x128xf32, #tpu.memory_space<hbm>>
      tpu.wait_indirect_dma semaphore(%arg14 : memref<!tpu.dma_semaphore, #tpu.memory_space<semaphore_mem>>) src(%dma_wait3A_324 : memref<10000x128xf32, #tpu.memory_space<hbm>>) dst(%arg7 : memref<128x128xf32, #tpu.memory_space<vmem>>)
      %run_scoped3A_325 = arith.constant 2 : i32
      %run_scoped3A_326 = arith.constant 1 : i32
      "tpu.region"() ({
        %run_scoped3A_360 = tpu.sem_alloc : memref<!tpu.dma_semaphore, #tpu.memory_space<semaphore_mem>>
        %dma_start3A_361 = arith.constant 0 : i32
        %dma_start3A_362 = tpu.memref_slice %arg6[%run_scoped3A_325, %run_scoped3A_326, %dma_start3A_361] : memref<4x2x128xi32, #tpu.memory_space<vmem>> -> memref<1x1x128xi32, #tpu.memory_space<vmem>>
        %dma_start3A_363 = tpu.memref_squeeze %dma_start3A_362 : memref<1x1x128xi32, #tpu.memory_space<vmem>> -> memref<128xi32, #tpu.memory_space<vmem>>
        %dma_start3A_364 = arith.constant 0 : i32
        %dma_start3A_365 = arith.constant 0 : i32
        %dma_start3A_366 = tpu.memref_slice %arg9[%dma_start3A_364, %dma_start3A_365] : memref<10112x128xf32, #tpu.memory_space<vmem_shared>> -> memref<10112x128xf32, #tpu.memory_space<vmem_shared>>
        tpu.enqueue_indirect_dma source(%arg7 : memref<128x128xf32, #tpu.memory_space<vmem>>) target(%dma_start3A_366 : memref<10112x128xf32, #tpu.memory_space<vmem_shared>>) offsets(%dma_start3A_363 : memref<128xi32, #tpu.memory_space<vmem>>) semaphore(%run_scoped3A_360 : memref<!tpu.dma_semaphore, #tpu.memory_space<semaphore_mem>>) {add = true}
        %dma_wait3A_367 = arith.constant 0 : i32
        %dma_wait3A_368 = tpu.memref_slice %arg6[%run_scoped3A_325, %run_scoped3A_326, %dma_wait3A_367] : memref<4x2x128xi32, #tpu.memory_space<vmem>> -> memref<1x1x128xi32, #tpu.memory_space<vmem>>
        %dma_wait3A_369 = tpu.memref_squeeze %dma_wait3A_368 : memref<1x1x128xi32, #tpu.memory_space<vmem>> -> memref<128xi32, #tpu.memory_space<vmem>>
        %dma_wait3A_370 = arith.constant 0 : i32
        %dma_wait3A_371 = arith.constant 0 : i32
        %dma_wait3A_372 = tpu.memref_slice %arg9[%dma_wait3A_370, %dma_wait3A_371] : memref<10112x128xf32, #tpu.memory_space<vmem_shared>> -> memref<10112x128xf32, #tpu.memory_space<vmem_shared>>
        tpu.wait_indirect_dma semaphore(%run_scoped3A_360 : memref<!tpu.dma_semaphore, #tpu.memory_space<semaphore_mem>>) src(%arg7 : memref<128x128xf32, #tpu.memory_space<vmem>>) dst(%dma_wait3A_372 : memref<10112x128xf32, #tpu.memory_space<vmem_shared>>)
        tpu.yield
      }) : () -> ()
      %add3A_327 = arith.constant 4 : i32
      %add3A_328 = arith.addi %add3A_289, %add3A_327 : i32
      %lt3A_329 = arith.constant 79 : i32
      %lt3A_330 = arith.cmpi slt, %add3A_328, %lt3A_329 : i32
      %convert_element_type3A_331 = arith.extui %lt3A_330 : i1 to i32
      %cond3A_332 = arith.constant 0 : i32
      %cond3A_333 = arith.cmpi ne, %convert_element_type3A_331, %cond3A_332 : i32
      scf.if %cond3A_333 {
        %add3A_360 = arith.constant 4 : i32
        %add3A_361 = arith.addi %add3A_289, %add3A_360 : i32
        %dma_start3A_362 = arith.constant 2 : i32
        %dma_start3A_363 = arith.constant 0 : i32
        %dma_start3A_364 = arith.constant 0 : i32
        %dma_start3A_365 = tpu.memref_slice %arg6[%dma_start3A_362, %dma_start3A_363, %dma_start3A_364] : memref<4x2x128xi32, #tpu.memory_space<vmem>> -> memref<1x2x128xi32, #tpu.memory_space<vmem>>
        %dma_start3A_366 = tpu.memref_squeeze %dma_start3A_365 : memref<1x2x128xi32, #tpu.memory_space<vmem>> -> memref<2x128xi32, #tpu.memory_space<vmem>>
        %dma_start3A_367 = arith.constant 0 : i32
        %dma_start3A_368 = arith.constant 0 : i32
        %dma_start3A_369 = tpu.memref_slice %arg3[%add3A, %add3A_361, %dma_start3A_367, %dma_start3A_368] : memref<32x79x2x128xi32, #tpu.memory_space<hbm>> -> memref<1x1x2x128xi32, #tpu.memory_space<hbm>>
        %dma_start3A_370 = tpu.memref_squeeze %dma_start3A_369 : memref<1x1x2x128xi32, #tpu.memory_space<hbm>> -> memref<2x128xi32, #tpu.memory_space<hbm>>
        %dma_start3A_371 = arith.constant 0 : i32
        %dma_start3A_372 = arith.constant 0 : i32
        %dma_start3A_373 = tpu.memref_slice %arg6[%dma_start3A_362, %dma_start3A_371, %dma_start3A_372] : memref<4x2x128xi32, #tpu.memory_space<vmem>> -> memref<1x2x128xi32, #tpu.memory_space<vmem>>
        %dma_start3A_374 = tpu.memref_squeeze %dma_start3A_373 : memref<1x2x128xi32, #tpu.memory_space<vmem>> -> memref<2x128xi32, #tpu.memory_space<vmem>>
        %dma_start3A_375 = arith.constant 0 : i32
        %dma_start3A_376 = arith.constant 0 : i32
        %dma_start3A_377 = tpu.memref_slice %arg3[%add3A, %add3A_361, %dma_start3A_375, %dma_start3A_376] : memref<32x79x2x128xi32, #tpu.memory_space<hbm>> -> memref<1x1x2x128xi32, #tpu.memory_space<hbm>>
        %dma_start3A_378 = tpu.memref_squeeze %dma_start3A_377 : memref<1x1x2x128xi32, #tpu.memory_space<hbm>> -> memref<2x128xi32, #tpu.memory_space<hbm>>
        tpu.enqueue_dma source(%dma_start3A_378 : memref<2x128xi32, #tpu.memory_space<hbm>>) target(%dma_start3A_374 : memref<2x128xi32, #tpu.memory_space<vmem>>) target_semaphore(%arg12 : memref<!tpu.dma_semaphore, #tpu.memory_space<semaphore_mem>>)
      } else {
      }
      %add3A_334 = arith.constant 3 : i32
      %add3A_335 = arith.addi %mul3A_198, %add3A_334 : i32
      %add3A_336 = arith.constant 1 : i32
      %add3A_337 = arith.addi %add3A_335, %add3A_336 : i32
      %lt3A_338 = arith.constant 79 : i32
      %lt3A_339 = arith.cmpi slt, %add3A_337, %lt3A_338 : i32
      %convert_element_type3A_340 = arith.extui %lt3A_339 : i1 to i32
      %cond3A_341 = arith.constant 0 : i32
      %cond3A_342 = arith.cmpi ne, %convert_element_type3A_340, %cond3A_341 : i32
      scf.if %cond3A_342 {
        %add3A_360 = arith.constant 1 : i32
        %add3A_361 = arith.addi %add3A_335, %add3A_360 : i32
        %dma_wait3A_362 = arith.constant 0 : i32
        %dma_wait3A_363 = arith.constant 0 : i32
        %dma_wait3A_364 = arith.constant 0 : i32
        %dma_wait3A_365 = tpu.memref_slice %arg6[%dma_wait3A_362, %dma_wait3A_363, %dma_wait3A_364] : memref<4x2x128xi32, #tpu.memory_space<vmem>> -> memref<1x2x128xi32, #tpu.memory_space<vmem>>
        %dma_wait3A_366 = tpu.memref_squeeze %dma_wait3A_365 : memref<1x2x128xi32, #tpu.memory_space<vmem>> -> memref<2x128xi32, #tpu.memory_space<vmem>>
        %dma_wait3A_367 = arith.constant 0 : i32
        %dma_wait3A_368 = arith.constant 0 : i32
        %dma_wait3A_369 = tpu.memref_slice %arg3[%add3A, %add3A_361, %dma_wait3A_367, %dma_wait3A_368] : memref<32x79x2x128xi32, #tpu.memory_space<hbm>> -> memref<1x1x2x128xi32, #tpu.memory_space<hbm>>
        %dma_wait3A_370 = tpu.memref_squeeze %dma_wait3A_369 : memref<1x1x2x128xi32, #tpu.memory_space<hbm>> -> memref<2x128xi32, #tpu.memory_space<hbm>>
        %dma_wait3A_371 = arith.constant 0 : i32
        %dma_wait3A_372 = arith.constant 0 : i32
        %dma_wait3A_373 = tpu.memref_slice %arg6[%dma_wait3A_362, %dma_wait3A_371, %dma_wait3A_372] : memref<4x2x128xi32, #tpu.memory_space<vmem>> -> memref<1x2x128xi32, #tpu.memory_space<vmem>>
        %dma_wait3A_374 = tpu.memref_squeeze %dma_wait3A_373 : memref<1x2x128xi32, #tpu.memory_space<vmem>> -> memref<2x128xi32, #tpu.memory_space<vmem>>
        %dma_wait3A_375 = arith.constant 0 : i32
        %dma_wait3A_376 = arith.constant 0 : i32
        %dma_wait3A_377 = tpu.memref_slice %arg3[%add3A, %add3A_361, %dma_wait3A_375, %dma_wait3A_376] : memref<32x79x2x128xi32, #tpu.memory_space<hbm>> -> memref<1x1x2x128xi32, #tpu.memory_space<hbm>>
        %dma_wait3A_378 = tpu.memref_squeeze %dma_wait3A_377 : memref<1x1x2x128xi32, #tpu.memory_space<hbm>> -> memref<2x128xi32, #tpu.memory_space<hbm>>
        tpu.wait_dma2 semaphore(%arg10 : memref<!tpu.dma_semaphore, #tpu.memory_space<semaphore_mem>>) src(%dma_wait3A_378 : memref<2x128xi32, #tpu.memory_space<hbm>>) dst(%dma_wait3A_374 : memref<2x128xi32, #tpu.memory_space<vmem>>)
        %dma_start3A_379 = arith.constant 0 : i32
        %dma_start3A_380 = arith.constant 0 : i32
        %dma_start3A_381 = arith.constant 0 : i32
        %dma_start3A_382 = tpu.memref_slice %arg6[%dma_start3A_379, %dma_start3A_380, %dma_start3A_381] : memref<4x2x128xi32, #tpu.memory_space<vmem>> -> memref<1x1x128xi32, #tpu.memory_space<vmem>>
        %dma_start3A_383 = tpu.memref_squeeze %dma_start3A_382 : memref<1x1x128xi32, #tpu.memory_space<vmem>> -> memref<128xi32, #tpu.memory_space<vmem>>
        %dma_start3A_384 = arith.constant 0 : i32
        %dma_start3A_385 = arith.constant 0 : i32
        %dma_start3A_386 = tpu.memref_slice %arg2[%dma_start3A_384, %dma_start3A_385] : memref<10000x128xf32, #tpu.memory_space<hbm>> -> memref<10000x128xf32, #tpu.memory_space<hbm>>
        tpu.enqueue_indirect_dma source(%dma_start3A_386 : memref<10000x128xf32, #tpu.memory_space<hbm>>) target(%arg7 : memref<128x128xf32, #tpu.memory_space<vmem>>) offsets(%dma_start3A_383 : memref<128xi32, #tpu.memory_space<vmem>>) semaphore(%arg14 : memref<!tpu.dma_semaphore, #tpu.memory_space<semaphore_mem>>)
      } else {
      }
      %dma_wait3A_343 = arith.constant 3 : i32
      %dma_wait3A_344 = arith.constant 0 : i32
      %dma_wait3A_345 = arith.constant 0 : i32
      %dma_wait3A_346 = tpu.memref_slice %arg6[%dma_wait3A_343, %dma_wait3A_344, %dma_wait3A_345] : memref<4x2x128xi32, #tpu.memory_space<vmem>> -> memref<1x1x128xi32, #tpu.memory_space<vmem>>
      %dma_wait3A_347 = tpu.memref_squeeze %dma_wait3A_346 : memref<1x1x128xi32, #tpu.memory_space<vmem>> -> memref<128xi32, #tpu.memory_space<vmem>>
      %dma_wait3A_348 = arith.constant 0 : i32
      %dma_wait3A_349 = arith.constant 0 : i32
      %dma_wait3A_350 = tpu.memref_slice %arg2[%dma_wait3A_348, %dma_wait3A_349] : memref<10000x128xf32, #tpu.memory_space<hbm>> -> memref<10000x128xf32, #tpu.memory_space<hbm>>
      tpu.wait_indirect_dma semaphore(%arg15 : memref<!tpu.dma_semaphore, #tpu.memory_space<semaphore_mem>>) src(%dma_wait3A_350 : memref<10000x128xf32, #tpu.memory_space<hbm>>) dst(%arg8 : memref<128x128xf32, #tpu.memory_space<vmem>>)
      %run_scoped3A_351 = arith.constant 3 : i32
      %run_scoped3A_352 = arith.constant 1 : i32
      "tpu.region"() ({
        %run_scoped3A_360 = tpu.sem_alloc : memref<!tpu.dma_semaphore, #tpu.memory_space<semaphore_mem>>
        %dma_start3A_361 = arith.constant 0 : i32
        %dma_start3A_362 = tpu.memref_slice %arg6[%run_scoped3A_351, %run_scoped3A_352, %dma_start3A_361] : memref<4x2x128xi32, #tpu.memory_space<vmem>> -> memref<1x1x128xi32, #tpu.memory_space<vmem>>
        %dma_start3A_363 = tpu.memref_squeeze %dma_start3A_362 : memref<1x1x128xi32, #tpu.memory_space<vmem>> -> memref<128xi32, #tpu.memory_space<vmem>>
        %dma_start3A_364 = arith.constant 0 : i32
        %dma_start3A_365 = arith.constant 0 : i32
        %dma_start3A_366 = tpu.memref_slice %arg9[%dma_start3A_364, %dma_start3A_365] : memref<10112x128xf32, #tpu.memory_space<vmem_shared>> -> memref<10112x128xf32, #tpu.memory_space<vmem_shared>>
        tpu.enqueue_indirect_dma source(%arg8 : memref<128x128xf32, #tpu.memory_space<vmem>>) target(%dma_start3A_366 : memref<10112x128xf32, #tpu.memory_space<vmem_shared>>) offsets(%dma_start3A_363 : memref<128xi32, #tpu.memory_space<vmem>>) semaphore(%run_scoped3A_360 : memref<!tpu.dma_semaphore, #tpu.memory_space<semaphore_mem>>) {add = true}
        %dma_wait3A_367 = arith.constant 0 : i32
        %dma_wait3A_368 = tpu.memref_slice %arg6[%run_scoped3A_351, %run_scoped3A_352, %dma_wait3A_367] : memref<4x2x128xi32, #tpu.memory_space<vmem>> -> memref<1x1x128xi32, #tpu.memory_space<vmem>>
        %dma_wait3A_369 = tpu.memref_squeeze %dma_wait3A_368 : memref<1x1x128xi32, #tpu.memory_space<vmem>> -> memref<128xi32, #tpu.memory_space<vmem>>
        %dma_wait3A_370 = arith.constant 0 : i32
        %dma_wait3A_371 = arith.constant 0 : i32
        %dma_wait3A_372 = tpu.memref_slice %arg9[%dma_wait3A_370, %dma_wait3A_371] : memref<10112x128xf32, #tpu.memory_space<vmem_shared>> -> memref<10112x128xf32, #tpu.memory_space<vmem_shared>>
        tpu.wait_indirect_dma semaphore(%run_scoped3A_360 : memref<!tpu.dma_semaphore, #tpu.memory_space<semaphore_mem>>) src(%arg8 : memref<128x128xf32, #tpu.memory_space<vmem>>) dst(%dma_wait3A_372 : memref<10112x128xf32, #tpu.memory_space<vmem_shared>>)
        tpu.yield
      }) : () -> ()
      %add3A_353 = arith.constant 4 : i32
      %add3A_354 = arith.addi %add3A_335, %add3A_353 : i32
      %lt3A_355 = arith.constant 79 : i32
      %lt3A_356 = arith.cmpi slt, %add3A_354, %lt3A_355 : i32
      %convert_element_type3A_357 = arith.extui %lt3A_356 : i1 to i32
      %cond3A_358 = arith.constant 0 : i32
      %cond3A_359 = arith.cmpi ne, %convert_element_type3A_357, %cond3A_358 : i32
      scf.if %cond3A_359 {
        %add3A_360 = arith.constant 4 : i32
        %add3A_361 = arith.addi %add3A_335, %add3A_360 : i32
        %dma_start3A_362 = arith.constant 3 : i32
        %dma_start3A_363 = arith.constant 0 : i32
        %dma_start3A_364 = arith.constant 0 : i32
        %dma_start3A_365 = tpu.memref_slice %arg6[%dma_start3A_362, %dma_start3A_363, %dma_start3A_364] : memref<4x2x128xi32, #tpu.memory_space<vmem>> -> memref<1x2x128xi32, #tpu.memory_space<vmem>>
        %dma_start3A_366 = tpu.memref_squeeze %dma_start3A_365 : memref<1x2x128xi32, #tpu.memory_space<vmem>> -> memref<2x128xi32, #tpu.memory_space<vmem>>
        %dma_start3A_367 = arith.constant 0 : i32
        %dma_start3A_368 = arith.constant 0 : i32
        %dma_start3A_369 = tpu.memref_slice %arg3[%add3A, %add3A_361, %dma_start3A_367, %dma_start3A_368] : memref<32x79x2x128xi32, #tpu.memory_space<hbm>> -> memref<1x1x2x128xi32, #tpu.memory_space<hbm>>
        %dma_start3A_370 = tpu.memref_squeeze %dma_start3A_369 : memref<1x1x2x128xi32, #tpu.memory_space<hbm>> -> memref<2x128xi32, #tpu.memory_space<hbm>>
        %dma_start3A_371 = arith.constant 0 : i32
        %dma_start3A_372 = arith.constant 0 : i32
        %dma_start3A_373 = tpu.memref_slice %arg6[%dma_start3A_362, %dma_start3A_371, %dma_start3A_372] : memref<4x2x128xi32, #tpu.memory_space<vmem>> -> memref<1x2x128xi32, #tpu.memory_space<vmem>>
        %dma_start3A_374 = tpu.memref_squeeze %dma_start3A_373 : memref<1x2x128xi32, #tpu.memory_space<vmem>> -> memref<2x128xi32, #tpu.memory_space<vmem>>
        %dma_start3A_375 = arith.constant 0 : i32
        %dma_start3A_376 = arith.constant 0 : i32
        %dma_start3A_377 = tpu.memref_slice %arg3[%add3A, %add3A_361, %dma_start3A_375, %dma_start3A_376] : memref<32x79x2x128xi32, #tpu.memory_space<hbm>> -> memref<1x1x2x128xi32, #tpu.memory_space<hbm>>
        %dma_start3A_378 = tpu.memref_squeeze %dma_start3A_377 : memref<1x1x2x128xi32, #tpu.memory_space<hbm>> -> memref<2x128xi32, #tpu.memory_space<hbm>>
        tpu.enqueue_dma source(%dma_start3A_378 : memref<2x128xi32, #tpu.memory_space<hbm>>) target(%dma_start3A_374 : memref<2x128xi32, #tpu.memory_space<vmem>>) target_semaphore(%arg13 : memref<!tpu.dma_semaphore, #tpu.memory_space<semaphore_mem>>)
      } else {
      }
    }
    %scan3A_113 = arith.constant 19 : i32
    %dma_wait3A_114 = arith.constant 77 : i32
    %dma_wait3A_115 = arith.constant 1 : i32
    %dma_wait3A_116 = arith.constant 0 : i32
    %dma_wait3A_117 = arith.constant 0 : i32
    %dma_wait3A_118 = tpu.memref_slice %arg6[%dma_wait3A_115, %dma_wait3A_116, %dma_wait3A_117] : memref<4x2x128xi32, #tpu.memory_space<vmem>> -> memref<1x2x128xi32, #tpu.memory_space<vmem>>
    %dma_wait3A_119 = tpu.memref_squeeze %dma_wait3A_118 : memref<1x2x128xi32, #tpu.memory_space<vmem>> -> memref<2x128xi32, #tpu.memory_space<vmem>>
    %dma_wait3A_120 = arith.constant 0 : i32
    %dma_wait3A_121 = arith.constant 0 : i32
    %dma_wait3A_122 = tpu.memref_slice %arg3[%add3A, %dma_wait3A_114, %dma_wait3A_120, %dma_wait3A_121] : memref<32x79x2x128xi32, #tpu.memory_space<hbm>> -> memref<1x1x2x128xi32, #tpu.memory_space<hbm>>
    %dma_wait3A_123 = tpu.memref_squeeze %dma_wait3A_122 : memref<1x1x2x128xi32, #tpu.memory_space<hbm>> -> memref<2x128xi32, #tpu.memory_space<hbm>>
    %dma_wait3A_124 = arith.constant 0 : i32
    %dma_wait3A_125 = arith.constant 0 : i32
    %dma_wait3A_126 = tpu.memref_slice %arg6[%dma_wait3A_115, %dma_wait3A_124, %dma_wait3A_125] : memref<4x2x128xi32, #tpu.memory_space<vmem>> -> memref<1x2x128xi32, #tpu.memory_space<vmem>>
    %dma_wait3A_127 = tpu.memref_squeeze %dma_wait3A_126 : memref<1x2x128xi32, #tpu.memory_space<vmem>> -> memref<2x128xi32, #tpu.memory_space<vmem>>
    %dma_wait3A_128 = arith.constant 0 : i32
    %dma_wait3A_129 = arith.constant 0 : i32
    %dma_wait3A_130 = tpu.memref_slice %arg3[%add3A, %dma_wait3A_114, %dma_wait3A_128, %dma_wait3A_129] : memref<32x79x2x128xi32, #tpu.memory_space<hbm>> -> memref<1x1x2x128xi32, #tpu.memory_space<hbm>>
    %dma_wait3A_131 = tpu.memref_squeeze %dma_wait3A_130 : memref<1x1x2x128xi32, #tpu.memory_space<hbm>> -> memref<2x128xi32, #tpu.memory_space<hbm>>
    tpu.wait_dma2 semaphore(%arg11 : memref<!tpu.dma_semaphore, #tpu.memory_space<semaphore_mem>>) src(%dma_wait3A_131 : memref<2x128xi32, #tpu.memory_space<hbm>>) dst(%dma_wait3A_127 : memref<2x128xi32, #tpu.memory_space<vmem>>)
    %dma_start3A_132 = arith.constant 1 : i32
    %dma_start3A_133 = arith.constant 0 : i32
    %dma_start3A_134 = arith.constant 0 : i32
    %dma_start3A_135 = tpu.memref_slice %arg6[%dma_start3A_132, %dma_start3A_133, %dma_start3A_134] : memref<4x2x128xi32, #tpu.memory_space<vmem>> -> memref<1x1x128xi32, #tpu.memory_space<vmem>>
    %dma_start3A_136 = tpu.memref_squeeze %dma_start3A_135 : memref<1x1x128xi32, #tpu.memory_space<vmem>> -> memref<128xi32, #tpu.memory_space<vmem>>
    %dma_start3A_137 = arith.constant 0 : i32
    %dma_start3A_138 = arith.constant 0 : i32
    %dma_start3A_139 = tpu.memref_slice %arg2[%dma_start3A_137, %dma_start3A_138] : memref<10000x128xf32, #tpu.memory_space<hbm>> -> memref<10000x128xf32, #tpu.memory_space<hbm>>
    tpu.enqueue_indirect_dma source(%dma_start3A_139 : memref<10000x128xf32, #tpu.memory_space<hbm>>) target(%arg8 : memref<128x128xf32, #tpu.memory_space<vmem>>) offsets(%dma_start3A_136 : memref<128xi32, #tpu.memory_space<vmem>>) semaphore(%arg15 : memref<!tpu.dma_semaphore, #tpu.memory_space<semaphore_mem>>)
    %dma_wait3A_140 = arith.constant 0 : i32
    %dma_wait3A_141 = arith.constant 0 : i32
    %dma_wait3A_142 = arith.constant 0 : i32
    %dma_wait3A_143 = tpu.memref_slice %arg6[%dma_wait3A_140, %dma_wait3A_141, %dma_wait3A_142] : memref<4x2x128xi32, #tpu.memory_space<vmem>> -> memref<1x1x128xi32, #tpu.memory_space<vmem>>
    %dma_wait3A_144 = tpu.memref_squeeze %dma_wait3A_143 : memref<1x1x128xi32, #tpu.memory_space<vmem>> -> memref<128xi32, #tpu.memory_space<vmem>>
    %dma_wait3A_145 = arith.constant 0 : i32
    %dma_wait3A_146 = arith.constant 0 : i32
    %dma_wait3A_147 = tpu.memref_slice %arg2[%dma_wait3A_145, %dma_wait3A_146] : memref<10000x128xf32, #tpu.memory_space<hbm>> -> memref<10000x128xf32, #tpu.memory_space<hbm>>
    tpu.wait_indirect_dma semaphore(%arg14 : memref<!tpu.dma_semaphore, #tpu.memory_space<semaphore_mem>>) src(%dma_wait3A_147 : memref<10000x128xf32, #tpu.memory_space<hbm>>) dst(%arg7 : memref<128x128xf32, #tpu.memory_space<vmem>>)
    %run_scoped3A = arith.constant 0 : i32
    %run_scoped3A_148 = arith.constant 1 : i32
    "tpu.region"() ({
      %run_scoped3A_196 = tpu.sem_alloc : memref<!tpu.dma_semaphore, #tpu.memory_space<semaphore_mem>>
      %dma_start3A_197 = arith.constant 0 : i32
      %dma_start3A_198 = tpu.memref_slice %arg6[%run_scoped3A, %run_scoped3A_148, %dma_start3A_197] : memref<4x2x128xi32, #tpu.memory_space<vmem>> -> memref<1x1x128xi32, #tpu.memory_space<vmem>>
      %dma_start3A_199 = tpu.memref_squeeze %dma_start3A_198 : memref<1x1x128xi32, #tpu.memory_space<vmem>> -> memref<128xi32, #tpu.memory_space<vmem>>
      %dma_start3A_200 = arith.constant 0 : i32
      %dma_start3A_201 = arith.constant 0 : i32
      %dma_start3A_202 = tpu.memref_slice %arg9[%dma_start3A_200, %dma_start3A_201] : memref<10112x128xf32, #tpu.memory_space<vmem_shared>> -> memref<10112x128xf32, #tpu.memory_space<vmem_shared>>
      tpu.enqueue_indirect_dma source(%arg7 : memref<128x128xf32, #tpu.memory_space<vmem>>) target(%dma_start3A_202 : memref<10112x128xf32, #tpu.memory_space<vmem_shared>>) offsets(%dma_start3A_199 : memref<128xi32, #tpu.memory_space<vmem>>) semaphore(%run_scoped3A_196 : memref<!tpu.dma_semaphore, #tpu.memory_space<semaphore_mem>>) {add = true}
      %dma_wait3A_203 = arith.constant 0 : i32
      %dma_wait3A_204 = tpu.memref_slice %arg6[%run_scoped3A, %run_scoped3A_148, %dma_wait3A_203] : memref<4x2x128xi32, #tpu.memory_space<vmem>> -> memref<1x1x128xi32, #tpu.memory_space<vmem>>
      %dma_wait3A_205 = tpu.memref_squeeze %dma_wait3A_204 : memref<1x1x128xi32, #tpu.memory_space<vmem>> -> memref<128xi32, #tpu.memory_space<vmem>>
      %dma_wait3A_206 = arith.constant 0 : i32
      %dma_wait3A_207 = arith.constant 0 : i32
      %dma_wait3A_208 = tpu.memref_slice %arg9[%dma_wait3A_206, %dma_wait3A_207] : memref<10112x128xf32, #tpu.memory_space<vmem_shared>> -> memref<10112x128xf32, #tpu.memory_space<vmem_shared>>
      tpu.wait_indirect_dma semaphore(%run_scoped3A_196 : memref<!tpu.dma_semaphore, #tpu.memory_space<semaphore_mem>>) src(%arg7 : memref<128x128xf32, #tpu.memory_space<vmem>>) dst(%dma_wait3A_208 : memref<10112x128xf32, #tpu.memory_space<vmem_shared>>)
      tpu.yield
    }) : () -> ()
    %dma_wait3A_149 = arith.constant 78 : i32
    %dma_wait3A_150 = arith.constant 2 : i32
    %dma_wait3A_151 = arith.constant 0 : i32
    %dma_wait3A_152 = arith.constant 0 : i32
    %dma_wait3A_153 = tpu.memref_slice %arg6[%dma_wait3A_150, %dma_wait3A_151, %dma_wait3A_152] : memref<4x2x128xi32, #tpu.memory_space<vmem>> -> memref<1x2x128xi32, #tpu.memory_space<vmem>>
    %dma_wait3A_154 = tpu.memref_squeeze %dma_wait3A_153 : memref<1x2x128xi32, #tpu.memory_space<vmem>> -> memref<2x128xi32, #tpu.memory_space<vmem>>
    %dma_wait3A_155 = arith.constant 0 : i32
    %dma_wait3A_156 = arith.constant 0 : i32
    %dma_wait3A_157 = tpu.memref_slice %arg3[%add3A, %dma_wait3A_149, %dma_wait3A_155, %dma_wait3A_156] : memref<32x79x2x128xi32, #tpu.memory_space<hbm>> -> memref<1x1x2x128xi32, #tpu.memory_space<hbm>>
    %dma_wait3A_158 = tpu.memref_squeeze %dma_wait3A_157 : memref<1x1x2x128xi32, #tpu.memory_space<hbm>> -> memref<2x128xi32, #tpu.memory_space<hbm>>
    %dma_wait3A_159 = arith.constant 0 : i32
    %dma_wait3A_160 = arith.constant 0 : i32
    %dma_wait3A_161 = tpu.memref_slice %arg6[%dma_wait3A_150, %dma_wait3A_159, %dma_wait3A_160] : memref<4x2x128xi32, #tpu.memory_space<vmem>> -> memref<1x2x128xi32, #tpu.memory_space<vmem>>
    %dma_wait3A_162 = tpu.memref_squeeze %dma_wait3A_161 : memref<1x2x128xi32, #tpu.memory_space<vmem>> -> memref<2x128xi32, #tpu.memory_space<vmem>>
    %dma_wait3A_163 = arith.constant 0 : i32
    %dma_wait3A_164 = arith.constant 0 : i32
    %dma_wait3A_165 = tpu.memref_slice %arg3[%add3A, %dma_wait3A_149, %dma_wait3A_163, %dma_wait3A_164] : memref<32x79x2x128xi32, #tpu.memory_space<hbm>> -> memref<1x1x2x128xi32, #tpu.memory_space<hbm>>
    %dma_wait3A_166 = tpu.memref_squeeze %dma_wait3A_165 : memref<1x1x2x128xi32, #tpu.memory_space<hbm>> -> memref<2x128xi32, #tpu.memory_space<hbm>>
    tpu.wait_dma2 semaphore(%arg12 : memref<!tpu.dma_semaphore, #tpu.memory_space<semaphore_mem>>) src(%dma_wait3A_166 : memref<2x128xi32, #tpu.memory_space<hbm>>) dst(%dma_wait3A_162 : memref<2x128xi32, #tpu.memory_space<vmem>>)
    %dma_start3A_167 = arith.constant 2 : i32
    %dma_start3A_168 = arith.constant 0 : i32
    %dma_start3A_169 = arith.constant 0 : i32
    %dma_start3A_170 = tpu.memref_slice %arg6[%dma_start3A_167, %dma_start3A_168, %dma_start3A_169] : memref<4x2x128xi32, #tpu.memory_space<vmem>> -> memref<1x1x128xi32, #tpu.memory_space<vmem>>
    %dma_start3A_171 = tpu.memref_squeeze %dma_start3A_170 : memref<1x1x128xi32, #tpu.memory_space<vmem>> -> memref<128xi32, #tpu.memory_space<vmem>>
    %dma_start3A_172 = arith.constant 0 : i32
    %dma_start3A_173 = arith.constant 0 : i32
    %dma_start3A_174 = tpu.memref_slice %arg2[%dma_start3A_172, %dma_start3A_173] : memref<10000x128xf32, #tpu.memory_space<hbm>> -> memref<10000x128xf32, #tpu.memory_space<hbm>>
    tpu.enqueue_indirect_dma source(%dma_start3A_174 : memref<10000x128xf32, #tpu.memory_space<hbm>>) target(%arg7 : memref<128x128xf32, #tpu.memory_space<vmem>>) offsets(%dma_start3A_171 : memref<128xi32, #tpu.memory_space<vmem>>) semaphore(%arg14 : memref<!tpu.dma_semaphore, #tpu.memory_space<semaphore_mem>>)
    %dma_wait3A_175 = arith.constant 1 : i32
    %dma_wait3A_176 = arith.constant 0 : i32
    %dma_wait3A_177 = arith.constant 0 : i32
    %dma_wait3A_178 = tpu.memref_slice %arg6[%dma_wait3A_175, %dma_wait3A_176, %dma_wait3A_177] : memref<4x2x128xi32, #tpu.memory_space<vmem>> -> memref<1x1x128xi32, #tpu.memory_space<vmem>>
    %dma_wait3A_179 = tpu.memref_squeeze %dma_wait3A_178 : memref<1x1x128xi32, #tpu.memory_space<vmem>> -> memref<128xi32, #tpu.memory_space<vmem>>
    %dma_wait3A_180 = arith.constant 0 : i32
    %dma_wait3A_181 = arith.constant 0 : i32
    %dma_wait3A_182 = tpu.memref_slice %arg2[%dma_wait3A_180, %dma_wait3A_181] : memref<10000x128xf32, #tpu.memory_space<hbm>> -> memref<10000x128xf32, #tpu.memory_space<hbm>>
    tpu.wait_indirect_dma semaphore(%arg15 : memref<!tpu.dma_semaphore, #tpu.memory_space<semaphore_mem>>) src(%dma_wait3A_182 : memref<10000x128xf32, #tpu.memory_space<hbm>>) dst(%arg8 : memref<128x128xf32, #tpu.memory_space<vmem>>)
    %run_scoped3A_183 = arith.constant 1 : i32
    %run_scoped3A_184 = arith.constant 1 : i32
    "tpu.region"() ({
      %run_scoped3A_196 = tpu.sem_alloc : memref<!tpu.dma_semaphore, #tpu.memory_space<semaphore_mem>>
      %dma_start3A_197 = arith.constant 0 : i32
      %dma_start3A_198 = tpu.memref_slice %arg6[%run_scoped3A_183, %run_scoped3A_184, %dma_start3A_197] : memref<4x2x128xi32, #tpu.memory_space<vmem>> -> memref<1x1x128xi32, #tpu.memory_space<vmem>>
      %dma_start3A_199 = tpu.memref_squeeze %dma_start3A_198 : memref<1x1x128xi32, #tpu.memory_space<vmem>> -> memref<128xi32, #tpu.memory_space<vmem>>
      %dma_start3A_200 = arith.constant 0 : i32
      %dma_start3A_201 = arith.constant 0 : i32
      %dma_start3A_202 = tpu.memref_slice %arg9[%dma_start3A_200, %dma_start3A_201] : memref<10112x128xf32, #tpu.memory_space<vmem_shared>> -> memref<10112x128xf32, #tpu.memory_space<vmem_shared>>
      tpu.enqueue_indirect_dma source(%arg8 : memref<128x128xf32, #tpu.memory_space<vmem>>) target(%dma_start3A_202 : memref<10112x128xf32, #tpu.memory_space<vmem_shared>>) offsets(%dma_start3A_199 : memref<128xi32, #tpu.memory_space<vmem>>) semaphore(%run_scoped3A_196 : memref<!tpu.dma_semaphore, #tpu.memory_space<semaphore_mem>>) {add = true}
      %dma_wait3A_203 = arith.constant 0 : i32
      %dma_wait3A_204 = tpu.memref_slice %arg6[%run_scoped3A_183, %run_scoped3A_184, %dma_wait3A_203] : memref<4x2x128xi32, #tpu.memory_space<vmem>> -> memref<1x1x128xi32, #tpu.memory_space<vmem>>
      %dma_wait3A_205 = tpu.memref_squeeze %dma_wait3A_204 : memref<1x1x128xi32, #tpu.memory_space<vmem>> -> memref<128xi32, #tpu.memory_space<vmem>>
      %dma_wait3A_206 = arith.constant 0 : i32
      %dma_wait3A_207 = arith.constant 0 : i32
      %dma_wait3A_208 = tpu.memref_slice %arg9[%dma_wait3A_206, %dma_wait3A_207] : memref<10112x128xf32, #tpu.memory_space<vmem_shared>> -> memref<10112x128xf32, #tpu.memory_space<vmem_shared>>
      tpu.wait_indirect_dma semaphore(%run_scoped3A_196 : memref<!tpu.dma_semaphore, #tpu.memory_space<semaphore_mem>>) src(%arg8 : memref<128x128xf32, #tpu.memory_space<vmem>>) dst(%dma_wait3A_208 : memref<10112x128xf32, #tpu.memory_space<vmem_shared>>)
      tpu.yield
    }) : () -> ()
    %dma_wait3A_185 = arith.constant 2 : i32
    %dma_wait3A_186 = arith.constant 0 : i32
    %dma_wait3A_187 = arith.constant 0 : i32
    %dma_wait3A_188 = tpu.memref_slice %arg6[%dma_wait3A_185, %dma_wait3A_186, %dma_wait3A_187] : memref<4x2x128xi32, #tpu.memory_space<vmem>> -> memref<1x1x128xi32, #tpu.memory_space<vmem>>
    %dma_wait3A_189 = tpu.memref_squeeze %dma_wait3A_188 : memref<1x1x128xi32, #tpu.memory_space<vmem>> -> memref<128xi32, #tpu.memory_space<vmem>>
    %dma_wait3A_190 = arith.constant 0 : i32
    %dma_wait3A_191 = arith.constant 0 : i32
    %dma_wait3A_192 = tpu.memref_slice %arg2[%dma_wait3A_190, %dma_wait3A_191] : memref<10000x128xf32, #tpu.memory_space<hbm>> -> memref<10000x128xf32, #tpu.memory_space<hbm>>
    tpu.wait_indirect_dma semaphore(%arg14 : memref<!tpu.dma_semaphore, #tpu.memory_space<semaphore_mem>>) src(%dma_wait3A_192 : memref<10000x128xf32, #tpu.memory_space<hbm>>) dst(%arg7 : memref<128x128xf32, #tpu.memory_space<vmem>>)
    %run_scoped3A_193 = arith.constant 2 : i32
    %run_scoped3A_194 = arith.constant 1 : i32
    "tpu.region"() ({
      %run_scoped3A_196 = tpu.sem_alloc : memref<!tpu.dma_semaphore, #tpu.memory_space<semaphore_mem>>
      %dma_start3A_197 = arith.constant 0 : i32
      %dma_start3A_198 = tpu.memref_slice %arg6[%run_scoped3A_193, %run_scoped3A_194, %dma_start3A_197] : memref<4x2x128xi32, #tpu.memory_space<vmem>> -> memref<1x1x128xi32, #tpu.memory_space<vmem>>
      %dma_start3A_199 = tpu.memref_squeeze %dma_start3A_198 : memref<1x1x128xi32, #tpu.memory_space<vmem>> -> memref<128xi32, #tpu.memory_space<vmem>>
      %dma_start3A_200 = arith.constant 0 : i32
      %dma_start3A_201 = arith.constant 0 : i32
      %dma_start3A_202 = tpu.memref_slice %arg9[%dma_start3A_200, %dma_start3A_201] : memref<10112x128xf32, #tpu.memory_space<vmem_shared>> -> memref<10112x128xf32, #tpu.memory_space<vmem_shared>>
      tpu.enqueue_indirect_dma source(%arg7 : memref<128x128xf32, #tpu.memory_space<vmem>>) target(%dma_start3A_202 : memref<10112x128xf32, #tpu.memory_space<vmem_shared>>) offsets(%dma_start3A_199 : memref<128xi32, #tpu.memory_space<vmem>>) semaphore(%run_scoped3A_196 : memref<!tpu.dma_semaphore, #tpu.memory_space<semaphore_mem>>) {add = true}
      %dma_wait3A_203 = arith.constant 0 : i32
      %dma_wait3A_204 = tpu.memref_slice %arg6[%run_scoped3A_193, %run_scoped3A_194, %dma_wait3A_203] : memref<4x2x128xi32, #tpu.memory_space<vmem>> -> memref<1x1x128xi32, #tpu.memory_space<vmem>>
      %dma_wait3A_205 = tpu.memref_squeeze %dma_wait3A_204 : memref<1x1x128xi32, #tpu.memory_space<vmem>> -> memref<128xi32, #tpu.memory_space<vmem>>
      %dma_wait3A_206 = arith.constant 0 : i32
      %dma_wait3A_207 = arith.constant 0 : i32
      %dma_wait3A_208 = tpu.memref_slice %arg9[%dma_wait3A_206, %dma_wait3A_207] : memref<10112x128xf32, #tpu.memory_space<vmem_shared>> -> memref<10112x128xf32, #tpu.memory_space<vmem_shared>>
      tpu.wait_indirect_dma semaphore(%run_scoped3A_196 : memref<!tpu.dma_semaphore, #tpu.memory_space<semaphore_mem>>) src(%arg7 : memref<128x128xf32, #tpu.memory_space<vmem>>) dst(%dma_wait3A_208 : memref<10112x128xf32, #tpu.memory_space<vmem_shared>>)
      tpu.yield
    }) : () -> ()
    %barrier3A_195 = arith.constant 0 : index
    tpu.barrier barrier_id(%barrier3A_195)
    "tpu.region"() ({
      %run_scoped3A_196 = tpu.sem_alloc : memref<!tpu.dma_semaphore, #tpu.memory_space<semaphore_mem>>
      %dma_start3A_197 = arith.constant 0 : i32
      %dma_start3A_198 = tpu.memref_slice %arg5[%arg0, %mul3A_2, %dma_start3A_197] : memref<2x10112x128xf32, #tpu.memory_space<hbm>> -> memref<1x632x128xf32, #tpu.memory_space<hbm>>
      %dma_start3A_199 = tpu.memref_squeeze %dma_start3A_198 : memref<1x632x128xf32, #tpu.memory_space<hbm>> -> memref<632x128xf32, #tpu.memory_space<hbm>>
      %dma_start3A_200 = arith.constant 0 : i32
      %dma_start3A_201 = tpu.memref_slice %arg9[%mul3A_2, %dma_start3A_200] : memref<10112x128xf32, #tpu.memory_space<vmem_shared>> -> memref<632x128xf32, #tpu.memory_space<vmem_shared>>
      tpu.enqueue_dma source(%dma_start3A_201 : memref<632x128xf32, #tpu.memory_space<vmem_shared>>) target(%dma_start3A_199 : memref<632x128xf32, #tpu.memory_space<hbm>>) target_semaphore(%run_scoped3A_196 : memref<!tpu.dma_semaphore, #tpu.memory_space<semaphore_mem>>)
      %dma_wait3A_202 = arith.constant 0 : i32
      %dma_wait3A_203 = tpu.memref_slice %arg5[%arg0, %mul3A_2, %dma_wait3A_202] : memref<2x10112x128xf32, #tpu.memory_space<hbm>> -> memref<1x632x128xf32, #tpu.memory_space<hbm>>
      %dma_wait3A_204 = tpu.memref_squeeze %dma_wait3A_203 : memref<1x632x128xf32, #tpu.memory_space<hbm>> -> memref<632x128xf32, #tpu.memory_space<hbm>>
      %dma_wait3A_205 = arith.constant 0 : i32
      %dma_wait3A_206 = tpu.memref_slice %arg9[%mul3A_2, %dma_wait3A_205] : memref<10112x128xf32, #tpu.memory_space<vmem_shared>> -> memref<632x128xf32, #tpu.memory_space<vmem_shared>>
      tpu.wait_dma2 semaphore(%run_scoped3A_196 : memref<!tpu.dma_semaphore, #tpu.memory_space<semaphore_mem>>) src(%dma_wait3A_206 : memref<632x128xf32, #tpu.memory_space<vmem_shared>>) dst(%dma_wait3A_204 : memref<632x128xf32, #tpu.memory_space<hbm>>)
      tpu.yield
    }) : () -> ()
    return
  }
}

#map = affine_map<(d0, d1) -> (0, 0, 0)>
#map1 = affine_map<(d0, d1) -> (0, 0)>
module attributes {stable_mosaic.version = 14 : i64} {
  func.func @_sc_deg(%arg0: i32, %arg1: i32, %arg2: memref<32x79x128xi32, #tpu.memory_space<hbm>>, %arg3: memref<128x128xf32, #tpu.memory_space<hbm>>, %arg4: memref<128x128xf32, #tpu.memory_space<hbm>>, %arg5: memref<2x10112x128xf32, #tpu.memory_space<hbm>>, %arg6: memref<79x128xi32, #tpu.memory_space<vmem>>, %arg7: memref<128x128xf32, #tpu.memory_space<vmem>>, %arg8: memref<128x128xf32, #tpu.memory_space<vmem>>, %arg9: memref<10112x128xf32, #tpu.memory_space<vmem_shared>>) attributes {dimension_semantics = [#tpu.dimension_semantics<core_parallel>, #tpu.dimension_semantics<subcore_parallel>], iteration_bounds = array<i64: 2, 16>, scalar_prefetch = 0 : i64, scratch_operands = 4 : i64, tpu.core_type = #tpu.core_type<sc_vector_subcore>, window_params = [{transform_indices = #map}, {transform_indices = #map1}, {transform_indices = #map1}, {transform_indices = #map}]} {
    %mul3A = arith.constant 16 : i32
    %mul3A_0 = arith.muli %arg0, %mul3A : i32
    %add3A = arith.addi %mul3A_0, %arg1 : i32
    "tpu.region"() ({
      %run_scoped3A = tpu.sem_alloc : memref<!tpu.dma_semaphore, #tpu.memory_space<semaphore_mem>>
      %dma_start3A = arith.constant 0 : i32
      %dma_start3A_19 = arith.constant 0 : i32
      %dma_start3A_20 = tpu.memref_slice %arg2[%add3A, %dma_start3A, %dma_start3A_19] : memref<32x79x128xi32, #tpu.memory_space<hbm>> -> memref<1x79x128xi32, #tpu.memory_space<hbm>>
      %dma_start3A_21 = tpu.memref_squeeze %dma_start3A_20 : memref<1x79x128xi32, #tpu.memory_space<hbm>> -> memref<79x128xi32, #tpu.memory_space<hbm>>
      %dma_start3A_22 = arith.constant 0 : i32
      %dma_start3A_23 = arith.constant 0 : i32
      %dma_start3A_24 = tpu.memref_slice %arg2[%add3A, %dma_start3A_22, %dma_start3A_23] : memref<32x79x128xi32, #tpu.memory_space<hbm>> -> memref<1x79x128xi32, #tpu.memory_space<hbm>>
      %dma_start3A_25 = tpu.memref_squeeze %dma_start3A_24 : memref<1x79x128xi32, #tpu.memory_space<hbm>> -> memref<79x128xi32, #tpu.memory_space<hbm>>
      tpu.enqueue_dma source(%dma_start3A_25 : memref<79x128xi32, #tpu.memory_space<hbm>>) target(%arg6 : memref<79x128xi32, #tpu.memory_space<vmem>>) target_semaphore(%run_scoped3A : memref<!tpu.dma_semaphore, #tpu.memory_space<semaphore_mem>>)
      %dma_wait3A = arith.constant 0 : i32
      %dma_wait3A_26 = arith.constant 0 : i32
      %dma_wait3A_27 = tpu.memref_slice %arg2[%add3A, %dma_wait3A, %dma_wait3A_26] : memref<32x79x128xi32, #tpu.memory_space<hbm>> -> memref<1x79x128xi32, #tpu.memory_space<hbm>>
      %dma_wait3A_28 = tpu.memref_squeeze %dma_wait3A_27 : memref<1x79x128xi32, #tpu.memory_space<hbm>> -> memref<79x128xi32, #tpu.memory_space<hbm>>
      %dma_wait3A_29 = arith.constant 0 : i32
      %dma_wait3A_30 = arith.constant 0 : i32
      %dma_wait3A_31 = tpu.memref_slice %arg2[%add3A, %dma_wait3A_29, %dma_wait3A_30] : memref<32x79x128xi32, #tpu.memory_space<hbm>> -> memref<1x79x128xi32, #tpu.memory_space<hbm>>
      %dma_wait3A_32 = tpu.memref_squeeze %dma_wait3A_31 : memref<1x79x128xi32, #tpu.memory_space<hbm>> -> memref<79x128xi32, #tpu.memory_space<hbm>>
      tpu.wait_dma2 semaphore(%run_scoped3A : memref<!tpu.dma_semaphore, #tpu.memory_space<semaphore_mem>>) src(%dma_wait3A_32 : memref<79x128xi32, #tpu.memory_space<hbm>>) dst(%arg6 : memref<79x128xi32, #tpu.memory_space<vmem>>)
      tpu.yield
    }) : () -> ()
    "tpu.region"() ({
      %run_scoped3A = tpu.sem_alloc : memref<!tpu.dma_semaphore, #tpu.memory_space<semaphore_mem>>
      tpu.enqueue_dma source(%arg3 : memref<128x128xf32, #tpu.memory_space<hbm>>) target(%arg7 : memref<128x128xf32, #tpu.memory_space<vmem>>) target_semaphore(%run_scoped3A : memref<!tpu.dma_semaphore, #tpu.memory_space<semaphore_mem>>)
      tpu.wait_dma2 semaphore(%run_scoped3A : memref<!tpu.dma_semaphore, #tpu.memory_space<semaphore_mem>>) src(%arg3 : memref<128x128xf32, #tpu.memory_space<hbm>>) dst(%arg7 : memref<128x128xf32, #tpu.memory_space<vmem>>)
      tpu.yield
    }) : () -> ()
    "tpu.region"() ({
      %run_scoped3A = tpu.sem_alloc : memref<!tpu.dma_semaphore, #tpu.memory_space<semaphore_mem>>
      tpu.enqueue_dma source(%arg4 : memref<128x128xf32, #tpu.memory_space<hbm>>) target(%arg8 : memref<128x128xf32, #tpu.memory_space<vmem>>) target_semaphore(%run_scoped3A : memref<!tpu.dma_semaphore, #tpu.memory_space<semaphore_mem>>)
      tpu.wait_dma2 semaphore(%run_scoped3A : memref<!tpu.dma_semaphore, #tpu.memory_space<semaphore_mem>>) src(%arg4 : memref<128x128xf32, #tpu.memory_space<hbm>>) dst(%arg8 : memref<128x128xf32, #tpu.memory_space<vmem>>)
      tpu.yield
    }) : () -> ()
    %mul3A_1 = arith.constant 632 : i32
    %mul3A_2 = arith.muli %arg1, %mul3A_1 : i32
    %add3A_3 = arith.constant 0 : i32
    %add3A_4 = arith.addi %mul3A_2, %add3A_3 : i32
    "tpu.region"() ({
      %run_scoped3A = tpu.sem_alloc : memref<!tpu.dma_semaphore, #tpu.memory_space<semaphore_mem>>
      %dma_start3A = arith.constant 0 : i32
      %dma_start3A_19 = tpu.memref_slice %arg9[%add3A_4, %dma_start3A] : memref<10112x128xf32, #tpu.memory_space<vmem_shared>> -> memref<128x128xf32, #tpu.memory_space<vmem_shared>>
      %dma_start3A_20 = arith.constant 0 : i32
      %dma_start3A_21 = tpu.memref_slice %arg9[%add3A_4, %dma_start3A_20] : memref<10112x128xf32, #tpu.memory_space<vmem_shared>> -> memref<128x128xf32, #tpu.memory_space<vmem_shared>>
      tpu.enqueue_dma source(%arg8 : memref<128x128xf32, #tpu.memory_space<vmem>>) target(%dma_start3A_21 : memref<128x128xf32, #tpu.memory_space<vmem_shared>>) target_semaphore(%run_scoped3A : memref<!tpu.dma_semaphore, #tpu.memory_space<semaphore_mem>>)
      %dma_wait3A = arith.constant 0 : i32
      %dma_wait3A_22 = tpu.memref_slice %arg9[%add3A_4, %dma_wait3A] : memref<10112x128xf32, #tpu.memory_space<vmem_shared>> -> memref<128x128xf32, #tpu.memory_space<vmem_shared>>
      %dma_wait3A_23 = arith.constant 0 : i32
      %dma_wait3A_24 = tpu.memref_slice %arg9[%add3A_4, %dma_wait3A_23] : memref<10112x128xf32, #tpu.memory_space<vmem_shared>> -> memref<128x128xf32, #tpu.memory_space<vmem_shared>>
      tpu.wait_dma2 semaphore(%run_scoped3A : memref<!tpu.dma_semaphore, #tpu.memory_space<semaphore_mem>>) src(%arg8 : memref<128x128xf32, #tpu.memory_space<vmem>>) dst(%dma_wait3A_24 : memref<128x128xf32, #tpu.memory_space<vmem_shared>>)
      tpu.yield
    }) : () -> ()
    %add3A_5 = arith.constant 128 : i32
    %add3A_6 = arith.addi %mul3A_2, %add3A_5 : i32
    "tpu.region"() ({
      %run_scoped3A = tpu.sem_alloc : memref<!tpu.dma_semaphore, #tpu.memory_space<semaphore_mem>>
      %dma_start3A = arith.constant 0 : i32
      %dma_start3A_19 = tpu.memref_slice %arg9[%add3A_6, %dma_start3A] : memref<10112x128xf32, #tpu.memory_space<vmem_shared>> -> memref<128x128xf32, #tpu.memory_space<vmem_shared>>
      %dma_start3A_20 = arith.constant 0 : i32
      %dma_start3A_21 = tpu.memref_slice %arg9[%add3A_6, %dma_start3A_20] : memref<10112x128xf32, #tpu.memory_space<vmem_shared>> -> memref<128x128xf32, #tpu.memory_space<vmem_shared>>
      tpu.enqueue_dma source(%arg8 : memref<128x128xf32, #tpu.memory_space<vmem>>) target(%dma_start3A_21 : memref<128x128xf32, #tpu.memory_space<vmem_shared>>) target_semaphore(%run_scoped3A : memref<!tpu.dma_semaphore, #tpu.memory_space<semaphore_mem>>)
      %dma_wait3A = arith.constant 0 : i32
      %dma_wait3A_22 = tpu.memref_slice %arg9[%add3A_6, %dma_wait3A] : memref<10112x128xf32, #tpu.memory_space<vmem_shared>> -> memref<128x128xf32, #tpu.memory_space<vmem_shared>>
      %dma_wait3A_23 = arith.constant 0 : i32
      %dma_wait3A_24 = tpu.memref_slice %arg9[%add3A_6, %dma_wait3A_23] : memref<10112x128xf32, #tpu.memory_space<vmem_shared>> -> memref<128x128xf32, #tpu.memory_space<vmem_shared>>
      tpu.wait_dma2 semaphore(%run_scoped3A : memref<!tpu.dma_semaphore, #tpu.memory_space<semaphore_mem>>) src(%arg8 : memref<128x128xf32, #tpu.memory_space<vmem>>) dst(%dma_wait3A_24 : memref<128x128xf32, #tpu.memory_space<vmem_shared>>)
      tpu.yield
    }) : () -> ()
    %add3A_7 = arith.constant 256 : i32
    %add3A_8 = arith.addi %mul3A_2, %add3A_7 : i32
    "tpu.region"() ({
      %run_scoped3A = tpu.sem_alloc : memref<!tpu.dma_semaphore, #tpu.memory_space<semaphore_mem>>
      %dma_start3A = arith.constant 0 : i32
      %dma_start3A_19 = tpu.memref_slice %arg9[%add3A_8, %dma_start3A] : memref<10112x128xf32, #tpu.memory_space<vmem_shared>> -> memref<128x128xf32, #tpu.memory_space<vmem_shared>>
      %dma_start3A_20 = arith.constant 0 : i32
      %dma_start3A_21 = tpu.memref_slice %arg9[%add3A_8, %dma_start3A_20] : memref<10112x128xf32, #tpu.memory_space<vmem_shared>> -> memref<128x128xf32, #tpu.memory_space<vmem_shared>>
      tpu.enqueue_dma source(%arg8 : memref<128x128xf32, #tpu.memory_space<vmem>>) target(%dma_start3A_21 : memref<128x128xf32, #tpu.memory_space<vmem_shared>>) target_semaphore(%run_scoped3A : memref<!tpu.dma_semaphore, #tpu.memory_space<semaphore_mem>>)
      %dma_wait3A = arith.constant 0 : i32
      %dma_wait3A_22 = tpu.memref_slice %arg9[%add3A_8, %dma_wait3A] : memref<10112x128xf32, #tpu.memory_space<vmem_shared>> -> memref<128x128xf32, #tpu.memory_space<vmem_shared>>
      %dma_wait3A_23 = arith.constant 0 : i32
      %dma_wait3A_24 = tpu.memref_slice %arg9[%add3A_8, %dma_wait3A_23] : memref<10112x128xf32, #tpu.memory_space<vmem_shared>> -> memref<128x128xf32, #tpu.memory_space<vmem_shared>>
      tpu.wait_dma2 semaphore(%run_scoped3A : memref<!tpu.dma_semaphore, #tpu.memory_space<semaphore_mem>>) src(%arg8 : memref<128x128xf32, #tpu.memory_space<vmem>>) dst(%dma_wait3A_24 : memref<128x128xf32, #tpu.memory_space<vmem_shared>>)
      tpu.yield
    }) : () -> ()
    %add3A_9 = arith.constant 384 : i32
    %add3A_10 = arith.addi %mul3A_2, %add3A_9 : i32
    "tpu.region"() ({
      %run_scoped3A = tpu.sem_alloc : memref<!tpu.dma_semaphore, #tpu.memory_space<semaphore_mem>>
      %dma_start3A = arith.constant 0 : i32
      %dma_start3A_19 = tpu.memref_slice %arg9[%add3A_10, %dma_start3A] : memref<10112x128xf32, #tpu.memory_space<vmem_shared>> -> memref<128x128xf32, #tpu.memory_space<vmem_shared>>
      %dma_start3A_20 = arith.constant 0 : i32
      %dma_start3A_21 = tpu.memref_slice %arg9[%add3A_10, %dma_start3A_20] : memref<10112x128xf32, #tpu.memory_space<vmem_shared>> -> memref<128x128xf32, #tpu.memory_space<vmem_shared>>
      tpu.enqueue_dma source(%arg8 : memref<128x128xf32, #tpu.memory_space<vmem>>) target(%dma_start3A_21 : memref<128x128xf32, #tpu.memory_space<vmem_shared>>) target_semaphore(%run_scoped3A : memref<!tpu.dma_semaphore, #tpu.memory_space<semaphore_mem>>)
      %dma_wait3A = arith.constant 0 : i32
      %dma_wait3A_22 = tpu.memref_slice %arg9[%add3A_10, %dma_wait3A] : memref<10112x128xf32, #tpu.memory_space<vmem_shared>> -> memref<128x128xf32, #tpu.memory_space<vmem_shared>>
      %dma_wait3A_23 = arith.constant 0 : i32
      %dma_wait3A_24 = tpu.memref_slice %arg9[%add3A_10, %dma_wait3A_23] : memref<10112x128xf32, #tpu.memory_space<vmem_shared>> -> memref<128x128xf32, #tpu.memory_space<vmem_shared>>
      tpu.wait_dma2 semaphore(%run_scoped3A : memref<!tpu.dma_semaphore, #tpu.memory_space<semaphore_mem>>) src(%arg8 : memref<128x128xf32, #tpu.memory_space<vmem>>) dst(%dma_wait3A_24 : memref<128x128xf32, #tpu.memory_space<vmem_shared>>)
      tpu.yield
    }) : () -> ()
    %add3A_11 = arith.constant 512 : i32
    %add3A_12 = arith.addi %mul3A_2, %add3A_11 : i32
    "tpu.region"() ({
      %run_scoped3A = tpu.sem_alloc : memref<!tpu.dma_semaphore, #tpu.memory_space<semaphore_mem>>
      %dma_start3A = arith.constant 0 : i32
      %dma_start3A_19 = arith.constant 0 : i32
      %dma_start3A_20 = tpu.memref_slice %arg8[%dma_start3A, %dma_start3A_19] : memref<128x128xf32, #tpu.memory_space<vmem>> -> memref<120x128xf32, #tpu.memory_space<vmem>>
      %dma_start3A_21 = arith.constant 0 : i32
      %dma_start3A_22 = tpu.memref_slice %arg9[%add3A_12, %dma_start3A_21] : memref<10112x128xf32, #tpu.memory_space<vmem_shared>> -> memref<120x128xf32, #tpu.memory_space<vmem_shared>>
      %dma_start3A_23 = arith.constant 0 : i32
      %dma_start3A_24 = tpu.memref_slice %arg9[%add3A_12, %dma_start3A_23] : memref<10112x128xf32, #tpu.memory_space<vmem_shared>> -> memref<120x128xf32, #tpu.memory_space<vmem_shared>>
      %dma_start3A_25 = arith.constant 0 : i32
      %dma_start3A_26 = arith.constant 0 : i32
      %dma_start3A_27 = tpu.memref_slice %arg8[%dma_start3A_25, %dma_start3A_26] : memref<128x128xf32, #tpu.memory_space<vmem>> -> memref<120x128xf32, #tpu.memory_space<vmem>>
      tpu.enqueue_dma source(%dma_start3A_27 : memref<120x128xf32, #tpu.memory_space<vmem>>) target(%dma_start3A_24 : memref<120x128xf32, #tpu.memory_space<vmem_shared>>) target_semaphore(%run_scoped3A : memref<!tpu.dma_semaphore, #tpu.memory_space<semaphore_mem>>)
      %dma_wait3A = arith.constant 0 : i32
      %dma_wait3A_28 = arith.constant 0 : i32
      %dma_wait3A_29 = tpu.memref_slice %arg8[%dma_wait3A, %dma_wait3A_28] : memref<128x128xf32, #tpu.memory_space<vmem>> -> memref<120x128xf32, #tpu.memory_space<vmem>>
      %dma_wait3A_30 = arith.constant 0 : i32
      %dma_wait3A_31 = tpu.memref_slice %arg9[%add3A_12, %dma_wait3A_30] : memref<10112x128xf32, #tpu.memory_space<vmem_shared>> -> memref<120x128xf32, #tpu.memory_space<vmem_shared>>
      %dma_wait3A_32 = arith.constant 0 : i32
      %dma_wait3A_33 = tpu.memref_slice %arg9[%add3A_12, %dma_wait3A_32] : memref<10112x128xf32, #tpu.memory_space<vmem_shared>> -> memref<120x128xf32, #tpu.memory_space<vmem_shared>>
      %dma_wait3A_34 = arith.constant 0 : i32
      %dma_wait3A_35 = arith.constant 0 : i32
      %dma_wait3A_36 = tpu.memref_slice %arg8[%dma_wait3A_34, %dma_wait3A_35] : memref<128x128xf32, #tpu.memory_space<vmem>> -> memref<120x128xf32, #tpu.memory_space<vmem>>
      tpu.wait_dma2 semaphore(%run_scoped3A : memref<!tpu.dma_semaphore, #tpu.memory_space<semaphore_mem>>) src(%dma_wait3A_36 : memref<120x128xf32, #tpu.memory_space<vmem>>) dst(%dma_wait3A_33 : memref<120x128xf32, #tpu.memory_space<vmem_shared>>)
      tpu.yield
    }) : () -> ()
    %barrier3A = arith.constant 0 : index
    tpu.barrier barrier_id(%barrier3A)
    %scan3A = arith.constant 0 : i32
    %scan3A_13 = arith.constant 0 : i32
    %scan3A_14 = arith.constant 79 : i32
    %scan3A_15 = arith.addi %scan3A_13, %scan3A_14 : i32
    %scan3A_16 = arith.constant 1 : i32
    scf.for %scan3A_19 = %scan3A_13 to %scan3A_15 step %scan3A_16  : i32 {
      "tpu.region"() ({
        %run_scoped3A = tpu.sem_alloc : memref<!tpu.dma_semaphore, #tpu.memory_space<semaphore_mem>>
        %dma_start3A = arith.constant 0 : i32
        %dma_start3A_20 = tpu.memref_slice %arg6[%scan3A_19, %dma_start3A] : memref<79x128xi32, #tpu.memory_space<vmem>> -> memref<1x128xi32, #tpu.memory_space<vmem>>
        %dma_start3A_21 = tpu.memref_squeeze %dma_start3A_20 : memref<1x128xi32, #tpu.memory_space<vmem>> -> memref<128xi32, #tpu.memory_space<vmem>>
        %dma_start3A_22 = arith.constant 0 : i32
        %dma_start3A_23 = arith.constant 0 : i32
        %dma_start3A_24 = tpu.memref_slice %arg9[%dma_start3A_22, %dma_start3A_23] : memref<10112x128xf32, #tpu.memory_space<vmem_shared>> -> memref<10112x128xf32, #tpu.memory_space<vmem_shared>>
        tpu.enqueue_indirect_dma source(%arg7 : memref<128x128xf32, #tpu.memory_space<vmem>>) target(%dma_start3A_24 : memref<10112x128xf32, #tpu.memory_space<vmem_shared>>) offsets(%dma_start3A_21 : memref<128xi32, #tpu.memory_space<vmem>>) semaphore(%run_scoped3A : memref<!tpu.dma_semaphore, #tpu.memory_space<semaphore_mem>>) {add = true}
        %dma_wait3A = arith.constant 0 : i32
        %dma_wait3A_25 = tpu.memref_slice %arg6[%scan3A_19, %dma_wait3A] : memref<79x128xi32, #tpu.memory_space<vmem>> -> memref<1x128xi32, #tpu.memory_space<vmem>>
        %dma_wait3A_26 = tpu.memref_squeeze %dma_wait3A_25 : memref<1x128xi32, #tpu.memory_space<vmem>> -> memref<128xi32, #tpu.memory_space<vmem>>
        %dma_wait3A_27 = arith.constant 0 : i32
        %dma_wait3A_28 = arith.constant 0 : i32
        %dma_wait3A_29 = tpu.memref_slice %arg9[%dma_wait3A_27, %dma_wait3A_28] : memref<10112x128xf32, #tpu.memory_space<vmem_shared>> -> memref<10112x128xf32, #tpu.memory_space<vmem_shared>>
        tpu.wait_indirect_dma semaphore(%run_scoped3A : memref<!tpu.dma_semaphore, #tpu.memory_space<semaphore_mem>>) src(%arg7 : memref<128x128xf32, #tpu.memory_space<vmem>>) dst(%dma_wait3A_29 : memref<10112x128xf32, #tpu.memory_space<vmem_shared>>)
        tpu.yield
      }) : () -> ()
    }
    %scan3A_17 = arith.constant 79 : i32
    %barrier3A_18 = arith.constant 0 : index
    tpu.barrier barrier_id(%barrier3A_18)
    "tpu.region"() ({
      %run_scoped3A = tpu.sem_alloc : memref<!tpu.dma_semaphore, #tpu.memory_space<semaphore_mem>>
      %dma_start3A = arith.constant 0 : i32
      %dma_start3A_19 = tpu.memref_slice %arg5[%arg0, %mul3A_2, %dma_start3A] : memref<2x10112x128xf32, #tpu.memory_space<hbm>> -> memref<1x632x128xf32, #tpu.memory_space<hbm>>
      %dma_start3A_20 = tpu.memref_squeeze %dma_start3A_19 : memref<1x632x128xf32, #tpu.memory_space<hbm>> -> memref<632x128xf32, #tpu.memory_space<hbm>>
      %dma_start3A_21 = arith.constant 0 : i32
      %dma_start3A_22 = tpu.memref_slice %arg9[%mul3A_2, %dma_start3A_21] : memref<10112x128xf32, #tpu.memory_space<vmem_shared>> -> memref<632x128xf32, #tpu.memory_space<vmem_shared>>
      tpu.enqueue_dma source(%dma_start3A_22 : memref<632x128xf32, #tpu.memory_space<vmem_shared>>) target(%dma_start3A_20 : memref<632x128xf32, #tpu.memory_space<hbm>>) target_semaphore(%run_scoped3A : memref<!tpu.dma_semaphore, #tpu.memory_space<semaphore_mem>>)
      %dma_wait3A = arith.constant 0 : i32
      %dma_wait3A_23 = tpu.memref_slice %arg5[%arg0, %mul3A_2, %dma_wait3A] : memref<2x10112x128xf32, #tpu.memory_space<hbm>> -> memref<1x632x128xf32, #tpu.memory_space<hbm>>
      %dma_wait3A_24 = tpu.memref_squeeze %dma_wait3A_23 : memref<1x632x128xf32, #tpu.memory_space<hbm>> -> memref<632x128xf32, #tpu.memory_space<hbm>>
      %dma_wait3A_25 = arith.constant 0 : i32
      %dma_wait3A_26 = tpu.memref_slice %arg9[%mul3A_2, %dma_wait3A_25] : memref<10112x128xf32, #tpu.memory_space<vmem_shared>> -> memref<632x128xf32, #tpu.memory_space<vmem_shared>>
      tpu.wait_dma2 semaphore(%run_scoped3A : memref<!tpu.dma_semaphore, #tpu.memory_space<semaphore_mem>>) src(%dma_wait3A_26 : memref<632x128xf32, #tpu.memory_space<vmem_shared>>) dst(%dma_wait3A_24 : memref<632x128xf32, #tpu.memory_space<hbm>>)
      tpu.yield
    }) : () -> ()
    return
  }
}

#map = affine_map<(d0, d1) -> (0, 0)>
#map1 = affine_map<(d0, d1) -> (0, 0, 0, 0)>
#map2 = affine_map<(d0, d1) -> (0, 0, 0)>
module attributes {stable_mosaic.version = 14 : i64} {
  func.func @_sc_agg(%arg0: i32, %arg1: i32, %arg2: memref<10000x128xf32, #tpu.memory_space<hbm>>, %arg3: memref<32x79x2x128xi32, #tpu.memory_space<hbm>>, %arg4: memref<128x128xf32, #tpu.memory_space<hbm>>, %arg5: memref<2x10112x128xf32, #tpu.memory_space<hbm>>, %arg6: memref<4x2x128xi32, #tpu.memory_space<vmem>>, %arg7: memref<128x128xf32, #tpu.memory_space<vmem>>, %arg8: memref<128x128xf32, #tpu.memory_space<vmem>>, %arg9: memref<10112x128xf32, #tpu.memory_space<vmem_shared>>, %arg10: memref<!tpu.dma_semaphore, #tpu.memory_space<semaphore_mem>>, %arg11: memref<!tpu.dma_semaphore, #tpu.memory_space<semaphore_mem>>, %arg12: memref<!tpu.dma_semaphore, #tpu.memory_space<semaphore_mem>>, %arg13: memref<!tpu.dma_semaphore, #tpu.memory_space<semaphore_mem>>, %arg14: memref<!tpu.dma_semaphore, #tpu.memory_space<semaphore_mem>>, %arg15: memref<!tpu.dma_semaphore, #tpu.memory_space<semaphore_mem>>) attributes {dimension_semantics = [#tpu.dimension_semantics<core_parallel>, #tpu.dimension_semantics<subcore_parallel>], iteration_bounds = array<i64: 2, 16>, scalar_prefetch = 0 : i64, scratch_operands = 10 : i64, tpu.core_type = #tpu.core_type<sc_vector_subcore>, window_params = [{transform_indices = #map}, {transform_indices = #map1}, {transform_indices = #map}, {transform_indices = #map2}]} {
    %mul3A = arith.constant 16 : i32
    %mul3A_0 = arith.muli %arg0, %mul3A : i32
    %add3A = arith.addi %mul3A_0, %arg1 : i32
    "tpu.region"() ({
      %run_scoped3A_196 = tpu.sem_alloc : memref<!tpu.dma_semaphore, #tpu.memory_space<semaphore_mem>>
      tpu.enqueue_dma source(%arg4 : memref<128x128xf32, #tpu.memory_space<hbm>>) target(%arg7 : memref<128x128xf32, #tpu.memory_space<vmem>>) target_semaphore(%run_scoped3A_196 : memref<!tpu.dma_semaphore, #tpu.memory_space<semaphore_mem>>)
      tpu.wait_dma2 semaphore(%run_scoped3A_196 : memref<!tpu.dma_semaphore, #tpu.memory_space<semaphore_mem>>) src(%arg4 : memref<128x128xf32, #tpu.memory_space<hbm>>) dst(%arg7 : memref<128x128xf32, #tpu.memory_space<vmem>>)
      tpu.yield
    }) : () -> ()
    %mul3A_1 = arith.constant 632 : i32
    %mul3A_2 = arith.muli %arg1, %mul3A_1 : i32
    %add3A_3 = arith.constant 0 : i32
    %add3A_4 = arith.addi %mul3A_2, %add3A_3 : i32
    "tpu.region"() ({
      %run_scoped3A_196 = tpu.sem_alloc : memref<!tpu.dma_semaphore, #tpu.memory_space<semaphore_mem>>
      %dma_start3A_197 = arith.constant 0 : i32
      %dma_start3A_198 = tpu.memref_slice %arg9[%add3A_4, %dma_start3A_197] : memref<10112x128xf32, #tpu.memory_space<vmem_shared>> -> memref<128x128xf32, #tpu.memory_space<vmem_shared>>
      %dma_start3A_199 = arith.constant 0 : i32
      %dma_start3A_200 = tpu.memref_slice %arg9[%add3A_4, %dma_start3A_199] : memref<10112x128xf32, #tpu.memory_space<vmem_shared>> -> memref<128x128xf32, #tpu.memory_space<vmem_shared>>
      tpu.enqueue_dma source(%arg7 : memref<128x128xf32, #tpu.memory_space<vmem>>) target(%dma_start3A_200 : memref<128x128xf32, #tpu.memory_space<vmem_shared>>) target_semaphore(%run_scoped3A_196 : memref<!tpu.dma_semaphore, #tpu.memory_space<semaphore_mem>>)
      %dma_wait3A_201 = arith.constant 0 : i32
      %dma_wait3A_202 = tpu.memref_slice %arg9[%add3A_4, %dma_wait3A_201] : memref<10112x128xf32, #tpu.memory_space<vmem_shared>> -> memref<128x128xf32, #tpu.memory_space<vmem_shared>>
      %dma_wait3A_203 = arith.constant 0 : i32
      %dma_wait3A_204 = tpu.memref_slice %arg9[%add3A_4, %dma_wait3A_203] : memref<10112x128xf32, #tpu.memory_space<vmem_shared>> -> memref<128x128xf32, #tpu.memory_space<vmem_shared>>
      tpu.wait_dma2 semaphore(%run_scoped3A_196 : memref<!tpu.dma_semaphore, #tpu.memory_space<semaphore_mem>>) src(%arg7 : memref<128x128xf32, #tpu.memory_space<vmem>>) dst(%dma_wait3A_204 : memref<128x128xf32, #tpu.memory_space<vmem_shared>>)
      tpu.yield
    }) : () -> ()
    %add3A_5 = arith.constant 128 : i32
    %add3A_6 = arith.addi %mul3A_2, %add3A_5 : i32
    "tpu.region"() ({
      %run_scoped3A_196 = tpu.sem_alloc : memref<!tpu.dma_semaphore, #tpu.memory_space<semaphore_mem>>
      %dma_start3A_197 = arith.constant 0 : i32
      %dma_start3A_198 = tpu.memref_slice %arg9[%add3A_6, %dma_start3A_197] : memref<10112x128xf32, #tpu.memory_space<vmem_shared>> -> memref<128x128xf32, #tpu.memory_space<vmem_shared>>
      %dma_start3A_199 = arith.constant 0 : i32
      %dma_start3A_200 = tpu.memref_slice %arg9[%add3A_6, %dma_start3A_199] : memref<10112x128xf32, #tpu.memory_space<vmem_shared>> -> memref<128x128xf32, #tpu.memory_space<vmem_shared>>
      tpu.enqueue_dma source(%arg7 : memref<128x128xf32, #tpu.memory_space<vmem>>) target(%dma_start3A_200 : memref<128x128xf32, #tpu.memory_space<vmem_shared>>) target_semaphore(%run_scoped3A_196 : memref<!tpu.dma_semaphore, #tpu.memory_space<semaphore_mem>>)
      %dma_wait3A_201 = arith.constant 0 : i32
      %dma_wait3A_202 = tpu.memref_slice %arg9[%add3A_6, %dma_wait3A_201] : memref<10112x128xf32, #tpu.memory_space<vmem_shared>> -> memref<128x128xf32, #tpu.memory_space<vmem_shared>>
      %dma_wait3A_203 = arith.constant 0 : i32
      %dma_wait3A_204 = tpu.memref_slice %arg9[%add3A_6, %dma_wait3A_203] : memref<10112x128xf32, #tpu.memory_space<vmem_shared>> -> memref<128x128xf32, #tpu.memory_space<vmem_shared>>
      tpu.wait_dma2 semaphore(%run_scoped3A_196 : memref<!tpu.dma_semaphore, #tpu.memory_space<semaphore_mem>>) src(%arg7 : memref<128x128xf32, #tpu.memory_space<vmem>>) dst(%dma_wait3A_204 : memref<128x128xf32, #tpu.memory_space<vmem_shared>>)
      tpu.yield
    }) : () -> ()
    %add3A_7 = arith.constant 256 : i32
    %add3A_8 = arith.addi %mul3A_2, %add3A_7 : i32
    "tpu.region"() ({
      %run_scoped3A_196 = tpu.sem_alloc : memref<!tpu.dma_semaphore, #tpu.memory_space<semaphore_mem>>
      %dma_start3A_197 = arith.constant 0 : i32
      %dma_start3A_198 = tpu.memref_slice %arg9[%add3A_8, %dma_start3A_197] : memref<10112x128xf32, #tpu.memory_space<vmem_shared>> -> memref<128x128xf32, #tpu.memory_space<vmem_shared>>
      %dma_start3A_199 = arith.constant 0 : i32
      %dma_start3A_200 = tpu.memref_slice %arg9[%add3A_8, %dma_start3A_199] : memref<10112x128xf32, #tpu.memory_space<vmem_shared>> -> memref<128x128xf32, #tpu.memory_space<vmem_shared>>
      tpu.enqueue_dma source(%arg7 : memref<128x128xf32, #tpu.memory_space<vmem>>) target(%dma_start3A_200 : memref<128x128xf32, #tpu.memory_space<vmem_shared>>) target_semaphore(%run_scoped3A_196 : memref<!tpu.dma_semaphore, #tpu.memory_space<semaphore_mem>>)
      %dma_wait3A_201 = arith.constant 0 : i32
      %dma_wait3A_202 = tpu.memref_slice %arg9[%add3A_8, %dma_wait3A_201] : memref<10112x128xf32, #tpu.memory_space<vmem_shared>> -> memref<128x128xf32, #tpu.memory_space<vmem_shared>>
      %dma_wait3A_203 = arith.constant 0 : i32
      %dma_wait3A_204 = tpu.memref_slice %arg9[%add3A_8, %dma_wait3A_203] : memref<10112x128xf32, #tpu.memory_space<vmem_shared>> -> memref<128x128xf32, #tpu.memory_space<vmem_shared>>
      tpu.wait_dma2 semaphore(%run_scoped3A_196 : memref<!tpu.dma_semaphore, #tpu.memory_space<semaphore_mem>>) src(%arg7 : memref<128x128xf32, #tpu.memory_space<vmem>>) dst(%dma_wait3A_204 : memref<128x128xf32, #tpu.memory_space<vmem_shared>>)
      tpu.yield
    }) : () -> ()
    %add3A_9 = arith.constant 384 : i32
    %add3A_10 = arith.addi %mul3A_2, %add3A_9 : i32
    "tpu.region"() ({
      %run_scoped3A_196 = tpu.sem_alloc : memref<!tpu.dma_semaphore, #tpu.memory_space<semaphore_mem>>
      %dma_start3A_197 = arith.constant 0 : i32
      %dma_start3A_198 = tpu.memref_slice %arg9[%add3A_10, %dma_start3A_197] : memref<10112x128xf32, #tpu.memory_space<vmem_shared>> -> memref<128x128xf32, #tpu.memory_space<vmem_shared>>
      %dma_start3A_199 = arith.constant 0 : i32
      %dma_start3A_200 = tpu.memref_slice %arg9[%add3A_10, %dma_start3A_199] : memref<10112x128xf32, #tpu.memory_space<vmem_shared>> -> memref<128x128xf32, #tpu.memory_space<vmem_shared>>
      tpu.enqueue_dma source(%arg7 : memref<128x128xf32, #tpu.memory_space<vmem>>) target(%dma_start3A_200 : memref<128x128xf32, #tpu.memory_space<vmem_shared>>) target_semaphore(%run_scoped3A_196 : memref<!tpu.dma_semaphore, #tpu.memory_space<semaphore_mem>>)
      %dma_wait3A_201 = arith.constant 0 : i32
      %dma_wait3A_202 = tpu.memref_slice %arg9[%add3A_10, %dma_wait3A_201] : memref<10112x128xf32, #tpu.memory_space<vmem_shared>> -> memref<128x128xf32, #tpu.memory_space<vmem_shared>>
      %dma_wait3A_203 = arith.constant 0 : i32
      %dma_wait3A_204 = tpu.memref_slice %arg9[%add3A_10, %dma_wait3A_203] : memref<10112x128xf32, #tpu.memory_space<vmem_shared>> -> memref<128x128xf32, #tpu.memory_space<vmem_shared>>
      tpu.wait_dma2 semaphore(%run_scoped3A_196 : memref<!tpu.dma_semaphore, #tpu.memory_space<semaphore_mem>>) src(%arg7 : memref<128x128xf32, #tpu.memory_space<vmem>>) dst(%dma_wait3A_204 : memref<128x128xf32, #tpu.memory_space<vmem_shared>>)
      tpu.yield
    }) : () -> ()
    %add3A_11 = arith.constant 512 : i32
    %add3A_12 = arith.addi %mul3A_2, %add3A_11 : i32
    "tpu.region"() ({
      %run_scoped3A_196 = tpu.sem_alloc : memref<!tpu.dma_semaphore, #tpu.memory_space<semaphore_mem>>
      %dma_start3A_197 = arith.constant 0 : i32
      %dma_start3A_198 = arith.constant 0 : i32
      %dma_start3A_199 = tpu.memref_slice %arg7[%dma_start3A_197, %dma_start3A_198] : memref<128x128xf32, #tpu.memory_space<vmem>> -> memref<120x128xf32, #tpu.memory_space<vmem>>
      %dma_start3A_200 = arith.constant 0 : i32
      %dma_start3A_201 = tpu.memref_slice %arg9[%add3A_12, %dma_start3A_200] : memref<10112x128xf32, #tpu.memory_space<vmem_shared>> -> memref<120x128xf32, #tpu.memory_space<vmem_shared>>
      %dma_start3A_202 = arith.constant 0 : i32
      %dma_start3A_203 = tpu.memref_slice %arg9[%add3A_12, %dma_start3A_202] : memref<10112x128xf32, #tpu.memory_space<vmem_shared>> -> memref<120x128xf32, #tpu.memory_space<vmem_shared>>
      %dma_start3A_204 = arith.constant 0 : i32
      %dma_start3A_205 = arith.constant 0 : i32
      %dma_start3A_206 = tpu.memref_slice %arg7[%dma_start3A_204, %dma_start3A_205] : memref<128x128xf32, #tpu.memory_space<vmem>> -> memref<120x128xf32, #tpu.memory_space<vmem>>
      tpu.enqueue_dma source(%dma_start3A_206 : memref<120x128xf32, #tpu.memory_space<vmem>>) target(%dma_start3A_203 : memref<120x128xf32, #tpu.memory_space<vmem_shared>>) target_semaphore(%run_scoped3A_196 : memref<!tpu.dma_semaphore, #tpu.memory_space<semaphore_mem>>)
      %dma_wait3A_207 = arith.constant 0 : i32
      %dma_wait3A_208 = arith.constant 0 : i32
      %dma_wait3A_209 = tpu.memref_slice %arg7[%dma_wait3A_207, %dma_wait3A_208] : memref<128x128xf32, #tpu.memory_space<vmem>> -> memref<120x128xf32, #tpu.memory_space<vmem>>
      %dma_wait3A_210 = arith.constant 0 : i32
      %dma_wait3A_211 = tpu.memref_slice %arg9[%add3A_12, %dma_wait3A_210] : memref<10112x128xf32, #tpu.memory_space<vmem_shared>> -> memref<120x128xf32, #tpu.memory_space<vmem_shared>>
      %dma_wait3A_212 = arith.constant 0 : i32
      %dma_wait3A_213 = tpu.memref_slice %arg9[%add3A_12, %dma_wait3A_212] : memref<10112x128xf32, #tpu.memory_space<vmem_shared>> -> memref<120x128xf32, #tpu.memory_space<vmem_shared>>
      %dma_wait3A_214 = arith.constant 0 : i32
      %dma_wait3A_215 = arith.constant 0 : i32
      %dma_wait3A_216 = tpu.memref_slice %arg7[%dma_wait3A_214, %dma_wait3A_215] : memref<128x128xf32, #tpu.memory_space<vmem>> -> memref<120x128xf32, #tpu.memory_space<vmem>>
      tpu.wait_dma2 semaphore(%run_scoped3A_196 : memref<!tpu.dma_semaphore, #tpu.memory_space<semaphore_mem>>) src(%dma_wait3A_216 : memref<120x128xf32, #tpu.memory_space<vmem>>) dst(%dma_wait3A_213 : memref<120x128xf32, #tpu.memory_space<vmem_shared>>)
      tpu.yield
    }) : () -> ()
    %barrier3A = arith.constant 0 : index
    tpu.barrier barrier_id(%barrier3A)
    %dma_start3A = arith.constant 0 : i32
    %dma_start3A_13 = arith.constant 0 : i32
    %dma_start3A_14 = arith.constant 0 : i32
    %dma_start3A_15 = arith.constant 0 : i32
    %dma_start3A_16 = tpu.memref_slice %arg6[%dma_start3A_13, %dma_start3A_14, %dma_start3A_15] : memref<4x2x128xi32, #tpu.memory_space<vmem>> -> memref<1x2x128xi32, #tpu.memory_space<vmem>>
    %dma_start3A_17 = tpu.memref_squeeze %dma_start3A_16 : memref<1x2x128xi32, #tpu.memory_space<vmem>> -> memref<2x128xi32, #tpu.memory_space<vmem>>
    %dma_start3A_18 = arith.constant 0 : i32
    %dma_start3A_19 = arith.constant 0 : i32
    %dma_start3A_20 = tpu.memref_slice %arg3[%add3A, %dma_start3A, %dma_start3A_18, %dma_start3A_19] : memref<32x79x2x128xi32, #tpu.memory_space<hbm>> -> memref<1x1x2x128xi32, #tpu.memory_space<hbm>>
    %dma_start3A_21 = tpu.memref_squeeze %dma_start3A_20 : memref<1x1x2x128xi32, #tpu.memory_space<hbm>> -> memref<2x128xi32, #tpu.memory_space<hbm>>
    %dma_start3A_22 = arith.constant 0 : i32
    %dma_start3A_23 = arith.constant 0 : i32
    %dma_start3A_24 = tpu.memref_slice %arg6[%dma_start3A_13, %dma_start3A_22, %dma_start3A_23] : memref<4x2x128xi32, #tpu.memory_space<vmem>> -> memref<1x2x128xi32, #tpu.memory_space<vmem>>
    %dma_start3A_25 = tpu.memref_squeeze %dma_start3A_24 : memref<1x2x128xi32, #tpu.memory_space<vmem>> -> memref<2x128xi32, #tpu.memory_space<vmem>>
    %dma_start3A_26 = arith.constant 0 : i32
    %dma_start3A_27 = arith.constant 0 : i32
    %dma_start3A_28 = tpu.memref_slice %arg3[%add3A, %dma_start3A, %dma_start3A_26, %dma_start3A_27] : memref<32x79x2x128xi32, #tpu.memory_space<hbm>> -> memref<1x1x2x128xi32, #tpu.memory_space<hbm>>
    %dma_start3A_29 = tpu.memref_squeeze %dma_start3A_28 : memref<1x1x2x128xi32, #tpu.memory_space<hbm>> -> memref<2x128xi32, #tpu.memory_space<hbm>>
    tpu.enqueue_dma source(%dma_start3A_29 : memref<2x128xi32, #tpu.memory_space<hbm>>) target(%dma_start3A_25 : memref<2x128xi32, #tpu.memory_space<vmem>>) target_semaphore(%arg10 : memref<!tpu.dma_semaphore, #tpu.memory_space<semaphore_mem>>)
    %dma_start3A_30 = arith.constant 1 : i32
    %dma_start3A_31 = arith.constant 1 : i32
    %dma_start3A_32 = arith.constant 0 : i32
    %dma_start3A_33 = arith.constant 0 : i32
    %dma_start3A_34 = tpu.memref_slice %arg6[%dma_start3A_31, %dma_start3A_32, %dma_start3A_33] : memref<4x2x128xi32, #tpu.memory_space<vmem>> -> memref<1x2x128xi32, #tpu.memory_space<vmem>>
    %dma_start3A_35 = tpu.memref_squeeze %dma_start3A_34 : memref<1x2x128xi32, #tpu.memory_space<vmem>> -> memref<2x128xi32, #tpu.memory_space<vmem>>
    %dma_start3A_36 = arith.constant 0 : i32
    %dma_start3A_37 = arith.constant 0 : i32
    %dma_start3A_38 = tpu.memref_slice %arg3[%add3A, %dma_start3A_30, %dma_start3A_36, %dma_start3A_37] : memref<32x79x2x128xi32, #tpu.memory_space<hbm>> -> memref<1x1x2x128xi32, #tpu.memory_space<hbm>>
    %dma_start3A_39 = tpu.memref_squeeze %dma_start3A_38 : memref<1x1x2x128xi32, #tpu.memory_space<hbm>> -> memref<2x128xi32, #tpu.memory_space<hbm>>
    %dma_start3A_40 = arith.constant 0 : i32
    %dma_start3A_41 = arith.constant 0 : i32
    %dma_start3A_42 = tpu.memref_slice %arg6[%dma_start3A_31, %dma_start3A_40, %dma_start3A_41] : memref<4x2x128xi32, #tpu.memory_space<vmem>> -> memref<1x2x128xi32, #tpu.memory_space<vmem>>
    %dma_start3A_43 = tpu.memref_squeeze %dma_start3A_42 : memref<1x2x128xi32, #tpu.memory_space<vmem>> -> memref<2x128xi32, #tpu.memory_space<vmem>>
    %dma_start3A_44 = arith.constant 0 : i32
    %dma_start3A_45 = arith.constant 0 : i32
    %dma_start3A_46 = tpu.memref_slice %arg3[%add3A, %dma_start3A_30, %dma_start3A_44, %dma_start3A_45] : memref<32x79x2x128xi32, #tpu.memory_space<hbm>> -> memref<1x1x2x128xi32, #tpu.memory_space<hbm>>
    %dma_start3A_47 = tpu.memref_squeeze %dma_start3A_46 : memref<1x1x2x128xi32, #tpu.memory_space<hbm>> -> memref<2x128xi32, #tpu.memory_space<hbm>>
    tpu.enqueue_dma source(%dma_start3A_47 : memref<2x128xi32, #tpu.memory_space<hbm>>) target(%dma_start3A_43 : memref<2x128xi32, #tpu.memory_space<vmem>>) target_semaphore(%arg11 : memref<!tpu.dma_semaphore, #tpu.memory_space<semaphore_mem>>)
    %dma_start3A_48 = arith.constant 2 : i32
    %dma_start3A_49 = arith.constant 2 : i32
    %dma_start3A_50 = arith.constant 0 : i32
    %dma_start3A_51 = arith.constant 0 : i32
    %dma_start3A_52 = tpu.memref_slice %arg6[%dma_start3A_49, %dma_start3A_50, %dma_start3A_51] : memref<4x2x128xi32, #tpu.memory_space<vmem>> -> memref<1x2x128xi32, #tpu.memory_space<vmem>>
    %dma_start3A_53 = tpu.memref_squeeze %dma_start3A_52 : memref<1x2x128xi32, #tpu.memory_space<vmem>> -> memref<2x128xi32, #tpu.memory_space<vmem>>
    %dma_start3A_54 = arith.constant 0 : i32
    %dma_start3A_55 = arith.constant 0 : i32
    %dma_start3A_56 = tpu.memref_slice %arg3[%add3A, %dma_start3A_48, %dma_start3A_54, %dma_start3A_55] : memref<32x79x2x128xi32, #tpu.memory_space<hbm>> -> memref<1x1x2x128xi32, #tpu.memory_space<hbm>>
    %dma_start3A_57 = tpu.memref_squeeze %dma_start3A_56 : memref<1x1x2x128xi32, #tpu.memory_space<hbm>> -> memref<2x128xi32, #tpu.memory_space<hbm>>
    %dma_start3A_58 = arith.constant 0 : i32
    %dma_start3A_59 = arith.constant 0 : i32
    %dma_start3A_60 = tpu.memref_slice %arg6[%dma_start3A_49, %dma_start3A_58, %dma_start3A_59] : memref<4x2x128xi32, #tpu.memory_space<vmem>> -> memref<1x2x128xi32, #tpu.memory_space<vmem>>
    %dma_start3A_61 = tpu.memref_squeeze %dma_start3A_60 : memref<1x2x128xi32, #tpu.memory_space<vmem>> -> memref<2x128xi32, #tpu.memory_space<vmem>>
    %dma_start3A_62 = arith.constant 0 : i32
    %dma_start3A_63 = arith.constant 0 : i32
    %dma_start3A_64 = tpu.memref_slice %arg3[%add3A, %dma_start3A_48, %dma_start3A_62, %dma_start3A_63] : memref<32x79x2x128xi32, #tpu.memory_space<hbm>> -> memref<1x1x2x128xi32, #tpu.memory_space<hbm>>
    %dma_start3A_65 = tpu.memref_squeeze %dma_start3A_64 : memref<1x1x2x128xi32, #tpu.memory_space<hbm>> -> memref<2x128xi32, #tpu.memory_space<hbm>>
    tpu.enqueue_dma source(%dma_start3A_65 : memref<2x128xi32, #tpu.memory_space<hbm>>) target(%dma_start3A_61 : memref<2x128xi32, #tpu.memory_space<vmem>>) target_semaphore(%arg12 : memref<!tpu.dma_semaphore, #tpu.memory_space<semaphore_mem>>)
    %dma_start3A_66 = arith.constant 3 : i32
    %dma_start3A_67 = arith.constant 3 : i32
    %dma_start3A_68 = arith.constant 0 : i32
    %dma_start3A_69 = arith.constant 0 : i32
    %dma_start3A_70 = tpu.memref_slice %arg6[%dma_start3A_67, %dma_start3A_68, %dma_start3A_69] : memref<4x2x128xi32, #tpu.memory_space<vmem>> -> memref<1x2x128xi32, #tpu.memory_space<vmem>>
    %dma_start3A_71 = tpu.memref_squeeze %dma_start3A_70 : memref<1x2x128xi32, #tpu.memory_space<vmem>> -> memref<2x128xi32, #tpu.memory_space<vmem>>
    %dma_start3A_72 = arith.constant 0 : i32
    %dma_start3A_73 = arith.constant 0 : i32
    %dma_start3A_74 = tpu.memref_slice %arg3[%add3A, %dma_start3A_66, %dma_start3A_72, %dma_start3A_73] : memref<32x79x2x128xi32, #tpu.memory_space<hbm>> -> memref<1x1x2x128xi32, #tpu.memory_space<hbm>>
    %dma_start3A_75 = tpu.memref_squeeze %dma_start3A_74 : memref<1x1x2x128xi32, #tpu.memory_space<hbm>> -> memref<2x128xi32, #tpu.memory_space<hbm>>
    %dma_start3A_76 = arith.constant 0 : i32
    %dma_start3A_77 = arith.constant 0 : i32
    %dma_start3A_78 = tpu.memref_slice %arg6[%dma_start3A_67, %dma_start3A_76, %dma_start3A_77] : memref<4x2x128xi32, #tpu.memory_space<vmem>> -> memref<1x2x128xi32, #tpu.memory_space<vmem>>
    %dma_start3A_79 = tpu.memref_squeeze %dma_start3A_78 : memref<1x2x128xi32, #tpu.memory_space<vmem>> -> memref<2x128xi32, #tpu.memory_space<vmem>>
    %dma_start3A_80 = arith.constant 0 : i32
    %dma_start3A_81 = arith.constant 0 : i32
    %dma_start3A_82 = tpu.memref_slice %arg3[%add3A, %dma_start3A_66, %dma_start3A_80, %dma_start3A_81] : memref<32x79x2x128xi32, #tpu.memory_space<hbm>> -> memref<1x1x2x128xi32, #tpu.memory_space<hbm>>
    %dma_start3A_83 = tpu.memref_squeeze %dma_start3A_82 : memref<1x1x2x128xi32, #tpu.memory_space<hbm>> -> memref<2x128xi32, #tpu.memory_space<hbm>>
    tpu.enqueue_dma source(%dma_start3A_83 : memref<2x128xi32, #tpu.memory_space<hbm>>) target(%dma_start3A_79 : memref<2x128xi32, #tpu.memory_space<vmem>>) target_semaphore(%arg13 : memref<!tpu.dma_semaphore, #tpu.memory_space<semaphore_mem>>)
    %dma_wait3A = arith.constant 0 : i32
    %dma_wait3A_84 = arith.constant 0 : i32
    %dma_wait3A_85 = arith.constant 0 : i32
    %dma_wait3A_86 = arith.constant 0 : i32
    %dma_wait3A_87 = tpu.memref_slice %arg6[%dma_wait3A_84, %dma_wait3A_85, %dma_wait3A_86] : memref<4x2x128xi32, #tpu.memory_space<vmem>> -> memref<1x2x128xi32, #tpu.memory_space<vmem>>
    %dma_wait3A_88 = tpu.memref_squeeze %dma_wait3A_87 : memref<1x2x128xi32, #tpu.memory_space<vmem>> -> memref<2x128xi32, #tpu.memory_space<vmem>>
    %dma_wait3A_89 = arith.constant 0 : i32
    %dma_wait3A_90 = arith.constant 0 : i32
    %dma_wait3A_91 = tpu.memref_slice %arg3[%add3A, %dma_wait3A, %dma_wait3A_89, %dma_wait3A_90] : memref<32x79x2x128xi32, #tpu.memory_space<hbm>> -> memref<1x1x2x128xi32, #tpu.memory_space<hbm>>
    %dma_wait3A_92 = tpu.memref_squeeze %dma_wait3A_91 : memref<1x1x2x128xi32, #tpu.memory_space<hbm>> -> memref<2x128xi32, #tpu.memory_space<hbm>>
    %dma_wait3A_93 = arith.constant 0 : i32
    %dma_wait3A_94 = arith.constant 0 : i32
    %dma_wait3A_95 = tpu.memref_slice %arg6[%dma_wait3A_84, %dma_wait3A_93, %dma_wait3A_94] : memref<4x2x128xi32, #tpu.memory_space<vmem>> -> memref<1x2x128xi32, #tpu.memory_space<vmem>>
    %dma_wait3A_96 = tpu.memref_squeeze %dma_wait3A_95 : memref<1x2x128xi32, #tpu.memory_space<vmem>> -> memref<2x128xi32, #tpu.memory_space<vmem>>
    %dma_wait3A_97 = arith.constant 0 : i32
    %dma_wait3A_98 = arith.constant 0 : i32
    %dma_wait3A_99 = tpu.memref_slice %arg3[%add3A, %dma_wait3A, %dma_wait3A_97, %dma_wait3A_98] : memref<32x79x2x128xi32, #tpu.memory_space<hbm>> -> memref<1x1x2x128xi32, #tpu.memory_space<hbm>>
    %dma_wait3A_100 = tpu.memref_squeeze %dma_wait3A_99 : memref<1x1x2x128xi32, #tpu.memory_space<hbm>> -> memref<2x128xi32, #tpu.memory_space<hbm>>
    tpu.wait_dma2 semaphore(%arg10 : memref<!tpu.dma_semaphore, #tpu.memory_space<semaphore_mem>>) src(%dma_wait3A_100 : memref<2x128xi32, #tpu.memory_space<hbm>>) dst(%dma_wait3A_96 : memref<2x128xi32, #tpu.memory_space<vmem>>)
    %dma_start3A_101 = arith.constant 0 : i32
    %dma_start3A_102 = arith.constant 0 : i32
    %dma_start3A_103 = arith.constant 0 : i32
    %dma_start3A_104 = tpu.memref_slice %arg6[%dma_start3A_101, %dma_start3A_102, %dma_start3A_103] : memref<4x2x128xi32, #tpu.memory_space<vmem>> -> memref<1x1x128xi32, #tpu.memory_space<vmem>>
    %dma_start3A_105 = tpu.memref_squeeze %dma_start3A_104 : memref<1x1x128xi32, #tpu.memory_space<vmem>> -> memref<128xi32, #tpu.memory_space<vmem>>
    %dma_start3A_106 = arith.constant 0 : i32
    %dma_start3A_107 = arith.constant 0 : i32
    %dma_start3A_108 = tpu.memref_slice %arg2[%dma_start3A_106, %dma_start3A_107] : memref<10000x128xf32, #tpu.memory_space<hbm>> -> memref<10000x128xf32, #tpu.memory_space<hbm>>
    tpu.enqueue_indirect_dma source(%dma_start3A_108 : memref<10000x128xf32, #tpu.memory_space<hbm>>) target(%arg7 : memref<128x128xf32, #tpu.memory_space<vmem>>) offsets(%dma_start3A_105 : memref<128xi32, #tpu.memory_space<vmem>>) semaphore(%arg14 : memref<!tpu.dma_semaphore, #tpu.memory_space<semaphore_mem>>)
    %scan3A = arith.constant 0 : i32
    %scan3A_109 = arith.constant 0 : i32
    %scan3A_110 = arith.constant 19 : i32
    %scan3A_111 = arith.addi %scan3A_109, %scan3A_110 : i32
    %scan3A_112 = arith.constant 1 : i32
    scf.for %scan3A_196 = %scan3A_109 to %scan3A_111 step %scan3A_112  : i32 {
      %mul3A_197 = arith.constant 4 : i32
      %mul3A_198 = arith.muli %scan3A_196, %mul3A_197 : i32
      %add3A_199 = arith.constant 0 : i32
      %add3A_200 = arith.addi %mul3A_198, %add3A_199 : i32
      %add3A_201 = arith.constant 1 : i32
      %add3A_202 = arith.addi %add3A_200, %add3A_201 : i32
      %dma_wait3A_203 = arith.constant 1 : i32
      %dma_wait3A_204 = arith.constant 0 : i32
      %dma_wait3A_205 = arith.constant 0 : i32
      %dma_wait3A_206 = tpu.memref_slice %arg6[%dma_wait3A_203, %dma_wait3A_204, %dma_wait3A_205] : memref<4x2x128xi32, #tpu.memory_space<vmem>> -> memref<1x2x128xi32, #tpu.memory_space<vmem>>
      %dma_wait3A_207 = tpu.memref_squeeze %dma_wait3A_206 : memref<1x2x128xi32, #tpu.memory_space<vmem>> -> memref<2x128xi32, #tpu.memory_space<vmem>>
      %dma_wait3A_208 = arith.constant 0 : i32
      %dma_wait3A_209 = arith.constant 0 : i32
      %dma_wait3A_210 = tpu.memref_slice %arg3[%add3A, %add3A_202, %dma_wait3A_208, %dma_wait3A_209] : memref<32x79x2x128xi32, #tpu.memory_space<hbm>> -> memref<1x1x2x128xi32, #tpu.memory_space<hbm>>
      %dma_wait3A_211 = tpu.memref_squeeze %dma_wait3A_210 : memref<1x1x2x128xi32, #tpu.memory_space<hbm>> -> memref<2x128xi32, #tpu.memory_space<hbm>>
      %dma_wait3A_212 = arith.constant 0 : i32
      %dma_wait3A_213 = arith.constant 0 : i32
      %dma_wait3A_214 = tpu.memref_slice %arg6[%dma_wait3A_203, %dma_wait3A_212, %dma_wait3A_213] : memref<4x2x128xi32, #tpu.memory_space<vmem>> -> memref<1x2x128xi32, #tpu.memory_space<vmem>>
      %dma_wait3A_215 = tpu.memref_squeeze %dma_wait3A_214 : memref<1x2x128xi32, #tpu.memory_space<vmem>> -> memref<2x128xi32, #tpu.memory_space<vmem>>
      %dma_wait3A_216 = arith.constant 0 : i32
      %dma_wait3A_217 = arith.constant 0 : i32
      %dma_wait3A_218 = tpu.memref_slice %arg3[%add3A, %add3A_202, %dma_wait3A_216, %dma_wait3A_217] : memref<32x79x2x128xi32, #tpu.memory_space<hbm>> -> memref<1x1x2x128xi32, #tpu.memory_space<hbm>>
      %dma_wait3A_219 = tpu.memref_squeeze %dma_wait3A_218 : memref<1x1x2x128xi32, #tpu.memory_space<hbm>> -> memref<2x128xi32, #tpu.memory_space<hbm>>
      tpu.wait_dma2 semaphore(%arg11 : memref<!tpu.dma_semaphore, #tpu.memory_space<semaphore_mem>>) src(%dma_wait3A_219 : memref<2x128xi32, #tpu.memory_space<hbm>>) dst(%dma_wait3A_215 : memref<2x128xi32, #tpu.memory_space<vmem>>)
      %dma_start3A_220 = arith.constant 1 : i32
      %dma_start3A_221 = arith.constant 0 : i32
      %dma_start3A_222 = arith.constant 0 : i32
      %dma_start3A_223 = tpu.memref_slice %arg6[%dma_start3A_220, %dma_start3A_221, %dma_start3A_222] : memref<4x2x128xi32, #tpu.memory_space<vmem>> -> memref<1x1x128xi32, #tpu.memory_space<vmem>>
      %dma_start3A_224 = tpu.memref_squeeze %dma_start3A_223 : memref<1x1x128xi32, #tpu.memory_space<vmem>> -> memref<128xi32, #tpu.memory_space<vmem>>
      %dma_start3A_225 = arith.constant 0 : i32
      %dma_start3A_226 = arith.constant 0 : i32
      %dma_start3A_227 = tpu.memref_slice %arg2[%dma_start3A_225, %dma_start3A_226] : memref<10000x128xf32, #tpu.memory_space<hbm>> -> memref<10000x128xf32, #tpu.memory_space<hbm>>
      tpu.enqueue_indirect_dma source(%dma_start3A_227 : memref<10000x128xf32, #tpu.memory_space<hbm>>) target(%arg8 : memref<128x128xf32, #tpu.memory_space<vmem>>) offsets(%dma_start3A_224 : memref<128xi32, #tpu.memory_space<vmem>>) semaphore(%arg15 : memref<!tpu.dma_semaphore, #tpu.memory_space<semaphore_mem>>)
      %dma_wait3A_228 = arith.constant 0 : i32
      %dma_wait3A_229 = arith.constant 0 : i32
      %dma_wait3A_230 = arith.constant 0 : i32
      %dma_wait3A_231 = tpu.memref_slice %arg6[%dma_wait3A_228, %dma_wait3A_229, %dma_wait3A_230] : memref<4x2x128xi32, #tpu.memory_space<vmem>> -> memref<1x1x128xi32, #tpu.memory_space<vmem>>
      %dma_wait3A_232 = tpu.memref_squeeze %dma_wait3A_231 : memref<1x1x128xi32, #tpu.memory_space<vmem>> -> memref<128xi32, #tpu.memory_space<vmem>>
      %dma_wait3A_233 = arith.constant 0 : i32
      %dma_wait3A_234 = arith.constant 0 : i32
      %dma_wait3A_235 = tpu.memref_slice %arg2[%dma_wait3A_233, %dma_wait3A_234] : memref<10000x128xf32, #tpu.memory_space<hbm>> -> memref<10000x128xf32, #tpu.memory_space<hbm>>
      tpu.wait_indirect_dma semaphore(%arg14 : memref<!tpu.dma_semaphore, #tpu.memory_space<semaphore_mem>>) src(%dma_wait3A_235 : memref<10000x128xf32, #tpu.memory_space<hbm>>) dst(%arg7 : memref<128x128xf32, #tpu.memory_space<vmem>>)
      %run_scoped3A_236 = arith.constant 0 : i32
      %run_scoped3A_237 = arith.constant 1 : i32
      "tpu.region"() ({
        %run_scoped3A_360 = tpu.sem_alloc : memref<!tpu.dma_semaphore, #tpu.memory_space<semaphore_mem>>
        %dma_start3A_361 = arith.constant 0 : i32
        %dma_start3A_362 = tpu.memref_slice %arg6[%run_scoped3A_236, %run_scoped3A_237, %dma_start3A_361] : memref<4x2x128xi32, #tpu.memory_space<vmem>> -> memref<1x1x128xi32, #tpu.memory_space<vmem>>
        %dma_start3A_363 = tpu.memref_squeeze %dma_start3A_362 : memref<1x1x128xi32, #tpu.memory_space<vmem>> -> memref<128xi32, #tpu.memory_space<vmem>>
        %dma_start3A_364 = arith.constant 0 : i32
        %dma_start3A_365 = arith.constant 0 : i32
        %dma_start3A_366 = tpu.memref_slice %arg9[%dma_start3A_364, %dma_start3A_365] : memref<10112x128xf32, #tpu.memory_space<vmem_shared>> -> memref<10112x128xf32, #tpu.memory_space<vmem_shared>>
        tpu.enqueue_indirect_dma source(%arg7 : memref<128x128xf32, #tpu.memory_space<vmem>>) target(%dma_start3A_366 : memref<10112x128xf32, #tpu.memory_space<vmem_shared>>) offsets(%dma_start3A_363 : memref<128xi32, #tpu.memory_space<vmem>>) semaphore(%run_scoped3A_360 : memref<!tpu.dma_semaphore, #tpu.memory_space<semaphore_mem>>) {add = true}
        %dma_wait3A_367 = arith.constant 0 : i32
        %dma_wait3A_368 = tpu.memref_slice %arg6[%run_scoped3A_236, %run_scoped3A_237, %dma_wait3A_367] : memref<4x2x128xi32, #tpu.memory_space<vmem>> -> memref<1x1x128xi32, #tpu.memory_space<vmem>>
        %dma_wait3A_369 = tpu.memref_squeeze %dma_wait3A_368 : memref<1x1x128xi32, #tpu.memory_space<vmem>> -> memref<128xi32, #tpu.memory_space<vmem>>
        %dma_wait3A_370 = arith.constant 0 : i32
        %dma_wait3A_371 = arith.constant 0 : i32
        %dma_wait3A_372 = tpu.memref_slice %arg9[%dma_wait3A_370, %dma_wait3A_371] : memref<10112x128xf32, #tpu.memory_space<vmem_shared>> -> memref<10112x128xf32, #tpu.memory_space<vmem_shared>>
        tpu.wait_indirect_dma semaphore(%run_scoped3A_360 : memref<!tpu.dma_semaphore, #tpu.memory_space<semaphore_mem>>) src(%arg7 : memref<128x128xf32, #tpu.memory_space<vmem>>) dst(%dma_wait3A_372 : memref<10112x128xf32, #tpu.memory_space<vmem_shared>>)
        tpu.yield
      }) : () -> ()
      %add3A_238 = arith.constant 4 : i32
      %add3A_239 = arith.addi %add3A_200, %add3A_238 : i32
      %lt3A = arith.constant 79 : i32
      %lt3A_240 = arith.cmpi slt, %add3A_239, %lt3A : i32
      %convert_element_type3A = arith.extui %lt3A_240 : i1 to i32
      %cond3A = arith.constant 0 : i32
      %cond3A_241 = arith.cmpi ne, %convert_element_type3A, %cond3A : i32
      scf.if %cond3A_241 {
        %add3A_360 = arith.constant 4 : i32
        %add3A_361 = arith.addi %add3A_200, %add3A_360 : i32
        %dma_start3A_362 = arith.constant 0 : i32
        %dma_start3A_363 = arith.constant 0 : i32
        %dma_start3A_364 = arith.constant 0 : i32
        %dma_start3A_365 = tpu.memref_slice %arg6[%dma_start3A_362, %dma_start3A_363, %dma_start3A_364] : memref<4x2x128xi32, #tpu.memory_space<vmem>> -> memref<1x2x128xi32, #tpu.memory_space<vmem>>
        %dma_start3A_366 = tpu.memref_squeeze %dma_start3A_365 : memref<1x2x128xi32, #tpu.memory_space<vmem>> -> memref<2x128xi32, #tpu.memory_space<vmem>>
        %dma_start3A_367 = arith.constant 0 : i32
        %dma_start3A_368 = arith.constant 0 : i32
        %dma_start3A_369 = tpu.memref_slice %arg3[%add3A, %add3A_361, %dma_start3A_367, %dma_start3A_368] : memref<32x79x2x128xi32, #tpu.memory_space<hbm>> -> memref<1x1x2x128xi32, #tpu.memory_space<hbm>>
        %dma_start3A_370 = tpu.memref_squeeze %dma_start3A_369 : memref<1x1x2x128xi32, #tpu.memory_space<hbm>> -> memref<2x128xi32, #tpu.memory_space<hbm>>
        %dma_start3A_371 = arith.constant 0 : i32
        %dma_start3A_372 = arith.constant 0 : i32
        %dma_start3A_373 = tpu.memref_slice %arg6[%dma_start3A_362, %dma_start3A_371, %dma_start3A_372] : memref<4x2x128xi32, #tpu.memory_space<vmem>> -> memref<1x2x128xi32, #tpu.memory_space<vmem>>
        %dma_start3A_374 = tpu.memref_squeeze %dma_start3A_373 : memref<1x2x128xi32, #tpu.memory_space<vmem>> -> memref<2x128xi32, #tpu.memory_space<vmem>>
        %dma_start3A_375 = arith.constant 0 : i32
        %dma_start3A_376 = arith.constant 0 : i32
        %dma_start3A_377 = tpu.memref_slice %arg3[%add3A, %add3A_361, %dma_start3A_375, %dma_start3A_376] : memref<32x79x2x128xi32, #tpu.memory_space<hbm>> -> memref<1x1x2x128xi32, #tpu.memory_space<hbm>>
        %dma_start3A_378 = tpu.memref_squeeze %dma_start3A_377 : memref<1x1x2x128xi32, #tpu.memory_space<hbm>> -> memref<2x128xi32, #tpu.memory_space<hbm>>
        tpu.enqueue_dma source(%dma_start3A_378 : memref<2x128xi32, #tpu.memory_space<hbm>>) target(%dma_start3A_374 : memref<2x128xi32, #tpu.memory_space<vmem>>) target_semaphore(%arg10 : memref<!tpu.dma_semaphore, #tpu.memory_space<semaphore_mem>>)
      } else {
      }
      %add3A_242 = arith.constant 1 : i32
      %add3A_243 = arith.addi %mul3A_198, %add3A_242 : i32
      %add3A_244 = arith.constant 1 : i32
      %add3A_245 = arith.addi %add3A_243, %add3A_244 : i32
      %dma_wait3A_246 = arith.constant 2 : i32
      %dma_wait3A_247 = arith.constant 0 : i32
      %dma_wait3A_248 = arith.constant 0 : i32
      %dma_wait3A_249 = tpu.memref_slice %arg6[%dma_wait3A_246, %dma_wait3A_247, %dma_wait3A_248] : memref<4x2x128xi32, #tpu.memory_space<vmem>> -> memref<1x2x128xi32, #tpu.memory_space<vmem>>
      %dma_wait3A_250 = tpu.memref_squeeze %dma_wait3A_249 : memref<1x2x128xi32, #tpu.memory_space<vmem>> -> memref<2x128xi32, #tpu.memory_space<vmem>>
      %dma_wait3A_251 = arith.constant 0 : i32
      %dma_wait3A_252 = arith.constant 0 : i32
      %dma_wait3A_253 = tpu.memref_slice %arg3[%add3A, %add3A_245, %dma_wait3A_251, %dma_wait3A_252] : memref<32x79x2x128xi32, #tpu.memory_space<hbm>> -> memref<1x1x2x128xi32, #tpu.memory_space<hbm>>
      %dma_wait3A_254 = tpu.memref_squeeze %dma_wait3A_253 : memref<1x1x2x128xi32, #tpu.memory_space<hbm>> -> memref<2x128xi32, #tpu.memory_space<hbm>>
      %dma_wait3A_255 = arith.constant 0 : i32
      %dma_wait3A_256 = arith.constant 0 : i32
      %dma_wait3A_257 = tpu.memref_slice %arg6[%dma_wait3A_246, %dma_wait3A_255, %dma_wait3A_256] : memref<4x2x128xi32, #tpu.memory_space<vmem>> -> memref<1x2x128xi32, #tpu.memory_space<vmem>>
      %dma_wait3A_258 = tpu.memref_squeeze %dma_wait3A_257 : memref<1x2x128xi32, #tpu.memory_space<vmem>> -> memref<2x128xi32, #tpu.memory_space<vmem>>
      %dma_wait3A_259 = arith.constant 0 : i32
      %dma_wait3A_260 = arith.constant 0 : i32
      %dma_wait3A_261 = tpu.memref_slice %arg3[%add3A, %add3A_245, %dma_wait3A_259, %dma_wait3A_260] : memref<32x79x2x128xi32, #tpu.memory_space<hbm>> -> memref<1x1x2x128xi32, #tpu.memory_space<hbm>>
      %dma_wait3A_262 = tpu.memref_squeeze %dma_wait3A_261 : memref<1x1x2x128xi32, #tpu.memory_space<hbm>> -> memref<2x128xi32, #tpu.memory_space<hbm>>
      tpu.wait_dma2 semaphore(%arg12 : memref<!tpu.dma_semaphore, #tpu.memory_space<semaphore_mem>>) src(%dma_wait3A_262 : memref<2x128xi32, #tpu.memory_space<hbm>>) dst(%dma_wait3A_258 : memref<2x128xi32, #tpu.memory_space<vmem>>)
      %dma_start3A_263 = arith.constant 2 : i32
      %dma_start3A_264 = arith.constant 0 : i32
      %dma_start3A_265 = arith.constant 0 : i32
      %dma_start3A_266 = tpu.memref_slice %arg6[%dma_start3A_263, %dma_start3A_264, %dma_start3A_265] : memref<4x2x128xi32, #tpu.memory_space<vmem>> -> memref<1x1x128xi32, #tpu.memory_space<vmem>>
      %dma_start3A_267 = tpu.memref_squeeze %dma_start3A_266 : memref<1x1x128xi32, #tpu.memory_space<vmem>> -> memref<128xi32, #tpu.memory_space<vmem>>
      %dma_start3A_268 = arith.constant 0 : i32
      %dma_start3A_269 = arith.constant 0 : i32
      %dma_start3A_270 = tpu.memref_slice %arg2[%dma_start3A_268, %dma_start3A_269] : memref<10000x128xf32, #tpu.memory_space<hbm>> -> memref<10000x128xf32, #tpu.memory_space<hbm>>
      tpu.enqueue_indirect_dma source(%dma_start3A_270 : memref<10000x128xf32, #tpu.memory_space<hbm>>) target(%arg7 : memref<128x128xf32, #tpu.memory_space<vmem>>) offsets(%dma_start3A_267 : memref<128xi32, #tpu.memory_space<vmem>>) semaphore(%arg14 : memref<!tpu.dma_semaphore, #tpu.memory_space<semaphore_mem>>)
      %dma_wait3A_271 = arith.constant 1 : i32
      %dma_wait3A_272 = arith.constant 0 : i32
      %dma_wait3A_273 = arith.constant 0 : i32
      %dma_wait3A_274 = tpu.memref_slice %arg6[%dma_wait3A_271, %dma_wait3A_272, %dma_wait3A_273] : memref<4x2x128xi32, #tpu.memory_space<vmem>> -> memref<1x1x128xi32, #tpu.memory_space<vmem>>
      %dma_wait3A_275 = tpu.memref_squeeze %dma_wait3A_274 : memref<1x1x128xi32, #tpu.memory_space<vmem>> -> memref<128xi32, #tpu.memory_space<vmem>>
      %dma_wait3A_276 = arith.constant 0 : i32
      %dma_wait3A_277 = arith.constant 0 : i32
      %dma_wait3A_278 = tpu.memref_slice %arg2[%dma_wait3A_276, %dma_wait3A_277] : memref<10000x128xf32, #tpu.memory_space<hbm>> -> memref<10000x128xf32, #tpu.memory_space<hbm>>
      tpu.wait_indirect_dma semaphore(%arg15 : memref<!tpu.dma_semaphore, #tpu.memory_space<semaphore_mem>>) src(%dma_wait3A_278 : memref<10000x128xf32, #tpu.memory_space<hbm>>) dst(%arg8 : memref<128x128xf32, #tpu.memory_space<vmem>>)
      %run_scoped3A_279 = arith.constant 1 : i32
      %run_scoped3A_280 = arith.constant 1 : i32
      "tpu.region"() ({
        %run_scoped3A_360 = tpu.sem_alloc : memref<!tpu.dma_semaphore, #tpu.memory_space<semaphore_mem>>
        %dma_start3A_361 = arith.constant 0 : i32
        %dma_start3A_362 = tpu.memref_slice %arg6[%run_scoped3A_279, %run_scoped3A_280, %dma_start3A_361] : memref<4x2x128xi32, #tpu.memory_space<vmem>> -> memref<1x1x128xi32, #tpu.memory_space<vmem>>
        %dma_start3A_363 = tpu.memref_squeeze %dma_start3A_362 : memref<1x1x128xi32, #tpu.memory_space<vmem>> -> memref<128xi32, #tpu.memory_space<vmem>>
        %dma_start3A_364 = arith.constant 0 : i32
        %dma_start3A_365 = arith.constant 0 : i32
        %dma_start3A_366 = tpu.memref_slice %arg9[%dma_start3A_364, %dma_start3A_365] : memref<10112x128xf32, #tpu.memory_space<vmem_shared>> -> memref<10112x128xf32, #tpu.memory_space<vmem_shared>>
        tpu.enqueue_indirect_dma source(%arg8 : memref<128x128xf32, #tpu.memory_space<vmem>>) target(%dma_start3A_366 : memref<10112x128xf32, #tpu.memory_space<vmem_shared>>) offsets(%dma_start3A_363 : memref<128xi32, #tpu.memory_space<vmem>>) semaphore(%run_scoped3A_360 : memref<!tpu.dma_semaphore, #tpu.memory_space<semaphore_mem>>) {add = true}
        %dma_wait3A_367 = arith.constant 0 : i32
        %dma_wait3A_368 = tpu.memref_slice %arg6[%run_scoped3A_279, %run_scoped3A_280, %dma_wait3A_367] : memref<4x2x128xi32, #tpu.memory_space<vmem>> -> memref<1x1x128xi32, #tpu.memory_space<vmem>>
        %dma_wait3A_369 = tpu.memref_squeeze %dma_wait3A_368 : memref<1x1x128xi32, #tpu.memory_space<vmem>> -> memref<128xi32, #tpu.memory_space<vmem>>
        %dma_wait3A_370 = arith.constant 0 : i32
        %dma_wait3A_371 = arith.constant 0 : i32
        %dma_wait3A_372 = tpu.memref_slice %arg9[%dma_wait3A_370, %dma_wait3A_371] : memref<10112x128xf32, #tpu.memory_space<vmem_shared>> -> memref<10112x128xf32, #tpu.memory_space<vmem_shared>>
        tpu.wait_indirect_dma semaphore(%run_scoped3A_360 : memref<!tpu.dma_semaphore, #tpu.memory_space<semaphore_mem>>) src(%arg8 : memref<128x128xf32, #tpu.memory_space<vmem>>) dst(%dma_wait3A_372 : memref<10112x128xf32, #tpu.memory_space<vmem_shared>>)
        tpu.yield
      }) : () -> ()
      %add3A_281 = arith.constant 4 : i32
      %add3A_282 = arith.addi %add3A_243, %add3A_281 : i32
      %lt3A_283 = arith.constant 79 : i32
      %lt3A_284 = arith.cmpi slt, %add3A_282, %lt3A_283 : i32
      %convert_element_type3A_285 = arith.extui %lt3A_284 : i1 to i32
      %cond3A_286 = arith.constant 0 : i32
      %cond3A_287 = arith.cmpi ne, %convert_element_type3A_285, %cond3A_286 : i32
      scf.if %cond3A_287 {
        %add3A_360 = arith.constant 4 : i32
        %add3A_361 = arith.addi %add3A_243, %add3A_360 : i32
        %dma_start3A_362 = arith.constant 1 : i32
        %dma_start3A_363 = arith.constant 0 : i32
        %dma_start3A_364 = arith.constant 0 : i32
        %dma_start3A_365 = tpu.memref_slice %arg6[%dma_start3A_362, %dma_start3A_363, %dma_start3A_364] : memref<4x2x128xi32, #tpu.memory_space<vmem>> -> memref<1x2x128xi32, #tpu.memory_space<vmem>>
        %dma_start3A_366 = tpu.memref_squeeze %dma_start3A_365 : memref<1x2x128xi32, #tpu.memory_space<vmem>> -> memref<2x128xi32, #tpu.memory_space<vmem>>
        %dma_start3A_367 = arith.constant 0 : i32
        %dma_start3A_368 = arith.constant 0 : i32
        %dma_start3A_369 = tpu.memref_slice %arg3[%add3A, %add3A_361, %dma_start3A_367, %dma_start3A_368] : memref<32x79x2x128xi32, #tpu.memory_space<hbm>> -> memref<1x1x2x128xi32, #tpu.memory_space<hbm>>
        %dma_start3A_370 = tpu.memref_squeeze %dma_start3A_369 : memref<1x1x2x128xi32, #tpu.memory_space<hbm>> -> memref<2x128xi32, #tpu.memory_space<hbm>>
        %dma_start3A_371 = arith.constant 0 : i32
        %dma_start3A_372 = arith.constant 0 : i32
        %dma_start3A_373 = tpu.memref_slice %arg6[%dma_start3A_362, %dma_start3A_371, %dma_start3A_372] : memref<4x2x128xi32, #tpu.memory_space<vmem>> -> memref<1x2x128xi32, #tpu.memory_space<vmem>>
        %dma_start3A_374 = tpu.memref_squeeze %dma_start3A_373 : memref<1x2x128xi32, #tpu.memory_space<vmem>> -> memref<2x128xi32, #tpu.memory_space<vmem>>
        %dma_start3A_375 = arith.constant 0 : i32
        %dma_start3A_376 = arith.constant 0 : i32
        %dma_start3A_377 = tpu.memref_slice %arg3[%add3A, %add3A_361, %dma_start3A_375, %dma_start3A_376] : memref<32x79x2x128xi32, #tpu.memory_space<hbm>> -> memref<1x1x2x128xi32, #tpu.memory_space<hbm>>
        %dma_start3A_378 = tpu.memref_squeeze %dma_start3A_377 : memref<1x1x2x128xi32, #tpu.memory_space<hbm>> -> memref<2x128xi32, #tpu.memory_space<hbm>>
        tpu.enqueue_dma source(%dma_start3A_378 : memref<2x128xi32, #tpu.memory_space<hbm>>) target(%dma_start3A_374 : memref<2x128xi32, #tpu.memory_space<vmem>>) target_semaphore(%arg11 : memref<!tpu.dma_semaphore, #tpu.memory_space<semaphore_mem>>)
      } else {
      }
      %add3A_288 = arith.constant 2 : i32
      %add3A_289 = arith.addi %mul3A_198, %add3A_288 : i32
      %add3A_290 = arith.constant 1 : i32
      %add3A_291 = arith.addi %add3A_289, %add3A_290 : i32
      %dma_wait3A_292 = arith.constant 3 : i32
      %dma_wait3A_293 = arith.constant 0 : i32
      %dma_wait3A_294 = arith.constant 0 : i32
      %dma_wait3A_295 = tpu.memref_slice %arg6[%dma_wait3A_292, %dma_wait3A_293, %dma_wait3A_294] : memref<4x2x128xi32, #tpu.memory_space<vmem>> -> memref<1x2x128xi32, #tpu.memory_space<vmem>>
      %dma_wait3A_296 = tpu.memref_squeeze %dma_wait3A_295 : memref<1x2x128xi32, #tpu.memory_space<vmem>> -> memref<2x128xi32, #tpu.memory_space<vmem>>
      %dma_wait3A_297 = arith.constant 0 : i32
      %dma_wait3A_298 = arith.constant 0 : i32
      %dma_wait3A_299 = tpu.memref_slice %arg3[%add3A, %add3A_291, %dma_wait3A_297, %dma_wait3A_298] : memref<32x79x2x128xi32, #tpu.memory_space<hbm>> -> memref<1x1x2x128xi32, #tpu.memory_space<hbm>>
      %dma_wait3A_300 = tpu.memref_squeeze %dma_wait3A_299 : memref<1x1x2x128xi32, #tpu.memory_space<hbm>> -> memref<2x128xi32, #tpu.memory_space<hbm>>
      %dma_wait3A_301 = arith.constant 0 : i32
      %dma_wait3A_302 = arith.constant 0 : i32
      %dma_wait3A_303 = tpu.memref_slice %arg6[%dma_wait3A_292, %dma_wait3A_301, %dma_wait3A_302] : memref<4x2x128xi32, #tpu.memory_space<vmem>> -> memref<1x2x128xi32, #tpu.memory_space<vmem>>
      %dma_wait3A_304 = tpu.memref_squeeze %dma_wait3A_303 : memref<1x2x128xi32, #tpu.memory_space<vmem>> -> memref<2x128xi32, #tpu.memory_space<vmem>>
      %dma_wait3A_305 = arith.constant 0 : i32
      %dma_wait3A_306 = arith.constant 0 : i32
      %dma_wait3A_307 = tpu.memref_slice %arg3[%add3A, %add3A_291, %dma_wait3A_305, %dma_wait3A_306] : memref<32x79x2x128xi32, #tpu.memory_space<hbm>> -> memref<1x1x2x128xi32, #tpu.memory_space<hbm>>
      %dma_wait3A_308 = tpu.memref_squeeze %dma_wait3A_307 : memref<1x1x2x128xi32, #tpu.memory_space<hbm>> -> memref<2x128xi32, #tpu.memory_space<hbm>>
      tpu.wait_dma2 semaphore(%arg13 : memref<!tpu.dma_semaphore, #tpu.memory_space<semaphore_mem>>) src(%dma_wait3A_308 : memref<2x128xi32, #tpu.memory_space<hbm>>) dst(%dma_wait3A_304 : memref<2x128xi32, #tpu.memory_space<vmem>>)
      %dma_start3A_309 = arith.constant 3 : i32
      %dma_start3A_310 = arith.constant 0 : i32
      %dma_start3A_311 = arith.constant 0 : i32
      %dma_start3A_312 = tpu.memref_slice %arg6[%dma_start3A_309, %dma_start3A_310, %dma_start3A_311] : memref<4x2x128xi32, #tpu.memory_space<vmem>> -> memref<1x1x128xi32, #tpu.memory_space<vmem>>
      %dma_start3A_313 = tpu.memref_squeeze %dma_start3A_312 : memref<1x1x128xi32, #tpu.memory_space<vmem>> -> memref<128xi32, #tpu.memory_space<vmem>>
      %dma_start3A_314 = arith.constant 0 : i32
      %dma_start3A_315 = arith.constant 0 : i32
      %dma_start3A_316 = tpu.memref_slice %arg2[%dma_start3A_314, %dma_start3A_315] : memref<10000x128xf32, #tpu.memory_space<hbm>> -> memref<10000x128xf32, #tpu.memory_space<hbm>>
      tpu.enqueue_indirect_dma source(%dma_start3A_316 : memref<10000x128xf32, #tpu.memory_space<hbm>>) target(%arg8 : memref<128x128xf32, #tpu.memory_space<vmem>>) offsets(%dma_start3A_313 : memref<128xi32, #tpu.memory_space<vmem>>) semaphore(%arg15 : memref<!tpu.dma_semaphore, #tpu.memory_space<semaphore_mem>>)
      %dma_wait3A_317 = arith.constant 2 : i32
      %dma_wait3A_318 = arith.constant 0 : i32
      %dma_wait3A_319 = arith.constant 0 : i32
      %dma_wait3A_320 = tpu.memref_slice %arg6[%dma_wait3A_317, %dma_wait3A_318, %dma_wait3A_319] : memref<4x2x128xi32, #tpu.memory_space<vmem>> -> memref<1x1x128xi32, #tpu.memory_space<vmem>>
      %dma_wait3A_321 = tpu.memref_squeeze %dma_wait3A_320 : memref<1x1x128xi32, #tpu.memory_space<vmem>> -> memref<128xi32, #tpu.memory_space<vmem>>
      %dma_wait3A_322 = arith.constant 0 : i32
      %dma_wait3A_323 = arith.constant 0 : i32
      %dma_wait3A_324 = tpu.memref_slice %arg2[%dma_wait3A_322, %dma_wait3A_323] : memref<10000x128xf32, #tpu.memory_space<hbm>> -> memref<10000x128xf32, #tpu.memory_space<hbm>>
      tpu.wait_indirect_dma semaphore(%arg14 : memref<!tpu.dma_semaphore, #tpu.memory_space<semaphore_mem>>) src(%dma_wait3A_324 : memref<10000x128xf32, #tpu.memory_space<hbm>>) dst(%arg7 : memref<128x128xf32, #tpu.memory_space<vmem>>)
      %run_scoped3A_325 = arith.constant 2 : i32
      %run_scoped3A_326 = arith.constant 1 : i32
      "tpu.region"() ({
        %run_scoped3A_360 = tpu.sem_alloc : memref<!tpu.dma_semaphore, #tpu.memory_space<semaphore_mem>>
        %dma_start3A_361 = arith.constant 0 : i32
        %dma_start3A_362 = tpu.memref_slice %arg6[%run_scoped3A_325, %run_scoped3A_326, %dma_start3A_361] : memref<4x2x128xi32, #tpu.memory_space<vmem>> -> memref<1x1x128xi32, #tpu.memory_space<vmem>>
        %dma_start3A_363 = tpu.memref_squeeze %dma_start3A_362 : memref<1x1x128xi32, #tpu.memory_space<vmem>> -> memref<128xi32, #tpu.memory_space<vmem>>
        %dma_start3A_364 = arith.constant 0 : i32
        %dma_start3A_365 = arith.constant 0 : i32
        %dma_start3A_366 = tpu.memref_slice %arg9[%dma_start3A_364, %dma_start3A_365] : memref<10112x128xf32, #tpu.memory_space<vmem_shared>> -> memref<10112x128xf32, #tpu.memory_space<vmem_shared>>
        tpu.enqueue_indirect_dma source(%arg7 : memref<128x128xf32, #tpu.memory_space<vmem>>) target(%dma_start3A_366 : memref<10112x128xf32, #tpu.memory_space<vmem_shared>>) offsets(%dma_start3A_363 : memref<128xi32, #tpu.memory_space<vmem>>) semaphore(%run_scoped3A_360 : memref<!tpu.dma_semaphore, #tpu.memory_space<semaphore_mem>>) {add = true}
        %dma_wait3A_367 = arith.constant 0 : i32
        %dma_wait3A_368 = tpu.memref_slice %arg6[%run_scoped3A_325, %run_scoped3A_326, %dma_wait3A_367] : memref<4x2x128xi32, #tpu.memory_space<vmem>> -> memref<1x1x128xi32, #tpu.memory_space<vmem>>
        %dma_wait3A_369 = tpu.memref_squeeze %dma_wait3A_368 : memref<1x1x128xi32, #tpu.memory_space<vmem>> -> memref<128xi32, #tpu.memory_space<vmem>>
        %dma_wait3A_370 = arith.constant 0 : i32
        %dma_wait3A_371 = arith.constant 0 : i32
        %dma_wait3A_372 = tpu.memref_slice %arg9[%dma_wait3A_370, %dma_wait3A_371] : memref<10112x128xf32, #tpu.memory_space<vmem_shared>> -> memref<10112x128xf32, #tpu.memory_space<vmem_shared>>
        tpu.wait_indirect_dma semaphore(%run_scoped3A_360 : memref<!tpu.dma_semaphore, #tpu.memory_space<semaphore_mem>>) src(%arg7 : memref<128x128xf32, #tpu.memory_space<vmem>>) dst(%dma_wait3A_372 : memref<10112x128xf32, #tpu.memory_space<vmem_shared>>)
        tpu.yield
      }) : () -> ()
      %add3A_327 = arith.constant 4 : i32
      %add3A_328 = arith.addi %add3A_289, %add3A_327 : i32
      %lt3A_329 = arith.constant 79 : i32
      %lt3A_330 = arith.cmpi slt, %add3A_328, %lt3A_329 : i32
      %convert_element_type3A_331 = arith.extui %lt3A_330 : i1 to i32
      %cond3A_332 = arith.constant 0 : i32
      %cond3A_333 = arith.cmpi ne, %convert_element_type3A_331, %cond3A_332 : i32
      scf.if %cond3A_333 {
        %add3A_360 = arith.constant 4 : i32
        %add3A_361 = arith.addi %add3A_289, %add3A_360 : i32
        %dma_start3A_362 = arith.constant 2 : i32
        %dma_start3A_363 = arith.constant 0 : i32
        %dma_start3A_364 = arith.constant 0 : i32
        %dma_start3A_365 = tpu.memref_slice %arg6[%dma_start3A_362, %dma_start3A_363, %dma_start3A_364] : memref<4x2x128xi32, #tpu.memory_space<vmem>> -> memref<1x2x128xi32, #tpu.memory_space<vmem>>
        %dma_start3A_366 = tpu.memref_squeeze %dma_start3A_365 : memref<1x2x128xi32, #tpu.memory_space<vmem>> -> memref<2x128xi32, #tpu.memory_space<vmem>>
        %dma_start3A_367 = arith.constant 0 : i32
        %dma_start3A_368 = arith.constant 0 : i32
        %dma_start3A_369 = tpu.memref_slice %arg3[%add3A, %add3A_361, %dma_start3A_367, %dma_start3A_368] : memref<32x79x2x128xi32, #tpu.memory_space<hbm>> -> memref<1x1x2x128xi32, #tpu.memory_space<hbm>>
        %dma_start3A_370 = tpu.memref_squeeze %dma_start3A_369 : memref<1x1x2x128xi32, #tpu.memory_space<hbm>> -> memref<2x128xi32, #tpu.memory_space<hbm>>
        %dma_start3A_371 = arith.constant 0 : i32
        %dma_start3A_372 = arith.constant 0 : i32
        %dma_start3A_373 = tpu.memref_slice %arg6[%dma_start3A_362, %dma_start3A_371, %dma_start3A_372] : memref<4x2x128xi32, #tpu.memory_space<vmem>> -> memref<1x2x128xi32, #tpu.memory_space<vmem>>
        %dma_start3A_374 = tpu.memref_squeeze %dma_start3A_373 : memref<1x2x128xi32, #tpu.memory_space<vmem>> -> memref<2x128xi32, #tpu.memory_space<vmem>>
        %dma_start3A_375 = arith.constant 0 : i32
        %dma_start3A_376 = arith.constant 0 : i32
        %dma_start3A_377 = tpu.memref_slice %arg3[%add3A, %add3A_361, %dma_start3A_375, %dma_start3A_376] : memref<32x79x2x128xi32, #tpu.memory_space<hbm>> -> memref<1x1x2x128xi32, #tpu.memory_space<hbm>>
        %dma_start3A_378 = tpu.memref_squeeze %dma_start3A_377 : memref<1x1x2x128xi32, #tpu.memory_space<hbm>> -> memref<2x128xi32, #tpu.memory_space<hbm>>
        tpu.enqueue_dma source(%dma_start3A_378 : memref<2x128xi32, #tpu.memory_space<hbm>>) target(%dma_start3A_374 : memref<2x128xi32, #tpu.memory_space<vmem>>) target_semaphore(%arg12 : memref<!tpu.dma_semaphore, #tpu.memory_space<semaphore_mem>>)
      } else {
      }
      %add3A_334 = arith.constant 3 : i32
      %add3A_335 = arith.addi %mul3A_198, %add3A_334 : i32
      %add3A_336 = arith.constant 1 : i32
      %add3A_337 = arith.addi %add3A_335, %add3A_336 : i32
      %lt3A_338 = arith.constant 79 : i32
      %lt3A_339 = arith.cmpi slt, %add3A_337, %lt3A_338 : i32
      %convert_element_type3A_340 = arith.extui %lt3A_339 : i1 to i32
      %cond3A_341 = arith.constant 0 : i32
      %cond3A_342 = arith.cmpi ne, %convert_element_type3A_340, %cond3A_341 : i32
      scf.if %cond3A_342 {
        %add3A_360 = arith.constant 1 : i32
        %add3A_361 = arith.addi %add3A_335, %add3A_360 : i32
        %dma_wait3A_362 = arith.constant 0 : i32
        %dma_wait3A_363 = arith.constant 0 : i32
        %dma_wait3A_364 = arith.constant 0 : i32
        %dma_wait3A_365 = tpu.memref_slice %arg6[%dma_wait3A_362, %dma_wait3A_363, %dma_wait3A_364] : memref<4x2x128xi32, #tpu.memory_space<vmem>> -> memref<1x2x128xi32, #tpu.memory_space<vmem>>
        %dma_wait3A_366 = tpu.memref_squeeze %dma_wait3A_365 : memref<1x2x128xi32, #tpu.memory_space<vmem>> -> memref<2x128xi32, #tpu.memory_space<vmem>>
        %dma_wait3A_367 = arith.constant 0 : i32
        %dma_wait3A_368 = arith.constant 0 : i32
        %dma_wait3A_369 = tpu.memref_slice %arg3[%add3A, %add3A_361, %dma_wait3A_367, %dma_wait3A_368] : memref<32x79x2x128xi32, #tpu.memory_space<hbm>> -> memref<1x1x2x128xi32, #tpu.memory_space<hbm>>
        %dma_wait3A_370 = tpu.memref_squeeze %dma_wait3A_369 : memref<1x1x2x128xi32, #tpu.memory_space<hbm>> -> memref<2x128xi32, #tpu.memory_space<hbm>>
        %dma_wait3A_371 = arith.constant 0 : i32
        %dma_wait3A_372 = arith.constant 0 : i32
        %dma_wait3A_373 = tpu.memref_slice %arg6[%dma_wait3A_362, %dma_wait3A_371, %dma_wait3A_372] : memref<4x2x128xi32, #tpu.memory_space<vmem>> -> memref<1x2x128xi32, #tpu.memory_space<vmem>>
        %dma_wait3A_374 = tpu.memref_squeeze %dma_wait3A_373 : memref<1x2x128xi32, #tpu.memory_space<vmem>> -> memref<2x128xi32, #tpu.memory_space<vmem>>
        %dma_wait3A_375 = arith.constant 0 : i32
        %dma_wait3A_376 = arith.constant 0 : i32
        %dma_wait3A_377 = tpu.memref_slice %arg3[%add3A, %add3A_361, %dma_wait3A_375, %dma_wait3A_376] : memref<32x79x2x128xi32, #tpu.memory_space<hbm>> -> memref<1x1x2x128xi32, #tpu.memory_space<hbm>>
        %dma_wait3A_378 = tpu.memref_squeeze %dma_wait3A_377 : memref<1x1x2x128xi32, #tpu.memory_space<hbm>> -> memref<2x128xi32, #tpu.memory_space<hbm>>
        tpu.wait_dma2 semaphore(%arg10 : memref<!tpu.dma_semaphore, #tpu.memory_space<semaphore_mem>>) src(%dma_wait3A_378 : memref<2x128xi32, #tpu.memory_space<hbm>>) dst(%dma_wait3A_374 : memref<2x128xi32, #tpu.memory_space<vmem>>)
        %dma_start3A_379 = arith.constant 0 : i32
        %dma_start3A_380 = arith.constant 0 : i32
        %dma_start3A_381 = arith.constant 0 : i32
        %dma_start3A_382 = tpu.memref_slice %arg6[%dma_start3A_379, %dma_start3A_380, %dma_start3A_381] : memref<4x2x128xi32, #tpu.memory_space<vmem>> -> memref<1x1x128xi32, #tpu.memory_space<vmem>>
        %dma_start3A_383 = tpu.memref_squeeze %dma_start3A_382 : memref<1x1x128xi32, #tpu.memory_space<vmem>> -> memref<128xi32, #tpu.memory_space<vmem>>
        %dma_start3A_384 = arith.constant 0 : i32
        %dma_start3A_385 = arith.constant 0 : i32
        %dma_start3A_386 = tpu.memref_slice %arg2[%dma_start3A_384, %dma_start3A_385] : memref<10000x128xf32, #tpu.memory_space<hbm>> -> memref<10000x128xf32, #tpu.memory_space<hbm>>
        tpu.enqueue_indirect_dma source(%dma_start3A_386 : memref<10000x128xf32, #tpu.memory_space<hbm>>) target(%arg7 : memref<128x128xf32, #tpu.memory_space<vmem>>) offsets(%dma_start3A_383 : memref<128xi32, #tpu.memory_space<vmem>>) semaphore(%arg14 : memref<!tpu.dma_semaphore, #tpu.memory_space<semaphore_mem>>)
      } else {
      }
      %dma_wait3A_343 = arith.constant 3 : i32
      %dma_wait3A_344 = arith.constant 0 : i32
      %dma_wait3A_345 = arith.constant 0 : i32
      %dma_wait3A_346 = tpu.memref_slice %arg6[%dma_wait3A_343, %dma_wait3A_344, %dma_wait3A_345] : memref<4x2x128xi32, #tpu.memory_space<vmem>> -> memref<1x1x128xi32, #tpu.memory_space<vmem>>
      %dma_wait3A_347 = tpu.memref_squeeze %dma_wait3A_346 : memref<1x1x128xi32, #tpu.memory_space<vmem>> -> memref<128xi32, #tpu.memory_space<vmem>>
      %dma_wait3A_348 = arith.constant 0 : i32
      %dma_wait3A_349 = arith.constant 0 : i32
      %dma_wait3A_350 = tpu.memref_slice %arg2[%dma_wait3A_348, %dma_wait3A_349] : memref<10000x128xf32, #tpu.memory_space<hbm>> -> memref<10000x128xf32, #tpu.memory_space<hbm>>
      tpu.wait_indirect_dma semaphore(%arg15 : memref<!tpu.dma_semaphore, #tpu.memory_space<semaphore_mem>>) src(%dma_wait3A_350 : memref<10000x128xf32, #tpu.memory_space<hbm>>) dst(%arg8 : memref<128x128xf32, #tpu.memory_space<vmem>>)
      %run_scoped3A_351 = arith.constant 3 : i32
      %run_scoped3A_352 = arith.constant 1 : i32
      "tpu.region"() ({
        %run_scoped3A_360 = tpu.sem_alloc : memref<!tpu.dma_semaphore, #tpu.memory_space<semaphore_mem>>
        %dma_start3A_361 = arith.constant 0 : i32
        %dma_start3A_362 = tpu.memref_slice %arg6[%run_scoped3A_351, %run_scoped3A_352, %dma_start3A_361] : memref<4x2x128xi32, #tpu.memory_space<vmem>> -> memref<1x1x128xi32, #tpu.memory_space<vmem>>
        %dma_start3A_363 = tpu.memref_squeeze %dma_start3A_362 : memref<1x1x128xi32, #tpu.memory_space<vmem>> -> memref<128xi32, #tpu.memory_space<vmem>>
        %dma_start3A_364 = arith.constant 0 : i32
        %dma_start3A_365 = arith.constant 0 : i32
        %dma_start3A_366 = tpu.memref_slice %arg9[%dma_start3A_364, %dma_start3A_365] : memref<10112x128xf32, #tpu.memory_space<vmem_shared>> -> memref<10112x128xf32, #tpu.memory_space<vmem_shared>>
        tpu.enqueue_indirect_dma source(%arg8 : memref<128x128xf32, #tpu.memory_space<vmem>>) target(%dma_start3A_366 : memref<10112x128xf32, #tpu.memory_space<vmem_shared>>) offsets(%dma_start3A_363 : memref<128xi32, #tpu.memory_space<vmem>>) semaphore(%run_scoped3A_360 : memref<!tpu.dma_semaphore, #tpu.memory_space<semaphore_mem>>) {add = true}
        %dma_wait3A_367 = arith.constant 0 : i32
        %dma_wait3A_368 = tpu.memref_slice %arg6[%run_scoped3A_351, %run_scoped3A_352, %dma_wait3A_367] : memref<4x2x128xi32, #tpu.memory_space<vmem>> -> memref<1x1x128xi32, #tpu.memory_space<vmem>>
        %dma_wait3A_369 = tpu.memref_squeeze %dma_wait3A_368 : memref<1x1x128xi32, #tpu.memory_space<vmem>> -> memref<128xi32, #tpu.memory_space<vmem>>
        %dma_wait3A_370 = arith.constant 0 : i32
        %dma_wait3A_371 = arith.constant 0 : i32
        %dma_wait3A_372 = tpu.memref_slice %arg9[%dma_wait3A_370, %dma_wait3A_371] : memref<10112x128xf32, #tpu.memory_space<vmem_shared>> -> memref<10112x128xf32, #tpu.memory_space<vmem_shared>>
        tpu.wait_indirect_dma semaphore(%run_scoped3A_360 : memref<!tpu.dma_semaphore, #tpu.memory_space<semaphore_mem>>) src(%arg8 : memref<128x128xf32, #tpu.memory_space<vmem>>) dst(%dma_wait3A_372 : memref<10112x128xf32, #tpu.memory_space<vmem_shared>>)
        tpu.yield
      }) : () -> ()
      %add3A_353 = arith.constant 4 : i32
      %add3A_354 = arith.addi %add3A_335, %add3A_353 : i32
      %lt3A_355 = arith.constant 79 : i32
      %lt3A_356 = arith.cmpi slt, %add3A_354, %lt3A_355 : i32
      %convert_element_type3A_357 = arith.extui %lt3A_356 : i1 to i32
      %cond3A_358 = arith.constant 0 : i32
      %cond3A_359 = arith.cmpi ne, %convert_element_type3A_357, %cond3A_358 : i32
      scf.if %cond3A_359 {
        %add3A_360 = arith.constant 4 : i32
        %add3A_361 = arith.addi %add3A_335, %add3A_360 : i32
        %dma_start3A_362 = arith.constant 3 : i32
        %dma_start3A_363 = arith.constant 0 : i32
        %dma_start3A_364 = arith.constant 0 : i32
        %dma_start3A_365 = tpu.memref_slice %arg6[%dma_start3A_362, %dma_start3A_363, %dma_start3A_364] : memref<4x2x128xi32, #tpu.memory_space<vmem>> -> memref<1x2x128xi32, #tpu.memory_space<vmem>>
        %dma_start3A_366 = tpu.memref_squeeze %dma_start3A_365 : memref<1x2x128xi32, #tpu.memory_space<vmem>> -> memref<2x128xi32, #tpu.memory_space<vmem>>
        %dma_start3A_367 = arith.constant 0 : i32
        %dma_start3A_368 = arith.constant 0 : i32
        %dma_start3A_369 = tpu.memref_slice %arg3[%add3A, %add3A_361, %dma_start3A_367, %dma_start3A_368] : memref<32x79x2x128xi32, #tpu.memory_space<hbm>> -> memref<1x1x2x128xi32, #tpu.memory_space<hbm>>
        %dma_start3A_370 = tpu.memref_squeeze %dma_start3A_369 : memref<1x1x2x128xi32, #tpu.memory_space<hbm>> -> memref<2x128xi32, #tpu.memory_space<hbm>>
        %dma_start3A_371 = arith.constant 0 : i32
        %dma_start3A_372 = arith.constant 0 : i32
        %dma_start3A_373 = tpu.memref_slice %arg6[%dma_start3A_362, %dma_start3A_371, %dma_start3A_372] : memref<4x2x128xi32, #tpu.memory_space<vmem>> -> memref<1x2x128xi32, #tpu.memory_space<vmem>>
        %dma_start3A_374 = tpu.memref_squeeze %dma_start3A_373 : memref<1x2x128xi32, #tpu.memory_space<vmem>> -> memref<2x128xi32, #tpu.memory_space<vmem>>
        %dma_start3A_375 = arith.constant 0 : i32
        %dma_start3A_376 = arith.constant 0 : i32
        %dma_start3A_377 = tpu.memref_slice %arg3[%add3A, %add3A_361, %dma_start3A_375, %dma_start3A_376] : memref<32x79x2x128xi32, #tpu.memory_space<hbm>> -> memref<1x1x2x128xi32, #tpu.memory_space<hbm>>
        %dma_start3A_378 = tpu.memref_squeeze %dma_start3A_377 : memref<1x1x2x128xi32, #tpu.memory_space<hbm>> -> memref<2x128xi32, #tpu.memory_space<hbm>>
        tpu.enqueue_dma source(%dma_start3A_378 : memref<2x128xi32, #tpu.memory_space<hbm>>) target(%dma_start3A_374 : memref<2x128xi32, #tpu.memory_space<vmem>>) target_semaphore(%arg13 : memref<!tpu.dma_semaphore, #tpu.memory_space<semaphore_mem>>)
      } else {
      }
    }
    %scan3A_113 = arith.constant 19 : i32
    %dma_wait3A_114 = arith.constant 77 : i32
    %dma_wait3A_115 = arith.constant 1 : i32
    %dma_wait3A_116 = arith.constant 0 : i32
    %dma_wait3A_117 = arith.constant 0 : i32
    %dma_wait3A_118 = tpu.memref_slice %arg6[%dma_wait3A_115, %dma_wait3A_116, %dma_wait3A_117] : memref<4x2x128xi32, #tpu.memory_space<vmem>> -> memref<1x2x128xi32, #tpu.memory_space<vmem>>
    %dma_wait3A_119 = tpu.memref_squeeze %dma_wait3A_118 : memref<1x2x128xi32, #tpu.memory_space<vmem>> -> memref<2x128xi32, #tpu.memory_space<vmem>>
    %dma_wait3A_120 = arith.constant 0 : i32
    %dma_wait3A_121 = arith.constant 0 : i32
    %dma_wait3A_122 = tpu.memref_slice %arg3[%add3A, %dma_wait3A_114, %dma_wait3A_120, %dma_wait3A_121] : memref<32x79x2x128xi32, #tpu.memory_space<hbm>> -> memref<1x1x2x128xi32, #tpu.memory_space<hbm>>
    %dma_wait3A_123 = tpu.memref_squeeze %dma_wait3A_122 : memref<1x1x2x128xi32, #tpu.memory_space<hbm>> -> memref<2x128xi32, #tpu.memory_space<hbm>>
    %dma_wait3A_124 = arith.constant 0 : i32
    %dma_wait3A_125 = arith.constant 0 : i32
    %dma_wait3A_126 = tpu.memref_slice %arg6[%dma_wait3A_115, %dma_wait3A_124, %dma_wait3A_125] : memref<4x2x128xi32, #tpu.memory_space<vmem>> -> memref<1x2x128xi32, #tpu.memory_space<vmem>>
    %dma_wait3A_127 = tpu.memref_squeeze %dma_wait3A_126 : memref<1x2x128xi32, #tpu.memory_space<vmem>> -> memref<2x128xi32, #tpu.memory_space<vmem>>
    %dma_wait3A_128 = arith.constant 0 : i32
    %dma_wait3A_129 = arith.constant 0 : i32
    %dma_wait3A_130 = tpu.memref_slice %arg3[%add3A, %dma_wait3A_114, %dma_wait3A_128, %dma_wait3A_129] : memref<32x79x2x128xi32, #tpu.memory_space<hbm>> -> memref<1x1x2x128xi32, #tpu.memory_space<hbm>>
    %dma_wait3A_131 = tpu.memref_squeeze %dma_wait3A_130 : memref<1x1x2x128xi32, #tpu.memory_space<hbm>> -> memref<2x128xi32, #tpu.memory_space<hbm>>
    tpu.wait_dma2 semaphore(%arg11 : memref<!tpu.dma_semaphore, #tpu.memory_space<semaphore_mem>>) src(%dma_wait3A_131 : memref<2x128xi32, #tpu.memory_space<hbm>>) dst(%dma_wait3A_127 : memref<2x128xi32, #tpu.memory_space<vmem>>)
    %dma_start3A_132 = arith.constant 1 : i32
    %dma_start3A_133 = arith.constant 0 : i32
    %dma_start3A_134 = arith.constant 0 : i32
    %dma_start3A_135 = tpu.memref_slice %arg6[%dma_start3A_132, %dma_start3A_133, %dma_start3A_134] : memref<4x2x128xi32, #tpu.memory_space<vmem>> -> memref<1x1x128xi32, #tpu.memory_space<vmem>>
    %dma_start3A_136 = tpu.memref_squeeze %dma_start3A_135 : memref<1x1x128xi32, #tpu.memory_space<vmem>> -> memref<128xi32, #tpu.memory_space<vmem>>
    %dma_start3A_137 = arith.constant 0 : i32
    %dma_start3A_138 = arith.constant 0 : i32
    %dma_start3A_139 = tpu.memref_slice %arg2[%dma_start3A_137, %dma_start3A_138] : memref<10000x128xf32, #tpu.memory_space<hbm>> -> memref<10000x128xf32, #tpu.memory_space<hbm>>
    tpu.enqueue_indirect_dma source(%dma_start3A_139 : memref<10000x128xf32, #tpu.memory_space<hbm>>) target(%arg8 : memref<128x128xf32, #tpu.memory_space<vmem>>) offsets(%dma_start3A_136 : memref<128xi32, #tpu.memory_space<vmem>>) semaphore(%arg15 : memref<!tpu.dma_semaphore, #tpu.memory_space<semaphore_mem>>)
    %dma_wait3A_140 = arith.constant 0 : i32
    %dma_wait3A_141 = arith.constant 0 : i32
    %dma_wait3A_142 = arith.constant 0 : i32
    %dma_wait3A_143 = tpu.memref_slice %arg6[%dma_wait3A_140, %dma_wait3A_141, %dma_wait3A_142] : memref<4x2x128xi32, #tpu.memory_space<vmem>> -> memref<1x1x128xi32, #tpu.memory_space<vmem>>
    %dma_wait3A_144 = tpu.memref_squeeze %dma_wait3A_143 : memref<1x1x128xi32, #tpu.memory_space<vmem>> -> memref<128xi32, #tpu.memory_space<vmem>>
    %dma_wait3A_145 = arith.constant 0 : i32
    %dma_wait3A_146 = arith.constant 0 : i32
    %dma_wait3A_147 = tpu.memref_slice %arg2[%dma_wait3A_145, %dma_wait3A_146] : memref<10000x128xf32, #tpu.memory_space<hbm>> -> memref<10000x128xf32, #tpu.memory_space<hbm>>
    tpu.wait_indirect_dma semaphore(%arg14 : memref<!tpu.dma_semaphore, #tpu.memory_space<semaphore_mem>>) src(%dma_wait3A_147 : memref<10000x128xf32, #tpu.memory_space<hbm>>) dst(%arg7 : memref<128x128xf32, #tpu.memory_space<vmem>>)
    %run_scoped3A = arith.constant 0 : i32
    %run_scoped3A_148 = arith.constant 1 : i32
    "tpu.region"() ({
      %run_scoped3A_196 = tpu.sem_alloc : memref<!tpu.dma_semaphore, #tpu.memory_space<semaphore_mem>>
      %dma_start3A_197 = arith.constant 0 : i32
      %dma_start3A_198 = tpu.memref_slice %arg6[%run_scoped3A, %run_scoped3A_148, %dma_start3A_197] : memref<4x2x128xi32, #tpu.memory_space<vmem>> -> memref<1x1x128xi32, #tpu.memory_space<vmem>>
      %dma_start3A_199 = tpu.memref_squeeze %dma_start3A_198 : memref<1x1x128xi32, #tpu.memory_space<vmem>> -> memref<128xi32, #tpu.memory_space<vmem>>
      %dma_start3A_200 = arith.constant 0 : i32
      %dma_start3A_201 = arith.constant 0 : i32
      %dma_start3A_202 = tpu.memref_slice %arg9[%dma_start3A_200, %dma_start3A_201] : memref<10112x128xf32, #tpu.memory_space<vmem_shared>> -> memref<10112x128xf32, #tpu.memory_space<vmem_shared>>
      tpu.enqueue_indirect_dma source(%arg7 : memref<128x128xf32, #tpu.memory_space<vmem>>) target(%dma_start3A_202 : memref<10112x128xf32, #tpu.memory_space<vmem_shared>>) offsets(%dma_start3A_199 : memref<128xi32, #tpu.memory_space<vmem>>) semaphore(%run_scoped3A_196 : memref<!tpu.dma_semaphore, #tpu.memory_space<semaphore_mem>>) {add = true}
      %dma_wait3A_203 = arith.constant 0 : i32
      %dma_wait3A_204 = tpu.memref_slice %arg6[%run_scoped3A, %run_scoped3A_148, %dma_wait3A_203] : memref<4x2x128xi32, #tpu.memory_space<vmem>> -> memref<1x1x128xi32, #tpu.memory_space<vmem>>
      %dma_wait3A_205 = tpu.memref_squeeze %dma_wait3A_204 : memref<1x1x128xi32, #tpu.memory_space<vmem>> -> memref<128xi32, #tpu.memory_space<vmem>>
      %dma_wait3A_206 = arith.constant 0 : i32
      %dma_wait3A_207 = arith.constant 0 : i32
      %dma_wait3A_208 = tpu.memref_slice %arg9[%dma_wait3A_206, %dma_wait3A_207] : memref<10112x128xf32, #tpu.memory_space<vmem_shared>> -> memref<10112x128xf32, #tpu.memory_space<vmem_shared>>
      tpu.wait_indirect_dma semaphore(%run_scoped3A_196 : memref<!tpu.dma_semaphore, #tpu.memory_space<semaphore_mem>>) src(%arg7 : memref<128x128xf32, #tpu.memory_space<vmem>>) dst(%dma_wait3A_208 : memref<10112x128xf32, #tpu.memory_space<vmem_shared>>)
      tpu.yield
    }) : () -> ()
    %dma_wait3A_149 = arith.constant 78 : i32
    %dma_wait3A_150 = arith.constant 2 : i32
    %dma_wait3A_151 = arith.constant 0 : i32
    %dma_wait3A_152 = arith.constant 0 : i32
    %dma_wait3A_153 = tpu.memref_slice %arg6[%dma_wait3A_150, %dma_wait3A_151, %dma_wait3A_152] : memref<4x2x128xi32, #tpu.memory_space<vmem>> -> memref<1x2x128xi32, #tpu.memory_space<vmem>>
    %dma_wait3A_154 = tpu.memref_squeeze %dma_wait3A_153 : memref<1x2x128xi32, #tpu.memory_space<vmem>> -> memref<2x128xi32, #tpu.memory_space<vmem>>
    %dma_wait3A_155 = arith.constant 0 : i32
    %dma_wait3A_156 = arith.constant 0 : i32
    %dma_wait3A_157 = tpu.memref_slice %arg3[%add3A, %dma_wait3A_149, %dma_wait3A_155, %dma_wait3A_156] : memref<32x79x2x128xi32, #tpu.memory_space<hbm>> -> memref<1x1x2x128xi32, #tpu.memory_space<hbm>>
    %dma_wait3A_158 = tpu.memref_squeeze %dma_wait3A_157 : memref<1x1x2x128xi32, #tpu.memory_space<hbm>> -> memref<2x128xi32, #tpu.memory_space<hbm>>
    %dma_wait3A_159 = arith.constant 0 : i32
    %dma_wait3A_160 = arith.constant 0 : i32
    %dma_wait3A_161 = tpu.memref_slice %arg6[%dma_wait3A_150, %dma_wait3A_159, %dma_wait3A_160] : memref<4x2x128xi32, #tpu.memory_space<vmem>> -> memref<1x2x128xi32, #tpu.memory_space<vmem>>
    %dma_wait3A_162 = tpu.memref_squeeze %dma_wait3A_161 : memref<1x2x128xi32, #tpu.memory_space<vmem>> -> memref<2x128xi32, #tpu.memory_space<vmem>>
    %dma_wait3A_163 = arith.constant 0 : i32
    %dma_wait3A_164 = arith.constant 0 : i32
    %dma_wait3A_165 = tpu.memref_slice %arg3[%add3A, %dma_wait3A_149, %dma_wait3A_163, %dma_wait3A_164] : memref<32x79x2x128xi32, #tpu.memory_space<hbm>> -> memref<1x1x2x128xi32, #tpu.memory_space<hbm>>
    %dma_wait3A_166 = tpu.memref_squeeze %dma_wait3A_165 : memref<1x1x2x128xi32, #tpu.memory_space<hbm>> -> memref<2x128xi32, #tpu.memory_space<hbm>>
    tpu.wait_dma2 semaphore(%arg12 : memref<!tpu.dma_semaphore, #tpu.memory_space<semaphore_mem>>) src(%dma_wait3A_166 : memref<2x128xi32, #tpu.memory_space<hbm>>) dst(%dma_wait3A_162 : memref<2x128xi32, #tpu.memory_space<vmem>>)
    %dma_start3A_167 = arith.constant 2 : i32
    %dma_start3A_168 = arith.constant 0 : i32
    %dma_start3A_169 = arith.constant 0 : i32
    %dma_start3A_170 = tpu.memref_slice %arg6[%dma_start3A_167, %dma_start3A_168, %dma_start3A_169] : memref<4x2x128xi32, #tpu.memory_space<vmem>> -> memref<1x1x128xi32, #tpu.memory_space<vmem>>
    %dma_start3A_171 = tpu.memref_squeeze %dma_start3A_170 : memref<1x1x128xi32, #tpu.memory_space<vmem>> -> memref<128xi32, #tpu.memory_space<vmem>>
    %dma_start3A_172 = arith.constant 0 : i32
    %dma_start3A_173 = arith.constant 0 : i32
    %dma_start3A_174 = tpu.memref_slice %arg2[%dma_start3A_172, %dma_start3A_173] : memref<10000x128xf32, #tpu.memory_space<hbm>> -> memref<10000x128xf32, #tpu.memory_space<hbm>>
    tpu.enqueue_indirect_dma source(%dma_start3A_174 : memref<10000x128xf32, #tpu.memory_space<hbm>>) target(%arg7 : memref<128x128xf32, #tpu.memory_space<vmem>>) offsets(%dma_start3A_171 : memref<128xi32, #tpu.memory_space<vmem>>) semaphore(%arg14 : memref<!tpu.dma_semaphore, #tpu.memory_space<semaphore_mem>>)
    %dma_wait3A_175 = arith.constant 1 : i32
    %dma_wait3A_176 = arith.constant 0 : i32
    %dma_wait3A_177 = arith.constant 0 : i32
    %dma_wait3A_178 = tpu.memref_slice %arg6[%dma_wait3A_175, %dma_wait3A_176, %dma_wait3A_177] : memref<4x2x128xi32, #tpu.memory_space<vmem>> -> memref<1x1x128xi32, #tpu.memory_space<vmem>>
    %dma_wait3A_179 = tpu.memref_squeeze %dma_wait3A_178 : memref<1x1x128xi32, #tpu.memory_space<vmem>> -> memref<128xi32, #tpu.memory_space<vmem>>
    %dma_wait3A_180 = arith.constant 0 : i32
    %dma_wait3A_181 = arith.constant 0 : i32
    %dma_wait3A_182 = tpu.memref_slice %arg2[%dma_wait3A_180, %dma_wait3A_181] : memref<10000x128xf32, #tpu.memory_space<hbm>> -> memref<10000x128xf32, #tpu.memory_space<hbm>>
    tpu.wait_indirect_dma semaphore(%arg15 : memref<!tpu.dma_semaphore, #tpu.memory_space<semaphore_mem>>) src(%dma_wait3A_182 : memref<10000x128xf32, #tpu.memory_space<hbm>>) dst(%arg8 : memref<128x128xf32, #tpu.memory_space<vmem>>)
    %run_scoped3A_183 = arith.constant 1 : i32
    %run_scoped3A_184 = arith.constant 1 : i32
    "tpu.region"() ({
      %run_scoped3A_196 = tpu.sem_alloc : memref<!tpu.dma_semaphore, #tpu.memory_space<semaphore_mem>>
      %dma_start3A_197 = arith.constant 0 : i32
      %dma_start3A_198 = tpu.memref_slice %arg6[%run_scoped3A_183, %run_scoped3A_184, %dma_start3A_197] : memref<4x2x128xi32, #tpu.memory_space<vmem>> -> memref<1x1x128xi32, #tpu.memory_space<vmem>>
      %dma_start3A_199 = tpu.memref_squeeze %dma_start3A_198 : memref<1x1x128xi32, #tpu.memory_space<vmem>> -> memref<128xi32, #tpu.memory_space<vmem>>
      %dma_start3A_200 = arith.constant 0 : i32
      %dma_start3A_201 = arith.constant 0 : i32
      %dma_start3A_202 = tpu.memref_slice %arg9[%dma_start3A_200, %dma_start3A_201] : memref<10112x128xf32, #tpu.memory_space<vmem_shared>> -> memref<10112x128xf32, #tpu.memory_space<vmem_shared>>
      tpu.enqueue_indirect_dma source(%arg8 : memref<128x128xf32, #tpu.memory_space<vmem>>) target(%dma_start3A_202 : memref<10112x128xf32, #tpu.memory_space<vmem_shared>>) offsets(%dma_start3A_199 : memref<128xi32, #tpu.memory_space<vmem>>) semaphore(%run_scoped3A_196 : memref<!tpu.dma_semaphore, #tpu.memory_space<semaphore_mem>>) {add = true}
      %dma_wait3A_203 = arith.constant 0 : i32
      %dma_wait3A_204 = tpu.memref_slice %arg6[%run_scoped3A_183, %run_scoped3A_184, %dma_wait3A_203] : memref<4x2x128xi32, #tpu.memory_space<vmem>> -> memref<1x1x128xi32, #tpu.memory_space<vmem>>
      %dma_wait3A_205 = tpu.memref_squeeze %dma_wait3A_204 : memref<1x1x128xi32, #tpu.memory_space<vmem>> -> memref<128xi32, #tpu.memory_space<vmem>>
      %dma_wait3A_206 = arith.constant 0 : i32
      %dma_wait3A_207 = arith.constant 0 : i32
      %dma_wait3A_208 = tpu.memref_slice %arg9[%dma_wait3A_206, %dma_wait3A_207] : memref<10112x128xf32, #tpu.memory_space<vmem_shared>> -> memref<10112x128xf32, #tpu.memory_space<vmem_shared>>
      tpu.wait_indirect_dma semaphore(%run_scoped3A_196 : memref<!tpu.dma_semaphore, #tpu.memory_space<semaphore_mem>>) src(%arg8 : memref<128x128xf32, #tpu.memory_space<vmem>>) dst(%dma_wait3A_208 : memref<10112x128xf32, #tpu.memory_space<vmem_shared>>)
      tpu.yield
    }) : () -> ()
    %dma_wait3A_185 = arith.constant 2 : i32
    %dma_wait3A_186 = arith.constant 0 : i32
    %dma_wait3A_187 = arith.constant 0 : i32
    %dma_wait3A_188 = tpu.memref_slice %arg6[%dma_wait3A_185, %dma_wait3A_186, %dma_wait3A_187] : memref<4x2x128xi32, #tpu.memory_space<vmem>> -> memref<1x1x128xi32, #tpu.memory_space<vmem>>
    %dma_wait3A_189 = tpu.memref_squeeze %dma_wait3A_188 : memref<1x1x128xi32, #tpu.memory_space<vmem>> -> memref<128xi32, #tpu.memory_space<vmem>>
    %dma_wait3A_190 = arith.constant 0 : i32
    %dma_wait3A_191 = arith.constant 0 : i32
    %dma_wait3A_192 = tpu.memref_slice %arg2[%dma_wait3A_190, %dma_wait3A_191] : memref<10000x128xf32, #tpu.memory_space<hbm>> -> memref<10000x128xf32, #tpu.memory_space<hbm>>
    tpu.wait_indirect_dma semaphore(%arg14 : memref<!tpu.dma_semaphore, #tpu.memory_space<semaphore_mem>>) src(%dma_wait3A_192 : memref<10000x128xf32, #tpu.memory_space<hbm>>) dst(%arg7 : memref<128x128xf32, #tpu.memory_space<vmem>>)
    %run_scoped3A_193 = arith.constant 2 : i32
    %run_scoped3A_194 = arith.constant 1 : i32
    "tpu.region"() ({
      %run_scoped3A_196 = tpu.sem_alloc : memref<!tpu.dma_semaphore, #tpu.memory_space<semaphore_mem>>
      %dma_start3A_197 = arith.constant 0 : i32
      %dma_start3A_198 = tpu.memref_slice %arg6[%run_scoped3A_193, %run_scoped3A_194, %dma_start3A_197] : memref<4x2x128xi32, #tpu.memory_space<vmem>> -> memref<1x1x128xi32, #tpu.memory_space<vmem>>
      %dma_start3A_199 = tpu.memref_squeeze %dma_start3A_198 : memref<1x1x128xi32, #tpu.memory_space<vmem>> -> memref<128xi32, #tpu.memory_space<vmem>>
      %dma_start3A_200 = arith.constant 0 : i32
      %dma_start3A_201 = arith.constant 0 : i32
      %dma_start3A_202 = tpu.memref_slice %arg9[%dma_start3A_200, %dma_start3A_201] : memref<10112x128xf32, #tpu.memory_space<vmem_shared>> -> memref<10112x128xf32, #tpu.memory_space<vmem_shared>>
      tpu.enqueue_indirect_dma source(%arg7 : memref<128x128xf32, #tpu.memory_space<vmem>>) target(%dma_start3A_202 : memref<10112x128xf32, #tpu.memory_space<vmem_shared>>) offsets(%dma_start3A_199 : memref<128xi32, #tpu.memory_space<vmem>>) semaphore(%run_scoped3A_196 : memref<!tpu.dma_semaphore, #tpu.memory_space<semaphore_mem>>) {add = true}
      %dma_wait3A_203 = arith.constant 0 : i32
      %dma_wait3A_204 = tpu.memref_slice %arg6[%run_scoped3A_193, %run_scoped3A_194, %dma_wait3A_203] : memref<4x2x128xi32, #tpu.memory_space<vmem>> -> memref<1x1x128xi32, #tpu.memory_space<vmem>>
      %dma_wait3A_205 = tpu.memref_squeeze %dma_wait3A_204 : memref<1x1x128xi32, #tpu.memory_space<vmem>> -> memref<128xi32, #tpu.memory_space<vmem>>
      %dma_wait3A_206 = arith.constant 0 : i32
      %dma_wait3A_207 = arith.constant 0 : i32
      %dma_wait3A_208 = tpu.memref_slice %arg9[%dma_wait3A_206, %dma_wait3A_207] : memref<10112x128xf32, #tpu.memory_space<vmem_shared>> -> memref<10112x128xf32, #tpu.memory_space<vmem_shared>>
      tpu.wait_indirect_dma semaphore(%run_scoped3A_196 : memref<!tpu.dma_semaphore, #tpu.memory_space<semaphore_mem>>) src(%arg7 : memref<128x128xf32, #tpu.memory_space<vmem>>) dst(%dma_wait3A_208 : memref<10112x128xf32, #tpu.memory_space<vmem_shared>>)
      tpu.yield
    }) : () -> ()
    %barrier3A_195 = arith.constant 0 : index
    tpu.barrier barrier_id(%barrier3A_195)
    "tpu.region"() ({
      %run_scoped3A_196 = tpu.sem_alloc : memref<!tpu.dma_semaphore, #tpu.memory_space<semaphore_mem>>
      %dma_start3A_197 = arith.constant 0 : i32
      %dma_start3A_198 = tpu.memref_slice %arg5[%arg0, %mul3A_2, %dma_start3A_197] : memref<2x10112x128xf32, #tpu.memory_space<hbm>> -> memref<1x632x128xf32, #tpu.memory_space<hbm>>
      %dma_start3A_199 = tpu.memref_squeeze %dma_start3A_198 : memref<1x632x128xf32, #tpu.memory_space<hbm>> -> memref<632x128xf32, #tpu.memory_space<hbm>>
      %dma_start3A_200 = arith.constant 0 : i32
      %dma_start3A_201 = tpu.memref_slice %arg9[%mul3A_2, %dma_start3A_200] : memref<10112x128xf32, #tpu.memory_space<vmem_shared>> -> memref<632x128xf32, #tpu.memory_space<vmem_shared>>
      tpu.enqueue_dma source(%dma_start3A_201 : memref<632x128xf32, #tpu.memory_space<vmem_shared>>) target(%dma_start3A_199 : memref<632x128xf32, #tpu.memory_space<hbm>>) target_semaphore(%run_scoped3A_196 : memref<!tpu.dma_semaphore, #tpu.memory_space<semaphore_mem>>)
      %dma_wait3A_202 = arith.constant 0 : i32
      %dma_wait3A_203 = tpu.memref_slice %arg5[%arg0, %mul3A_2, %dma_wait3A_202] : memref<2x10112x128xf32, #tpu.memory_space<hbm>> -> memref<1x632x128xf32, #tpu.memory_space<hbm>>
      %dma_wait3A_204 = tpu.memref_squeeze %dma_wait3A_203 : memref<1x632x128xf32, #tpu.memory_space<hbm>> -> memref<632x128xf32, #tpu.memory_space<hbm>>
      %dma_wait3A_205 = arith.constant 0 : i32
      %dma_wait3A_206 = tpu.memref_slice %arg9[%mul3A_2, %dma_wait3A_205] : memref<10112x128xf32, #tpu.memory_space<vmem_shared>> -> memref<632x128xf32, #tpu.memory_space<vmem_shared>>
      tpu.wait_dma2 semaphore(%run_scoped3A_196 : memref<!tpu.dma_semaphore, #tpu.memory_space<semaphore_mem>>) src(%dma_wait3A_206 : memref<632x128xf32, #tpu.memory_space<vmem_shared>>) dst(%dma_wait3A_204 : memref<632x128xf32, #tpu.memory_space<hbm>>)
      tpu.yield
    }) : () -> ()
    return
  }
}

module attributes {stable_mosaic.version = 14 : i64} {
  func.func @_tc_dinv_body(%arg0: i32, %arg1: memref<2x400x128xf32, #tpu.memory_space<vmem>>, %arg2: memref<400x128xf32, #tpu.memory_space<vmem>>) attributes {dimension_semantics = [#tpu.dimension_semantics<arbitrary>], iteration_bounds = array<i64: 25>, scalar_prefetch = 0 : i64, scratch_operands = 0 : i64, tpu.core_type = #tpu.core_type<tc>, window_params = [{transform_indices = @transform_0, window_bounds = array<i64: 2, 400, 128>}, {transform_indices = @transform_1, window_bounds = array<i64: 400, 128>}]} {
    %get3A = arith.constant 0 : index
    %get3A_0 = arith.constant 0 : index
    %get3A_1 = arith.constant 0 : index
    %get3A_2 = vector.load %arg1[%get3A, %get3A_0, %get3A_1] : memref<2x400x128xf32, #tpu.memory_space<vmem>>, vector<1x400x1xf32>
    %get3A_3 = vector.shape_cast %get3A_2 : vector<1x400x1xf32> to vector<400x1xf32>
    %get3A_4 = arith.constant 1 : index
    %get3A_5 = arith.constant 0 : index
    %get3A_6 = arith.constant 0 : index
    %get3A_7 = vector.load %arg1[%get3A_4, %get3A_5, %get3A_6] : memref<2x400x128xf32, #tpu.memory_space<vmem>>, vector<1x400x1xf32>
    %get3A_8 = vector.shape_cast %get3A_7 : vector<1x400x1xf32> to vector<400x1xf32>
    %add3A = arith.addf %get3A_3, %get3A_8 : vector<400x1xf32>
    %add3A_9 = arith.constant 1.000000e+00 : f32
    %add3A_10 = vector.broadcast %add3A_9 : f32 to vector<400x1xf32>
    %add3A_11 = arith.addf %add3A, %add3A_10 : vector<400x1xf32>
    %rsqrt3A = math.rsqrt %add3A_11 : vector<400x1xf32>
    %broadcast_in_dim3A = vector.shape_cast %rsqrt3A : vector<400x1xf32> to vector<400x1xf32>
    %broadcast_in_dim3A_12 = vector.broadcast %broadcast_in_dim3A : vector<400x1xf32> to vector<400x128xf32>
    %swap3A = arith.constant 0 : index
    %swap3A_13 = arith.constant 0 : index
    %swap3A_14 = vector.load %arg2[%swap3A, %swap3A_13] : memref<400x128xf32, #tpu.memory_space<vmem>>, vector<400x128xf32>
    tpu.vector_store %arg2[%swap3A, %swap3A_13], %broadcast_in_dim3A_12 {strides = array<i32>} : memref<400x128xf32, #tpu.memory_space<vmem>>, vector<400x128xf32>,
    return
  }
  func.func @transform_0(%arg0: i32) -> (i32, i32, i32) {
    %c0_i32 = arith.constant 0 : i32
    %c0_i32_0 = arith.constant 0 : i32
    %c0_i32_1 = arith.constant 0 : i32
    return %c0_i32, %arg0, %c0_i32_0 : i32, i32, i32
  }
  func.func @transform_1(%arg0: i32) -> (i32, i32) {
    %c0_i32 = arith.constant 0 : i32
    %c0_i32_0 = arith.constant 0 : i32
    return %arg0, %c0_i32 : i32, i32
  }
}

module attributes {stable_mosaic.version = 14 : i64} {
  func.func @_tc_prep1_body(%arg0: i32, %arg1: memref<400x128xf32, #tpu.memory_space<vmem>>, %arg2: memref<400x128xf32, #tpu.memory_space<vmem>>, %arg3: memref<128x128xf32, #tpu.memory_space<vmem>>, %arg4: memref<1x128xf32, #tpu.memory_space<vmem>>, %arg5: memref<400x128xf32, #tpu.memory_space<vmem>>, %arg6: memref<400x128xf32, #tpu.memory_space<vmem>>) attributes {dimension_semantics = [#tpu.dimension_semantics<arbitrary>], iteration_bounds = array<i64: 25>, scalar_prefetch = 0 : i64, scratch_operands = 0 : i64, tpu.core_type = #tpu.core_type<tc>, window_params = [{transform_indices = @transform_0, window_bounds = array<i64: 400, 128>}, {transform_indices = @transform_1, window_bounds = array<i64: 400, 128>}, {pipeline_mode = #tpu.pipeline_mode<synchronous>, transform_indices = @transform_2, window_bounds = array<i64: 128, 128>}, {pipeline_mode = #tpu.pipeline_mode<synchronous>, transform_indices = @transform_3, window_bounds = array<i64: 1, 128>}, {transform_indices = @transform_4, window_bounds = array<i64: 400, 128>}, {transform_indices = @transform_5, window_bounds = array<i64: 400, 128>}]} {
    %get3A = arith.constant 0 : index
    %get3A_0 = arith.constant 0 : index
    %get3A_1 = vector.load %arg1[%get3A, %get3A_0] : memref<400x128xf32, #tpu.memory_space<vmem>>, vector<400x128xf32>
    %get3A_2 = arith.constant 0 : index
    %get3A_3 = arith.constant 0 : index
    %get3A_4 = vector.load %arg3[%get3A_2, %get3A_3] : memref<128x128xf32, #tpu.memory_space<vmem>>, vector<128x128xf32>
    %dot_general3A = arith.constant dense<0.000000e+00> : vector<400x128xf32>
    %dot_general3A_5 = tpu.matmul %get3A_1, %get3A_4, %dot_general3A {dimension_numbers = #tpu.dot_dimension_numbers<[1], [0], [0], [1], [0, 0, 1, 1], [], []>, transpose_lhs_hint = false} : vector<400x128xf32>, vector<128x128xf32>, vector<400x128xf32> -> vector<400x128xf32>
    %get3A_6 = arith.constant 0 : index
    %get3A_7 = arith.constant 0 : index
    %get3A_8 = vector.load %arg2[%get3A_6, %get3A_7] : memref<400x128xf32, #tpu.memory_space<vmem>>, vector<400x128xf32>
    %mul3A = arith.mulf %get3A_8, %dot_general3A_5 : vector<400x128xf32>
    %swap3A = arith.constant 0 : index
    %swap3A_9 = arith.constant 0 : index
    %swap3A_10 = vector.load %arg5[%swap3A, %swap3A_9] : memref<400x128xf32, #tpu.memory_space<vmem>>, vector<400x128xf32>
    tpu.vector_store %arg5[%swap3A, %swap3A_9], %mul3A {strides = array<i32>} : memref<400x128xf32, #tpu.memory_space<vmem>>, vector<400x128xf32>,
    %mul3A_11 = arith.mulf %get3A_8, %get3A_8 : vector<400x128xf32>
    %mul3A_12 = arith.mulf %mul3A_11, %dot_general3A_5 : vector<400x128xf32>
    %get3A_13 = arith.constant 0 : index
    %get3A_14 = arith.constant 0 : index
    %get3A_15 = vector.load %arg4[%get3A_13, %get3A_14] : memref<1x128xf32, #tpu.memory_space<vmem>>, vector<1x128xf32>
    %add3A = vector.broadcast %get3A_15 : vector<1x128xf32> to vector<400x128xf32>
    %add3A_16 = arith.addf %mul3A_12, %add3A : vector<400x128xf32>
    %swap3A_17 = arith.constant 0 : index
    %swap3A_18 = arith.constant 0 : index
    %swap3A_19 = vector.load %arg6[%swap3A_17, %swap3A_18] : memref<400x128xf32, #tpu.memory_space<vmem>>, vector<400x128xf32>
    tpu.vector_store %arg6[%swap3A_17, %swap3A_18], %add3A_16 {strides = array<i32>} : memref<400x128xf32, #tpu.memory_space<vmem>>, vector<400x128xf32>,
    return
  }
  func.func @transform_0(%arg0: i32) -> (i32, i32) {
    %c0_i32 = arith.constant 0 : i32
    %c0_i32_0 = arith.constant 0 : i32
    return %arg0, %c0_i32 : i32, i32
  }
  func.func @transform_1(%arg0: i32) -> (i32, i32) {
    %c0_i32 = arith.constant 0 : i32
    %c0_i32_0 = arith.constant 0 : i32
    return %arg0, %c0_i32 : i32, i32
  }
  func.func @transform_2(%arg0: i32) -> (i32, i32) {
    %c0_i32 = arith.constant 0 : i32
    %c0_i32_0 = arith.constant 0 : i32
    %c0_i32_1 = arith.constant 0 : i32
    return %c0_i32, %c0_i32_0 : i32, i32
  }
  func.func @transform_3(%arg0: i32) -> (i32, i32) {
    %c0_i32 = arith.constant 0 : i32
    %c0_i32_0 = arith.constant 0 : i32
    %c0_i32_1 = arith.constant 0 : i32
    return %c0_i32, %c0_i32_0 : i32, i32
  }
  func.func @transform_4(%arg0: i32) -> (i32, i32) {
    %c0_i32 = arith.constant 0 : i32
    %c0_i32_0 = arith.constant 0 : i32
    return %arg0, %c0_i32 : i32, i32
  }
  func.func @transform_5(%arg0: i32) -> (i32, i32) {
    %c0_i32 = arith.constant 0 : i32
    %c0_i32_0 = arith.constant 0 : i32
    return %arg0, %c0_i32 : i32, i32
  }
}

module attributes {stable_mosaic.version = 14 : i64} {
  func.func @_tc_mid_body(%arg0: i32, %arg1: memref<2x400x128xf32, #tpu.memory_space<vmem>>, %arg2: memref<400x128xf32, #tpu.memory_space<vmem>>, %arg3: memref<400x128xf32, #tpu.memory_space<vmem>>, %arg4: memref<128x128xf32, #tpu.memory_space<vmem>>, %arg5: memref<1x128xf32, #tpu.memory_space<vmem>>, %arg6: memref<400x128xf32, #tpu.memory_space<vmem>>, %arg7: memref<400x128xf32, #tpu.memory_space<vmem>>) attributes {dimension_semantics = [#tpu.dimension_semantics<arbitrary>], iteration_bounds = array<i64: 25>, scalar_prefetch = 0 : i64, scratch_operands = 0 : i64, tpu.core_type = #tpu.core_type<tc>, window_params = [{transform_indices = @transform_0, window_bounds = array<i64: 2, 400, 128>}, {transform_indices = @transform_1, window_bounds = array<i64: 400, 128>}, {transform_indices = @transform_2, window_bounds = array<i64: 400, 128>}, {pipeline_mode = #tpu.pipeline_mode<synchronous>, transform_indices = @transform_3, window_bounds = array<i64: 128, 128>}, {pipeline_mode = #tpu.pipeline_mode<synchronous>, transform_indices = @transform_4, window_bounds = array<i64: 1, 128>}, {transform_indices = @transform_5, window_bounds = array<i64: 400, 128>}, {transform_indices = @transform_6, window_bounds = array<i64: 400, 128>}]} {
    %get3A = arith.constant 0 : index
    %get3A_0 = arith.constant 0 : index
    %get3A_1 = vector.load %arg3[%get3A, %get3A_0] : memref<400x128xf32, #tpu.memory_space<vmem>>, vector<400x128xf32>
    %get3A_2 = arith.constant 0 : index
    %get3A_3 = arith.constant 0 : index
    %get3A_4 = arith.constant 0 : index
    %get3A_5 = vector.load %arg1[%get3A_2, %get3A_3, %get3A_4] : memref<2x400x128xf32, #tpu.memory_space<vmem>>, vector<1x400x128xf32>
    %get3A_6 = vector.shape_cast %get3A_5 : vector<1x400x128xf32> to vector<400x128xf32>
    %get3A_7 = arith.constant 1 : index
    %get3A_8 = arith.constant 0 : index
    %get3A_9 = arith.constant 0 : index
    %get3A_10 = vector.load %arg1[%get3A_7, %get3A_8, %get3A_9] : memref<2x400x128xf32, #tpu.memory_space<vmem>>, vector<1x400x128xf32>
    %get3A_11 = vector.shape_cast %get3A_10 : vector<1x400x128xf32> to vector<400x128xf32>
    %add3A = arith.addf %get3A_6, %get3A_11 : vector<400x128xf32>
    %mul3A = arith.mulf %get3A_1, %add3A : vector<400x128xf32>
    %get3A_12 = arith.constant 0 : index
    %get3A_13 = arith.constant 0 : index
    %get3A_14 = vector.load %arg2[%get3A_12, %get3A_13] : memref<400x128xf32, #tpu.memory_space<vmem>>, vector<400x128xf32>
    %add3A_15 = arith.addf %mul3A, %get3A_14 : vector<400x128xf32>
    %neg3A = arith.constant 0.000000e+00 : f32
    %neg3A_16 = vector.broadcast %neg3A : f32 to vector<400x128xf32>
    %neg3A_17 = arith.subf %neg3A_16, %add3A_15 : vector<400x128xf32>
    %exp3A = math.exp %neg3A_17 : vector<400x128xf32>
    %add3A_18 = arith.constant 1.000000e+00 : f32
    %add3A_19 = vector.broadcast %add3A_18 : f32 to vector<400x128xf32>
    %add3A_20 = arith.addf %add3A_19, %exp3A : vector<400x128xf32>
    %div3A = arith.constant 1.000000e+00 : f32
    %div3A_21 = vector.broadcast %div3A : f32 to vector<400x128xf32>
    %div3A_22 = arith.divf %div3A_21, %add3A_20 : vector<400x128xf32>
    %get3A_23 = arith.constant 0 : index
    %get3A_24 = arith.constant 0 : index
    %get3A_25 = vector.load %arg4[%get3A_23, %get3A_24] : memref<128x128xf32, #tpu.memory_space<vmem>>, vector<128x128xf32>
    %dot_general3A = arith.constant dense<0.000000e+00> : vector<400x128xf32>
    %dot_general3A_26 = tpu.matmul %div3A_22, %get3A_25, %dot_general3A {dimension_numbers = #tpu.dot_dimension_numbers<[1], [0], [0], [1], [0, 0, 1, 1], [], []>, transpose_lhs_hint = false} : vector<400x128xf32>, vector<128x128xf32>, vector<400x128xf32> -> vector<400x128xf32>
    %mul3A_27 = arith.mulf %get3A_1, %dot_general3A_26 : vector<400x128xf32>
    %swap3A = arith.constant 0 : index
    %swap3A_28 = arith.constant 0 : index
    %swap3A_29 = vector.load %arg6[%swap3A, %swap3A_28] : memref<400x128xf32, #tpu.memory_space<vmem>>, vector<400x128xf32>
    tpu.vector_store %arg6[%swap3A, %swap3A_28], %mul3A_27 {strides = array<i32>} : memref<400x128xf32, #tpu.memory_space<vmem>>, vector<400x128xf32>,
    %mul3A_30 = arith.mulf %get3A_1, %get3A_1 : vector<400x128xf32>
    %mul3A_31 = arith.mulf %mul3A_30, %dot_general3A_26 : vector<400x128xf32>
    %get3A_32 = arith.constant 0 : index
    %get3A_33 = arith.constant 0 : index
    %get3A_34 = vector.load %arg5[%get3A_32, %get3A_33] : memref<1x128xf32, #tpu.memory_space<vmem>>, vector<1x128xf32>
    %add3A_35 = vector.broadcast %get3A_34 : vector<1x128xf32> to vector<400x128xf32>
    %add3A_36 = arith.addf %mul3A_31, %add3A_35 : vector<400x128xf32>
    %swap3A_37 = arith.constant 0 : index
    %swap3A_38 = arith.constant 0 : index
    %swap3A_39 = vector.load %arg7[%swap3A_37, %swap3A_38] : memref<400x128xf32, #tpu.memory_space<vmem>>, vector<400x128xf32>
    tpu.vector_store %arg7[%swap3A_37, %swap3A_38], %add3A_36 {strides = array<i32>} : memref<400x128xf32, #tpu.memory_space<vmem>>, vector<400x128xf32>,
    return
  }
  func.func @transform_0(%arg0: i32) -> (i32, i32, i32) {
    %c0_i32 = arith.constant 0 : i32
    %c0_i32_0 = arith.constant 0 : i32
    %c0_i32_1 = arith.constant 0 : i32
    return %c0_i32, %arg0, %c0_i32_0 : i32, i32, i32
  }
  func.func @transform_1(%arg0: i32) -> (i32, i32) {
    %c0_i32 = arith.constant 0 : i32
    %c0_i32_0 = arith.constant 0 : i32
    return %arg0, %c0_i32 : i32, i32
  }
  func.func @transform_2(%arg0: i32) -> (i32, i32) {
    %c0_i32 = arith.constant 0 : i32
    %c0_i32_0 = arith.constant 0 : i32
    return %arg0, %c0_i32 : i32, i32
  }
  func.func @transform_3(%arg0: i32) -> (i32, i32) {
    %c0_i32 = arith.constant 0 : i32
    %c0_i32_0 = arith.constant 0 : i32
    %c0_i32_1 = arith.constant 0 : i32
    return %c0_i32, %c0_i32_0 : i32, i32
  }
  func.func @transform_4(%arg0: i32) -> (i32, i32) {
    %c0_i32 = arith.constant 0 : i32
    %c0_i32_0 = arith.constant 0 : i32
    %c0_i32_1 = arith.constant 0 : i32
    return %c0_i32, %c0_i32_0 : i32, i32
  }
  func.func @transform_5(%arg0: i32) -> (i32, i32) {
    %c0_i32 = arith.constant 0 : i32
    %c0_i32_0 = arith.constant 0 : i32
    return %arg0, %c0_i32 : i32, i32
  }
  func.func @transform_6(%arg0: i32) -> (i32, i32) {
    %c0_i32 = arith.constant 0 : i32
    %c0_i32_0 = arith.constant 0 : i32
    return %arg0, %c0_i32 : i32, i32
  }
}

module attributes {stable_mosaic.version = 14 : i64} {
  func.func @_tc_final_body(%arg0: i32, %arg1: memref<2x400x128xf32, #tpu.memory_space<vmem>>, %arg2: memref<400x128xf32, #tpu.memory_space<vmem>>, %arg3: memref<400x128xf32, #tpu.memory_space<vmem>>, %arg4: memref<1x1x400xi32, #tpu.memory_space<vmem>>, %arg5: memref<128x64xf32, #tpu.memory_space<vmem>>, %arg6: memref<1x64xf32, #tpu.memory_space<vmem>>, %arg7: memref<64x1xf32, #tpu.memory_space<vmem>>, %arg8: memref<1x1xf32, #tpu.memory_space<vmem>>, %arg9: memref<64x1xf32, #tpu.memory_space<vmem>>, %arg10: memref<64x128xf32, #tpu.memory_space<vmem>>, %arg11: memref<64x128xf32, #tpu.memory_space<vmem>>) attributes {dimension_semantics = [#tpu.dimension_semantics<arbitrary>], iteration_bounds = array<i64: 25>, scalar_prefetch = 0 : i64, scratch_operands = 2 : i64, tpu.core_type = #tpu.core_type<tc>, window_params = [{transform_indices = @transform_0, window_bounds = array<i64: 2, 400, 128>}, {transform_indices = @transform_1, window_bounds = array<i64: 400, 128>}, {transform_indices = @transform_2, window_bounds = array<i64: 400, 128>}, {transform_indices = @transform_3, window_bounds = array<i64: 1, 1, 400>}, {pipeline_mode = #tpu.pipeline_mode<synchronous>, transform_indices = @transform_4, window_bounds = array<i64: 128, 64>}, {pipeline_mode = #tpu.pipeline_mode<synchronous>, transform_indices = @transform_5, window_bounds = array<i64: 1, 64>}, {pipeline_mode = #tpu.pipeline_mode<synchronous>, transform_indices = @transform_6, window_bounds = array<i64: 64, 1>}, {pipeline_mode = #tpu.pipeline_mode<synchronous>, transform_indices = @transform_7, window_bounds = array<i64: 1, 1>}, {pipeline_mode = #tpu.pipeline_mode<synchronous>, transform_indices = @transform_8, window_bounds = array<i64: 64, 1>}]} {
    %eq3A = arith.constant 0 : i32
    %eq3A_0 = arith.cmpi eq, %arg0, %eq3A : i32
    %convert_element_type3A = arith.extui %eq3A_0 : i1 to i32
    %cond3A = arith.constant 0 : i32
    %cond3A_1 = arith.cmpi ne, %convert_element_type3A, %cond3A : i32
    scf.if %cond3A_1 {
      %broadcast_in_dim3A_57 = arith.constant 0.000000e+00 : f32
      %broadcast_in_dim3A_58 = vector.broadcast %broadcast_in_dim3A_57 : f32 to vector<64x128xf32>
      %swap3A_59 = arith.constant 0 : index
      %swap3A_60 = arith.constant 0 : index
      %swap3A_61 = vector.load %arg10[%swap3A_59, %swap3A_60] : memref<64x128xf32, #tpu.memory_space<vmem>>, vector<64x128xf32>
      tpu.vector_store %arg10[%swap3A_59, %swap3A_60], %broadcast_in_dim3A_58 {strides = array<i32>} : memref<64x128xf32, #tpu.memory_space<vmem>>, vector<64x128xf32>,
      %broadcast_in_dim3A_62 = arith.constant 0.000000e+00 : f32
      %broadcast_in_dim3A_63 = vector.broadcast %broadcast_in_dim3A_62 : f32 to vector<64x128xf32>
      %swap3A_64 = arith.constant 0 : index
      %swap3A_65 = arith.constant 0 : index
      %swap3A_66 = vector.load %arg11[%swap3A_64, %swap3A_65] : memref<64x128xf32, #tpu.memory_space<vmem>>, vector<64x128xf32>
      tpu.vector_store %arg11[%swap3A_64, %swap3A_65], %broadcast_in_dim3A_63 {strides = array<i32>} : memref<64x128xf32, #tpu.memory_space<vmem>>, vector<64x128xf32>,
      %broadcast_in_dim3A_67 = arith.constant 0.000000e+00 : f32
      %broadcast_in_dim3A_68 = vector.broadcast %broadcast_in_dim3A_67 : f32 to vector<64x1xf32>
      %swap3A_69 = arith.constant 0 : index
      %swap3A_70 = arith.constant 0 : index
      %swap3A_71 = vector.load %arg9[%swap3A_69, %swap3A_70] : memref<64x1xf32, #tpu.memory_space<vmem>>, vector<64x1xf32>
      tpu.vector_store %arg9[%swap3A_69, %swap3A_70], %broadcast_in_dim3A_68 {strides = array<i32>} : memref<64x1xf32, #tpu.memory_space<vmem>>, vector<64x1xf32>,
    } else {
    }
    %get3A = arith.constant 0 : index
    %get3A_2 = arith.constant 0 : index
    %get3A_3 = vector.load %arg3[%get3A, %get3A_2] : memref<400x128xf32, #tpu.memory_space<vmem>>, vector<400x128xf32>
    %get3A_4 = arith.constant 0 : index
    %get3A_5 = arith.constant 0 : index
    %get3A_6 = arith.constant 0 : index
    %get3A_7 = vector.load %arg1[%get3A_4, %get3A_5, %get3A_6] : memref<2x400x128xf32, #tpu.memory_space<vmem>>, vector<1x400x128xf32>
    %get3A_8 = vector.shape_cast %get3A_7 : vector<1x400x128xf32> to vector<400x128xf32>
    %get3A_9 = arith.constant 1 : index
    %get3A_10 = arith.constant 0 : index
    %get3A_11 = arith.constant 0 : index
    %get3A_12 = vector.load %arg1[%get3A_9, %get3A_10, %get3A_11] : memref<2x400x128xf32, #tpu.memory_space<vmem>>, vector<1x400x128xf32>
    %get3A_13 = vector.shape_cast %get3A_12 : vector<1x400x128xf32> to vector<400x128xf32>
    %add3A = arith.addf %get3A_8, %get3A_13 : vector<400x128xf32>
    %mul3A = arith.mulf %get3A_3, %add3A : vector<400x128xf32>
    %get3A_14 = arith.constant 0 : index
    %get3A_15 = arith.constant 0 : index
    %get3A_16 = vector.load %arg2[%get3A_14, %get3A_15] : memref<400x128xf32, #tpu.memory_space<vmem>>, vector<400x128xf32>
    %add3A_17 = arith.addf %mul3A, %get3A_16 : vector<400x128xf32>
    %neg3A = arith.constant 0.000000e+00 : f32
    %neg3A_18 = vector.broadcast %neg3A : f32 to vector<400x128xf32>
    %neg3A_19 = arith.subf %neg3A_18, %add3A_17 : vector<400x128xf32>
    %exp3A = math.exp %neg3A_19 : vector<400x128xf32>
    %add3A_20 = arith.constant 1.000000e+00 : f32
    %add3A_21 = vector.broadcast %add3A_20 : f32 to vector<400x128xf32>
    %add3A_22 = arith.addf %add3A_21, %exp3A : vector<400x128xf32>
    %div3A = arith.constant 1.000000e+00 : f32
    %div3A_23 = vector.broadcast %div3A : f32 to vector<400x128xf32>
    %div3A_24 = arith.divf %div3A_23, %add3A_22 : vector<400x128xf32>
    %get3A_25 = arith.constant 0 : index
    %get3A_26 = arith.constant 0 : index
    %get3A_27 = arith.constant 0 : index
    %get3A_28 = vector.load %arg4[%get3A_25, %get3A_26, %get3A_27] : memref<1x1x400xi32, #tpu.memory_space<vmem>>, vector<1x1x400xi32>
    %get3A_29 = vector.shape_cast %get3A_28 : vector<1x1x400xi32> to vector<400xi32>
    %broadcast_in_dim3A = vector.shape_cast %get3A_29 : vector<400xi32> to vector<1x400xi32>
    %iota3A = tpu.iota {dimensions = array<i32: 0>} : vector<64x400xi32>
    %eq3A_30 = vector.broadcast %broadcast_in_dim3A : vector<1x400xi32> to vector<64x400xi32>
    %eq3A_31 = arith.cmpi eq, %eq3A_30, %iota3A : vector<64x400xi32>
    %convert_element_type3A_32 = arith.extui %eq3A_31 : vector<64x400xi1> to vector<64x400xi32>
    %convert_element_type3A_33 = arith.sitofp %convert_element_type3A_32 : vector<64x400xi32> to vector<64x400xf32>
    %get3A_34 = arith.constant 0 : index
    %get3A_35 = arith.constant 0 : index
    %get3A_36 = vector.load %arg10[%get3A_34, %get3A_35] : memref<64x128xf32, #tpu.memory_space<vmem>>, vector<64x128xf32>
    %dot_general3A = arith.constant dense<0.000000e+00> : vector<64x128xf32>
    %dot_general3A_37 = tpu.matmul %convert_element_type3A_33, %div3A_24, %dot_general3A {dimension_numbers = #tpu.dot_dimension_numbers<[1], [0], [0], [1], [0, 0, 1, 1], [], []>, transpose_lhs_hint = false} : vector<64x400xf32>, vector<400x128xf32>, vector<64x128xf32> -> vector<64x128xf32>
    %add3A_38 = arith.addf %get3A_36, %dot_general3A_37 : vector<64x128xf32>
    %swap3A = arith.constant 0 : index
    %swap3A_39 = arith.constant 0 : index
    %swap3A_40 = vector.load %arg10[%swap3A, %swap3A_39] : memref<64x128xf32, #tpu.memory_space<vmem>>, vector<64x128xf32>
    tpu.vector_store %arg10[%swap3A, %swap3A_39], %add3A_38 {strides = array<i32>} : memref<64x128xf32, #tpu.memory_space<vmem>>, vector<64x128xf32>,
    %get3A_41 = arith.constant 0 : index
    %get3A_42 = arith.constant 0 : index
    %get3A_43 = vector.load %arg11[%get3A_41, %get3A_42] : memref<64x128xf32, #tpu.memory_space<vmem>>, vector<64x128xf32>
    %reduce_sum3A = arith.constant dense<0.000000e+00> : vector<64xf32>
    %reduce_sum3A_44 = vector.multi_reduction <add>, %convert_element_type3A_33, %reduce_sum3A [1] : vector<64x400xf32> to vector<64xf32>
    %broadcast_in_dim3A_45 = vector.shape_cast %reduce_sum3A_44 : vector<64xf32> to vector<64x1xf32>
    %broadcast_in_dim3A_46 = vector.shape_cast %broadcast_in_dim3A_45 : vector<64x1xf32> to vector<64x1xf32>
    %broadcast_in_dim3A_47 = vector.broadcast %broadcast_in_dim3A_46 : vector<64x1xf32> to vector<64x128xf32>
    %add3A_48 = arith.addf %get3A_43, %broadcast_in_dim3A_47 : vector<64x128xf32>
    %swap3A_49 = arith.constant 0 : index
    %swap3A_50 = arith.constant 0 : index
    %swap3A_51 = vector.load %arg11[%swap3A_49, %swap3A_50] : memref<64x128xf32, #tpu.memory_space<vmem>>, vector<64x128xf32>
    tpu.vector_store %arg11[%swap3A_49, %swap3A_50], %add3A_48 {strides = array<i32>} : memref<64x128xf32, #tpu.memory_space<vmem>>, vector<64x128xf32>,
    %eq3A_52 = arith.constant 24 : i32
    %eq3A_53 = arith.cmpi eq, %arg0, %eq3A_52 : i32
    %convert_element_type3A_54 = arith.extui %eq3A_53 : i1 to i32
    %cond3A_55 = arith.constant 0 : i32
    %cond3A_56 = arith.cmpi ne, %convert_element_type3A_54, %cond3A_55 : i32
    scf.if %cond3A_56 {
      %get3A_57 = arith.constant 0 : index
      %get3A_58 = arith.constant 0 : index
      %get3A_59 = vector.load %arg10[%get3A_57, %get3A_58] : memref<64x128xf32, #tpu.memory_space<vmem>>, vector<64x128xf32>
      %get3A_60 = arith.constant 0 : index
      %get3A_61 = arith.constant 0 : index
      %get3A_62 = vector.load %arg11[%get3A_60, %get3A_61] : memref<64x128xf32, #tpu.memory_space<vmem>>, vector<64x128xf32>
      %max3A = arith.constant 1.000000e+00 : f32
      %max3A_63 = vector.broadcast %max3A : f32 to vector<64x128xf32>
      %max3A_64 = arith.maximumf %get3A_62, %max3A_63 : vector<64x128xf32>
      %div3A_65 = arith.divf %get3A_59, %max3A_64 : vector<64x128xf32>
      %get3A_66 = arith.constant 0 : index
      %get3A_67 = arith.constant 0 : index
      %get3A_68 = vector.load %arg5[%get3A_66, %get3A_67] : memref<128x64xf32, #tpu.memory_space<vmem>>, vector<128x64xf32>
      %dot_general3A_69 = arith.constant dense<0.000000e+00> : vector<64x64xf32>
      %dot_general3A_70 = tpu.matmul %div3A_65, %get3A_68, %dot_general3A_69 {dimension_numbers = #tpu.dot_dimension_numbers<[1], [0], [0], [1], [0, 0, 1, 1], [], []>, transpose_lhs_hint = false} : vector<64x128xf32>, vector<128x64xf32>, vector<64x64xf32> -> vector<64x64xf32>
      %get3A_71 = arith.constant 0 : index
      %get3A_72 = arith.constant 0 : index
      %get3A_73 = vector.load %arg6[%get3A_71, %get3A_72] : memref<1x64xf32, #tpu.memory_space<vmem>>, vector<1x64xf32>
      %add3A_74 = vector.broadcast %get3A_73 : vector<1x64xf32> to vector<64x64xf32>
      %add3A_75 = arith.addf %dot_general3A_70, %add3A_74 : vector<64x64xf32>
      %neg3A_76 = arith.constant 0.000000e+00 : f32
      %neg3A_77 = vector.broadcast %neg3A_76 : f32 to vector<64x64xf32>
      %neg3A_78 = arith.subf %neg3A_77, %add3A_75 : vector<64x64xf32>
      %exp3A_79 = math.exp %neg3A_78 : vector<64x64xf32>
      %add3A_80 = arith.constant 1.000000e+00 : f32
      %add3A_81 = vector.broadcast %add3A_80 : f32 to vector<64x64xf32>
      %add3A_82 = arith.addf %add3A_81, %exp3A_79 : vector<64x64xf32>
      %div3A_83 = arith.constant 1.000000e+00 : f32
      %div3A_84 = vector.broadcast %div3A_83 : f32 to vector<64x64xf32>
      %div3A_85 = arith.divf %div3A_84, %add3A_82 : vector<64x64xf32>
      %get3A_86 = arith.constant 0 : index
      %get3A_87 = arith.constant 0 : index
      %get3A_88 = vector.load %arg7[%get3A_86, %get3A_87] : memref<64x1xf32, #tpu.memory_space<vmem>>, vector<64x1xf32>
      %dot_general3A_89 = arith.constant dense<0.000000e+00> : vector<64x1xf32>
      %dot_general3A_90 = tpu.matmul %div3A_85, %get3A_88, %dot_general3A_89 {dimension_numbers = #tpu.dot_dimension_numbers<[1], [0], [0], [1], [0, 0, 1, 1], [], []>, transpose_lhs_hint = false} : vector<64x64xf32>, vector<64x1xf32>, vector<64x1xf32> -> vector<64x1xf32>
      %get3A_91 = arith.constant 0 : index
      %get3A_92 = arith.constant 0 : index
      %get3A_93 = vector.load %arg8[%get3A_91, %get3A_92] : memref<1x1xf32, #tpu.memory_space<vmem>>, vector<1x1xf32>
      %add3A_94 = vector.broadcast %get3A_93 : vector<1x1xf32> to vector<64x1xf32>
      %add3A_95 = arith.addf %dot_general3A_90, %add3A_94 : vector<64x1xf32>
      %swap3A_96 = arith.constant 0 : index
      %swap3A_97 = arith.constant 0 : index
      %swap3A_98 = vector.load %arg9[%swap3A_96, %swap3A_97] : memref<64x1xf32, #tpu.memory_space<vmem>>, vector<64x1xf32>
      tpu.vector_store %arg9[%swap3A_96, %swap3A_97], %add3A_95 {strides = array<i32>} : memref<64x1xf32, #tpu.memory_space<vmem>>, vector<64x1xf32>,
    } else {
    }
    return
  }
  func.func @transform_0(%arg0: i32) -> (i32, i32, i32) {
    %c0_i32 = arith.constant 0 : i32
    %c0_i32_0 = arith.constant 0 : i32
    %c0_i32_1 = arith.constant 0 : i32
    return %c0_i32, %arg0, %c0_i32_0 : i32, i32, i32
  }
  func.func @transform_1(%arg0: i32) -> (i32, i32) {
    %c0_i32 = arith.constant 0 : i32
    %c0_i32_0 = arith.constant 0 : i32
    return %arg0, %c0_i32 : i32, i32
  }
  func.func @transform_2(%arg0: i32) -> (i32, i32) {
    %c0_i32 = arith.constant 0 : i32
    %c0_i32_0 = arith.constant 0 : i32
    return %arg0, %c0_i32 : i32, i32
  }
  func.func @transform_3(%arg0: i32) -> (i32, i32, i32) {
    %c0_i32 = arith.constant 0 : i32
    %c0_i32_0 = arith.constant 0 : i32
    %c0_i32_1 = arith.constant 0 : i32
    return %arg0, %c0_i32, %c0_i32_0 : i32, i32, i32
  }
  func.func @transform_4(%arg0: i32) -> (i32, i32) {
    %c0_i32 = arith.constant 0 : i32
    %c0_i32_0 = arith.constant 0 : i32
    %c0_i32_1 = arith.constant 0 : i32
    return %c0_i32, %c0_i32_0 : i32, i32
  }
  func.func @transform_5(%arg0: i32) -> (i32, i32) {
    %c0_i32 = arith.constant 0 : i32
    %c0_i32_0 = arith.constant 0 : i32
    %c0_i32_1 = arith.constant 0 : i32
    return %c0_i32, %c0_i32_0 : i32, i32
  }
  func.func @transform_6(%arg0: i32) -> (i32, i32) {
    %c0_i32 = arith.constant 0 : i32
    %c0_i32_0 = arith.constant 0 : i32
    %c0_i32_1 = arith.constant 0 : i32
    return %c0_i32, %c0_i32_0 : i32, i32
  }
  func.func @transform_7(%arg0: i32) -> (i32, i32) {
    %c0_i32 = arith.constant 0 : i32
    %c0_i32_0 = arith.constant 0 : i32
    %c0_i32_1 = arith.constant 0 : i32
    return %c0_i32, %c0_i32_0 : i32, i32
  }
  func.func @transform_8(%arg0: i32) -> (i32, i32) {
    %c0_i32 = arith.constant 0 : i32
    %c0_i32_0 = arith.constant 0 : i32
    %c0_i32_1 = arith.constant 0 : i32
    return %c0_i32, %c0_i32_0 : i32, i32
  }
}

</mosaic_0001>

<sc_bundles>
// kernel: kernel.12.cloned.1.call-start
scs
__scs_entry_jumppad:
0x0: {  	(pc) =	sbr.rel $0x88, $3  }
0x1: {  	(tag) =	ssettag $0x0;
	lr =	simm.s32 $0x1  }
0x2: {  	[smem:$0x3F96] =	sst lr;
	_ =	strace $0xD0000000  }
0x3: {  	_ = 	snop  }
0x4: {  	_ = 	snop  }
0x5: {  	_ = 	snop  }
0x6: {  	_ = 	snop  }
0x7: {  	_ = 	snop  }
__scs_overlays_trampoline_lowered:
0x8: {  	[smem:$0x3FA5] =	sst s0  }
0x9: {  	[smem:$0x3FA6] =	sst s1  }
0xa: {  	[smem:$0x3FA7] =	sst s2  }
0xb: {  	[smem:$0x3FA8] =	sst s3  }
0xc: {  	[smem:$0x3FA9] =	sst s4  }
0xd: {  	[smem:$0x3FAA] =	sst s5  }
0xe: {  	[smem:$0x3FAB] =	sst s6  }
0xf: {  	[smem:$0x3FAC] =	sst s7  }
0x10: {  	[smem:$0x3FAD] =	sst s8  }
0x11: {  	[smem:$0x3FAE] =	sst s9;
	s0 =	simm.s32 @!p0 $0x0  }
0x12: {  	s1 =	sld [smem:$0x3F94];
	s0 =	simm.s32 @p0 $0x1  }
0x13: {  	[smem:$0x3FAF] =	sst s0;
	s0 =	simm.s32 @!p1 $0x0  }
0x14: {  	s2 =	sld [smem:$0x3F93];
	s0 =	simm.s32 @p1 $0x1  }
0x15: {  	[smem:$0x3FB0] =	sst s0;
	s0 =	simm.s32 @!p2 $0x0  }
0x16: {  	s3 =	sld [smem:$0x3FDB];
	s0 =	simm.s32 @p2 $0x1  }
0x17: {  	s4 =	simm.s32 $0x1BF5;
	[smem:$0x3FB2] =	sst s0  }
0x18: {  	s0 =	sld [smem:$0x3F95];
	_ =	swait.ge [sflag:s4], $0x0  }
0x19: {  	s7 =	sld [smem:$0x3F96]  }
0x1a: {  	s8 =	sadd.s32 $0xFFFFE003, lr  }
0x1b: {  	s9 =	sadd.s32 $0xFFFFFEF7, lr;
	s5 =	simm.s32 $0xFFFFFFFF;
	p2 =	slt.u32 s8, $0xFFFFF086  }
0x1c: {  	p1 =	slt.u32 s9, $0xF7A;
	s5 =	simm.s32 @!p2 $0x0  }
0x1d: {  	s5 =	simm.s32 @p1 $0x1;
	p0 =	seq.s32 s7, s2  }
0x1e: {  	s7 =	smul.u32 @!p0 $0xF7A, s2;
	p2 =	seq.s32 @!p0 s5, $0x0  }
0x1f: {  	s9 =	smul.u32 $0xF7A, s1;
	s8 =	simm.s32 @!p0 $0x1BF5;
	p2 =	por !p2, p0  }
0x20: {  	[sflag:s8] =	ssyncset.s32 @!p0 $0xFFFFF086;
	s6 =	sadd.s32 @!p0 s3, s7;
	s7 =	simm.s32 @!p0 $0x108  }
0x21: {  	s3 =	sadd.s32 s3, s9;
	s6 =	sadd.s32 @!p0 $0x88, s6;
	s7 =	simm.s32 @p2 $0x1082  }
0x22: {  	[simem:s7], [sflag:s8] =	dma.local @!p0 [hbm:s6], $0xF7A  }
0x23: {  	s9 =	sor.u32 $0xD0000000, s2;
	s6 =	simm.s32 $0x108;
	_ =	swait.ge @!p0 [sflag:s8], $0x0  }
0x24: {  	s3 =	sadd.s32 $0x88, s3;
	s6 =	simm.s32 @!p1 $0x1082;
	[sflag:s4] =	ssyncset.s32 $0xFFFFF086  }
0x25: {  	[simem:s6], [sflag:s4] =	dma.local [hbm:s3], $0xF7A  }
0x26: {  	[smem:$0x3F96] =	sst s1;
	(tag) =	ssettag s2;
	_ =	strace s9  }
0x27: {  	s1 =	sld [smem:$0x3FA6]  }
0x28: {  	s2 =	sld [smem:$0x3FA7]  }
0x29: {  	s4 =	sld [smem:$0x3FA9]  }
0x2a: {  	p0 =	seq.s32 s5, $0x0;
	s5 =	sld [smem:$0x3FAA]  }
0x2b: {  	s6 =	sld [smem:$0x3FAB]  }
0x2c: {  	s7 =	sld [smem:$0x3FAC]  }
0x2d: {  	s3 =	simm.s32 $0x108;
	s8 =	sld [smem:$0x3FAD]  }
0x2e: {  	s3 =	simm.s32 @!p0 $0x1082;
	s9 =	sld [smem:$0x3FAE]  }
0x2f: {  	lr =	sadd.s32 s0, s3;
	s0 =	sld [smem:$0x3FA5]  }
0x30: {  	s3 =	sld [smem:$0x3FA8]  }
0x31: {  	[smem:$0x3FB1] =	sst s10  }
0x32: {  	s10 =	sld [smem:$0x3FAF];
	_ =	sdelay $0x3  }
0x33: {  	p0 =	seq.s32 s10, $0x1;
	s10 =	sld [smem:$0x3FB1];
	_ =	sdelay $0x3  }
0x34: {  	[smem:$0x3FB1] =	sst s10  }
0x35: {  	s10 =	sld [smem:$0x3FB0];
	_ =	sdelay $0x3  }
0x36: {  	p1 =	seq.s32 s10, $0x1;
	s10 =	sld [smem:$0x3FB1];
	_ =	sdelay $0x3  }
0x37: {  	[smem:$0x3FB1] =	sst s10  }
0x38: {  	s10 =	sld [smem:$0x3FB2]  }
0x39: {  	_ = 	snop;
	(pc) =	sbr.ind lr, $3  }
0x3a: {  	_ = 	snop  }
0x3b: {  	_ = 	snop  }
0x3c: {  	p2 =	seq.s32 s10, $0x1;
	s10 =	sld [smem:$0x3FB1]  }
0x3d: {  	_ =	shalt  }
0x3e: {  	_ =	shalt  }
0x3f: {  	_ =	shalt  }
0x40: {  	_ =	shalt  }
0x41: {  	_ =	shalt  }
0x42: {  	_ =	shalt  }
0x43: {  	_ =	shalt  }
0x44: {  	_ =	shalt  }
0x45: {  	_ =	shalt  }
0x46: {  	_ =	shalt  }
0x47: {  	_ =	shalt  }
0x48: {  	_ =	shalt  }
0x49: {  	_ =	shalt  }
0x4a: {  	_ =	shalt  }
0x4b: {  	_ =	shalt  }
0x4c: {  	_ =	shalt  }
0x4d: {  	_ =	shalt  }
0x4e: {  	_ =	shalt  }
0x4f: {  	_ =	shalt  }
0x50: {  	_ =	shalt  }
0x51: {  	_ =	shalt  }
0x52: {  	_ =	shalt  }
0x53: {  	_ =	shalt  }
0x54: {  	_ =	shalt  }
0x55: {  	_ =	shalt  }
0x56: {  	_ =	shalt  }
0x57: {  	_ =	shalt  }
0x58: {  	_ =	shalt  }
0x59: {  	_ =	shalt  }
0x5a: {  	_ =	shalt  }
0x5b: {  	_ =	shalt  }
0x5c: {  	_ =	shalt  }
0x5d: {  	_ =	shalt  }
0x5e: {  	_ =	shalt  }
0x5f: {  	_ =	shalt  }
0x60: {  	_ =	shalt  }
0x61: {  	_ =	shalt  }
0x62: {  	_ =	shalt  }
0x63: {  	_ =	shalt  }
0x64: {  	_ =	shalt  }
0x65: {  	_ =	shalt  }
0x66: {  	_ =	shalt  }
0x67: {  	_ =	shalt  }
0x68: {  	_ =	shalt  }
0x69: {  	_ =	shalt  }
0x6a: {  	_ =	shalt  }
0x6b: {  	_ =	shalt  }
0x6c: {  	_ =	shalt  }
0x6d: {  	_ =	shalt  }
0x6e: {  	_ =	shalt  }
0x6f: {  	_ =	shalt  }
0x70: {  	_ =	shalt  }
0x71: {  	_ =	shalt  }
0x72: {  	_ =	shalt  }
0x73: {  	_ =	shalt  }
0x74: {  	_ =	shalt  }
0x75: {  	_ =	shalt  }
0x76: {  	_ =	shalt  }
0x77: {  	_ =	shalt  }
0x78: {  	_ =	shalt  }
0x79: {  	_ =	shalt  }
0x7a: {  	_ =	shalt  }
0x7b: {  	_ =	shalt  }
0x7c: {  	_ =	shalt  }
0x7d: {  	_ =	shalt  }
0x7e: {  	_ =	shalt  }
0x7f: {  	_ =	shalt  }
0x80: {  	_ =	shalt  }
0x81: {  	_ =	shalt  }
0x82: {  	_ =	shalt  }
0x83: {  	_ =	shalt  }
0x84: {  	_ =	shalt  }
0x85: {  	_ =	shalt  }
0x86: {  	_ =	shalt  }
0x87: {  	_ =	shalt  }
.Lfunc_end0:
.L_simem_size_0:
called_computation.1_lowered:
.L_overlay_start_0:
0x88: {  	s2 =	sld [smem:$0x3FD9]  }
0x89: {  	s3 =	sld [smem:$0x3FFE];
	_ =	sdelay $0x1  }
0x8a: {  	s1 =	srdreg.scid  }
0x8b: {  	s0 =	sand.u32 $0x1, s1  }
0x8c: {  	s16 =	sshll.u32 s0, $0xA;
	s2 =	sadd.s32 s3, s2  }
0x8d: {  	s2 =	sadd.s32 s2, s16  }
0x8e: {  	[smem:$0x3FBD] =	sst s2  }
0x8f: {  	_ = 	snop  }
0x90: {  	(tm) =	ssettm $0x1  }
0x91: {  	s17 =	sld [smem:$0x3FFB];
	_ =	sdelay $0x3  }
0x92: {  	_ =	strace s17  }
0x93: {  	s2 =	sld [smem:$0x3FFC];
	_ =	sdelay $0x3  }
0x94: {  	_ =	strace s2  }
0x95: {  	s2 =	sld [smem:$0x3FFD];
	_ =	sdelay $0x3  }
0x96: {  	_ =	strace s2  }
0x97: {  	_ =	strace $0x8FFFFFFF  }
0x98: {  	s18 =	sld [smem:$0x3FDB];
	_ =	sdelay $0x1  }
0x99: {  	s19 =	simm.s32 $_scs_section_size  }
0x9a: {  	s4 =	simm.s32 $_size__tile_overlayer_lowered;
	s5 =	simm.s32 $_tile_overlayer_lowered  }
0x9b: {  	s22 =	simm.s32 $0x1BFF;
	s21 =	sshll.u32 s5, $0x1;
	s2 =	sadd.s32 s19, s18  }
0x9c: {  	s6 =	simm.s32 $0x0;
	s20 =	sshll.u32 s4, $0x1;
	s4 =	sadd.s32 s21, s2  }
0x9d: {  	[timem:s6], [sflag:s22] =	dma.local [hbm:s4], s20  }
0x9e: {  	_ =	swait.ge [sflag:s22], s20  }
0x9f: {  	s3 =	ssub.s32 $0x0, s20;
	[sflag:s22] =	ssyncset.done $0x0  }
0xa0: {  	[sflag:s22] =	ssyncadd.s32 s3;
	_ =	sdelay $0x1  }
0xa1: {  	s23 =	simm.s32 $0x1B8B  }
0xa2: {  	_ =	swait.ge [sflag:s23], $0x1  }
0xa3: {  	[sflag:s23] =	ssyncset.done $0x0  }
0xa4: {  	s25 =	simm.s32 $0x1B8E;
	s24 =	sld [smem:$0x3FFE];
	[sflag:s23] =	ssyncadd.s32 $0xFFFFFFFF  }
0xa5: {  	s26 =	simm.s32 $execute0_lowered;
	[smem:$0x3FD2] =	sst s25  }
0xa6: {  	s4 =	sshll.u32 s26, $0x1;
	_ =	strace $0x80000049;
	[dreg:$0x1] =	wrdreg $0xFFFFFFFF  }
0xa7: {  	s28 =	simm.s32 $_size_execute0_lowered;
	s2 =	sadd.s32 s2, s4;
	[dreg:$0x0] =	wrdreg $0x0  }
0xa8: {  	s4 =	sshll.u32 s28, $0x1;
	[dreg:$0x2] =	wrdreg s2  }
0xa9: {  	[dreg:$0x3] =	wrdreg s4  }
0xaa: {  	[dreg:$0x4] =	wrdreg $0xC0  }
0xab: {  	_ =	task [dreg:s6], $0x5FFFF  }
0xac: {  	[dreg:$0x1] =	wrdreg $0xFFFFFFFF  }
0xad: {  	[dreg:$0x0] =	wrdreg $0x60  }
0xae: {  	[dreg:$0x2] =	wrdreg s24  }
0xaf: {  	[dreg:$0x3] =	wrdreg $0x84000  }
0xb0: {  	[dreg:$0x4] =	wrdreg $0x9  }
0xb1: {  	_ =	task.clear_ibuf [dreg:s6], $0x5FFFF;
	_ =	strace $0x90000049  }
0xb2: {  	s29 =	simm.s32 $0x9;
	_ =	strace $0x8000004B  }
0xb3: {  	_ =	swait.ge [sflag:s29], $0x1  }
0xb4: {  	[sflag:s29] =	ssyncadd.s32 $0xFFFFFFFF  }
0xb5: {  	_ =	strace $0x9000004B  }
0xb6: {  	_ =	sfence  }
0xb7: {  	s30 =	sld [smem:$0x0];
	_ =	sdelay $0x2  }
0xb8: {  	s31 =	sshll.u32 s1, $0xD;
	s1 =	sshrl.u32 s1, $0x2  }
0xb9: {  	s3 =	sand.u32 $0x4000, s31;
	s1 =	sadd.s32 s1, s30  }
0xba: {  	s0 =	sor.u32 s3, s0;
	s1 =	sshll.u32 s1, $0x11  }
0xbb: {  	s0 =	sor.u32 s1, s0  }
0xbc: {  	s0 =	sadd.s32 $0x8F2B, s0  }
0xbd: {  	[sflag:s0] =	ssyncadd.remote.s32 $0x1  }
0xbe: {  	_ =	sfence.sel $0xFFFF  }
0xbf: {  	[dreg:$0x0] =	wrdreg $0xFFFFFFFF;
	(pc) =	sbr.abs _section_cstart, $3  }
0xc0: {  	[dreg:$0x1] =	wrdreg $0xFFFFFFFF  }
0xc1: {  	_ =	task.clear_ibuf [dreg:s6], $0x2FFFF;
	_ =	strace $0x9FFFFFFF  }
0xc2: {  	(tm) =	ssettm $0x7FFFFFFF  }
0xc3: {  	_ =	shalt  }
tec
execute0_lowered:
.L_overlay_start_1:
0x0: {  	(tag) =	ssettag $0x1  }
0x1: {  	s0 =	rddreg [dreg:$0x0];
	s1 =	srdreg.scid  }
0x2: {  	s2 =	rddreg [dreg:$0x1];
	s10 =	stileid.u32  }
0x3: {  	s3 =	simm.s32 $0x0;
	s28 =	simm.s32 $0x1;
	s29 =	simm.s32 $0x80  }
0x4: {  	s30 =	simm.s32 $0x2;
	s31 =	simm.s32 $0x4400;
	s6 =	smul.u32 $0x13C00, s10  }
0x5: {  	s11 =	simm.s32 $0x380;
	s13 =	simm.s32 $0x0;
	s7 =	smul.u32 $0x4F000, s10  }
0x6: {  	s1 =	sand.u32 $0x1, s1;
	[smem:$0x7FF] =	sst s3;
	s21 =	smul.u32 $0x4F00, s10  }
0x7: {  	s4 =	sadd.s32 $0xD000, s0;
	s8 =	sadd.s32 $0xC800, s0;
	s5 =	smul.u32 $0x13C000, s1  }
0x8: {  	_ =	strace $0x8000004A;
	[dreg:$0x3] =	wrdreg s8;
	s15 =	sshll.u32 s1, $0x4  }
0x9: {  	s16 =	ssub.s32 $0x2, s1;
	s1 =	smul.u32 $0x4F000, s1;
	s7 =	sshrl.u32 s7, $0x2  }
0xa: {  	s9 =	sshrl.u32 s16, $0x1;
	s6 =	sadd.s32 s6, s5;
	s5 =	sadd.s32 $0x5C800, s0  }
0xb: {  	s7 =	sadd.s32 s7, s2;
	s8 =	ssub.s32 s16, s9;
	s25 =	sadd.s32 s21, s1  }
0xc: {  	s9 =	simm.s32 $0x4;
	s6 =	sshrl.u32 s6, $0x3;
	s17 =	sadd.s32 $0x4000, s7  }
0xd: {  	s18 =	sadd.s32 $0x8000, s7;
	s19 =	sadd.s32 $0xC000, s7;
	[dreg:$0x4] =	wrdreg s17  }
0xe: {  	s20 =	sadd.s32 $0x10000, s7;
	s1 =	sadd.s32 $0x700, s25;
	[dreg:$0x5] =	wrdreg s18  }
0xf: {  	s26 =	sadd.s32 $0x500, s25;
	s14 =	sadd.s32 $0x400, s25;
	[dreg:$0x6] =	wrdreg s19  }
0x10: {  	s0 =	sadd.s32 s6, s0;
	s6 =	sor.u32 s10, s15;
	[dreg:$0x7] =	wrdreg s20  }
0x11: {  	s17 =	smax.u32 s8, $0x1;
	s1 =	sshrl.u32 s1, $0x3;
	s8 =	sshrl.u32 s26, $0x3  }
0x12: {  	s26 =	simm.s32 $0x300;
	s10 =	simm.s32 $0x280;
	s6 =	smul.u32 $0x4F00, s6  }
0x13: {  	s0 =	sadd.s32 $0x70400, s0;
	s18 =	sadd.s32 s1, s5;
	s20 =	sadd.s32 s8, s5  }
0x14: {  	s1 =	simm.s32 $0x3;
	s8 =	simm.s32 $0x180;
	s6 =	sshrl.u32 s6, $0x3  }
0x15: {  	[dreg:$0xb] =	wrdreg s0;
	s0 =	simm.s32 $0x5;
	s12 =	sadd.s32 s5, s6  }
.Ltmp0:
0x16: {  	s6 =	sadd.s32 $0x600, s25;
	s22 =	sadd.s32 $0x20, s12;
	(pc) =	sbr.rel .LBB2_1-.Ltmp0, $4  }
0x17: {  	s25 =	simm.s32 $0x200;
	s23 =	sadd.s32 $0x40, s12;
	[dreg:$0x8] =	wrdreg s22  }
0x18: {  	s24 =	sadd.s32 $0x60, s12;
	s6 =	sshrl.u32 s6, $0x3;
	[dreg:$0x9] =	wrdreg s23  }
0x19: {  	[dreg:$0xa] =	wrdreg s24;
	s19 =	sadd.s32 s6, s5;
	s22 =	simm.s32 $0x400  }
0x1a: {  	s23 =	simm.s32 $0x7;
	s24 =	simm.s32 $0x100;
	s6 =	simm.s32 $0x6  }
.LBB2_4:
0x1b: {  	_ =	swait.ge [sflag:s30], $0x100  }
0x1c: {  	[sflag:s30] =	ssyncset.done $0x0  }
0x1d: {  	[sflag:s30] =	ssyncadd.s32 $0xFFFFFF00  }
0x1e: {  	[tilespmem:s31], [sflag:$0x6] =	stream.indirect.gather [hbm4b:s4+s29], $0x80, s24, s29, $0xb8;
	[tilespmem:$0x1C000] =	vst v63  }
0x1f: {  	_ =	swait.ge [sflag:s0], $0x4000  }
0x20: {  	[sflag:s0] =	ssyncset.done $0x0  }
0x21: {  	[sflag:s0] =	ssyncadd.s32 $0xFFFFC000  }
0x22: {  	[spmem:s2] =	stream.indirect.scatter.add.f32 [tilespmem:s22], [sflag:$0x7], $0x80, s29, s29, $0xb8;
	[tilespmem:$0x1C000] =	vst v63  }
0x23: {  	_ =	swait.ge [sflag:s23], $0x4000  }
0x24: {  	[sflag:s23] =	ssyncset.done $0x0  }
0x25: {  	[sflag:s23] =	ssyncadd.s32 $0xFFFFC000  }
0x26: {  	_ =	swait.ge [sflag:s1], $0x100  }
0x27: {  	[sflag:s1] =	ssyncset.done $0x0  }
0x28: {  	[sflag:s1] =	ssyncadd.s32 $0xFFFFFF00  }
0x29: {  	[tilespmem:s22], [sflag:$0x5] =	stream.indirect.gather [hbm4b:s4+s29], $0x80, s25, s29, $0xb8;
	[tilespmem:$0x1C000] =	vst v63  }
0x2a: {  	_ =	swait.ge [sflag:s6], $0x4000  }
0x2b: {  	[sflag:s6] =	ssyncset.done $0x0  }
0x2c: {  	[sflag:s6] =	ssyncadd.s32 $0xFFFFC000  }
0x2d: {  	[spmem:s2] =	stream.indirect.scatter.add.f32 [tilespmem:s31], [sflag:$0x7], $0x80, s8, s29, $0xb8;
	[tilespmem:$0x1C000] =	vst v63  }
0x2e: {  	_ =	swait.ge [sflag:s23], $0x4000  }
0x2f: {  	[sflag:s23] =	ssyncset.done $0x0  }
0x30: {  	[sflag:s23] =	ssyncadd.s32 $0xFFFFC000  }
0x31: {  	_ =	swait.ge [sflag:s0], $0x4000  }
0x32: {  	[sflag:s0] =	ssyncset.done $0x0  }
0x33: {  	[sflag:s0] =	ssyncadd.s32 $0xFFFFC000  }
0x34: {  	[spmem:s2] =	stream.indirect.scatter.add.f32 [tilespmem:s22], [sflag:$0x7], $0x80, s10, s29, $0xb8;
	[tilespmem:$0x1C000] =	vst v63  }
0x35: {  	_ =	swait.ge [sflag:s23], $0x4000  }
0x36: {  	s15 =	stileid.u32;
	[sflag:s23] =	ssyncset.done $0x0  }
0x37: {  	s16 =	sshrl.u32 s7, $0x3;
	s13 =	sadd.s32 $0x1, s13;
	[sflag:s23] =	ssyncadd.s32 $0xFFFFC000  }
0x38: {  	s15 =	sshll.u32 s15, $0x6;
	p0 =	sne.s32 s13, s17;
	[bflag:$0x0] =	sbarrier.arrive $0xFFFF  }
.Ltmp1:
0x39: {  	s15 =	sor.u32 $0x1C07, s15;
	s21 =	rddreg [dreg:$0xb];
	(pc) =	sbr.rel @!p0 .LBB2_5-.Ltmp1, $4  }
0x3a: {  	[hbm:s21], [sflag:s15] =	dma.local [spmem:s16], $0x2780  }
0x3b: {  	_ =	swait.ge [sflag:s23], $0x2780  }
0x3c: {  	[sflag:s23] =	ssyncset.done $0x0  }
0x3d: {  	[sflag:s23] =	ssyncadd.s32 $0xFFFFD880  }
.LBB2_1:
0x3e: {  	s15 =	rddreg [dreg:$0x3]  }
0x3f: {  	[tilespmem:s22], [sflag:$0x7] =	stream.linear.gather [hbm4b:s15+s3], $0x4000, $0x38;
	[tilespmem:$0x1C000] =	vst v63  }
0x40: {  	_ =	swait.ge [sflag:s23], $0x4000  }
0x41: {  	[sflag:s23] =	ssyncset.done $0x0  }
0x42: {  	[sflag:s23] =	ssyncadd.s32 $0xFFFFC000  }
0x43: {  	[spmem:s7] =	stream.linear.scatter [tilespmem:s22], [sflag:$0x7], $0x4000, $0x38;
	[tilespmem:$0x1C000] =	vst v63  }
0x44: {  	_ =	swait.ge [sflag:s23], $0x4000  }
0x45: {  	[sflag:s23] =	ssyncset.done $0x0  }
0x46: {  	s21 =	rddreg [dreg:$0x4];
	[sflag:s23] =	ssyncadd.s32 $0xFFFFC000  }
0x47: {  	[spmem:s21] =	stream.linear.scatter [tilespmem:s22], [sflag:$0x7], $0x4000, $0x38;
	[tilespmem:$0x1C000] =	vst v63  }
0x48: {  	_ =	swait.ge [sflag:s23], $0x4000  }
0x49: {  	[sflag:s23] =	ssyncset.done $0x0  }
0x4a: {  	s16 =	rddreg [dreg:$0x5];
	[sflag:s23] =	ssyncadd.s32 $0xFFFFC000  }
0x4b: {  	[spmem:s16] =	stream.linear.scatter [tilespmem:s22], [sflag:$0x7], $0x4000, $0x38;
	[tilespmem:$0x1C000] =	vst v63  }
0x4c: {  	_ =	swait.ge [sflag:s23], $0x4000  }
0x4d: {  	[sflag:s23] =	ssyncset.done $0x0  }
0x4e: {  	s21 =	rddreg [dreg:$0x6];
	[sflag:s23] =	ssyncadd.s32 $0xFFFFC000  }
0x4f: {  	[spmem:s21] =	stream.linear.scatter [tilespmem:s22], [sflag:$0x7], $0x4000, $0x38;
	[tilespmem:$0x1C000] =	vst v63  }
0x50: {  	_ =	swait.ge [sflag:s23], $0x4000  }
0x51: {  	[sflag:s23] =	ssyncset.done $0x0  }
0x52: {  	s16 =	rddreg [dreg:$0x7];
	[sflag:s23] =	ssyncadd.s32 $0xFFFFC000  }
0x53: {  	[spmem:s16] =	stream.linear.scatter [tilespmem:s22], [sflag:$0x7], $0x3C00, $0x38;
	[tilespmem:$0x1C000] =	vst v63  }
0x54: {  	_ =	swait.ge [sflag:s23], $0x3C00  }
0x55: {  	[sflag:s23] =	ssyncset.done $0x0  }
0x56: {  	[sflag:s23] =	ssyncadd.s32 $0xFFFFC400  }
0x57: {  	[bflag:$0x0] =	sbarrier.arrive $0xFFFF  }
0x58: {  	[tilespmem:s3], [sflag:$0x1] =	stream.linear.gather [hbm4b:s12+s3], $0x100, $0x38;
	[tilespmem:$0x1C000] =	vst v63  }
0x59: {  	s21 =	rddreg [dreg:$0x8]  }
0x5a: {  	[tilespmem:s24], [sflag:$0x2] =	stream.linear.gather [hbm4b:s21+s3], $0x100, $0x38;
	[tilespmem:$0x1C000] =	vst v63  }
0x5b: {  	s16 =	rddreg [dreg:$0x9]  }
0x5c: {  	[tilespmem:s25], [sflag:$0x3] =	stream.linear.gather [hbm4b:s16+s3], $0x100, $0x38;
	[tilespmem:$0x1C000] =	vst v63  }
0x5d: {  	s21 =	rddreg [dreg:$0xa]  }
0x5e: {  	[tilespmem:s26], [sflag:$0x4] =	stream.linear.gather [hbm4b:s21+s3], $0x100, $0x38;
	[tilespmem:$0x1C000] =	vst v63  }
0x5f: {  	_ =	swait.ge [sflag:s28], $0x100  }
0x60: {  	[sflag:s28] =	ssyncset.done $0x0  }
0x61: {  	s15 =	simm.s32 $0x0;
	s21 =	smov.u32 s14;
	[sflag:s28] =	ssyncadd.s32 $0xFFFFFF00  }
0x62: {  	[tilespmem:s22], [sflag:$0x5] =	stream.indirect.gather [hbm4b:s4+s29], $0x80, s3, s29, $0xb8;
	[tilespmem:$0x1C000] =	vst v63  }
.LBB2_2:
0x63: {  	_ =	swait.ge [sflag:s30], $0x100  }
0x64: {  	[sflag:s30] =	ssyncset.done $0x0  }
0x65: {  	[sflag:s30] =	ssyncadd.s32 $0xFFFFFF00  }
0x66: {  	[tilespmem:s31], [sflag:$0x6] =	stream.indirect.gather [hbm4b:s4+s29], $0x80, s24, s29, $0xb8;
	[tilespmem:$0x1C000] =	vst v63  }
0x67: {  	_ =	swait.ge [sflag:s0], $0x4000  }
0x68: {  	[sflag:s0] =	ssyncset.done $0x0  }
0x69: {  	[sflag:s0] =	ssyncadd.s32 $0xFFFFC000  }
0x6a: {  	[spmem:s2] =	stream.indirect.scatter.add.f32 [tilespmem:s22], [sflag:$0x7], $0x80, s29, s29, $0xb8;
	[tilespmem:$0x1C000] =	vst v63  }
0x6b: {  	_ =	swait.ge [sflag:s23], $0x4000  }
0x6c: {  	s16 =	sshrl.u32 s21, $0x3;
	[sflag:s23] =	ssyncset.done $0x0  }
0x6d: {  	s16 =	sadd.s32 s5, s16;
	[sflag:s23] =	ssyncadd.s32 $0xFFFFC000  }
0x6e: {  	[tilespmem:s3], [sflag:$0x1] =	stream.linear.gather [hbm4b:s16+s3], $0x100, $0x38;
	[tilespmem:$0x1C000] =	vst v63  }
0x6f: {  	_ =	swait.ge [sflag:s1], $0x100  }
0x70: {  	[sflag:s1] =	ssyncset.done $0x0  }
0x71: {  	[sflag:s1] =	ssyncadd.s32 $0xFFFFFF00  }
0x72: {  	[tilespmem:s22], [sflag:$0x5] =	stream.indirect.gather [hbm4b:s4+s29], $0x80, s25, s29, $0xb8;
	[tilespmem:$0x1C000] =	vst v63  }
0x73: {  	_ =	swait.ge [sflag:s6], $0x4000  }
0x74: {  	[sflag:s6] =	ssyncset.done $0x0  }
0x75: {  	[sflag:s6] =	ssyncadd.s32 $0xFFFFC000  }
0x76: {  	[spmem:s2] =	stream.indirect.scatter.add.f32 [tilespmem:s31], [sflag:$0x7], $0x80, s8, s29, $0xb8;
	[tilespmem:$0x1C000] =	vst v63  }
0x77: {  	_ =	swait.ge [sflag:s23], $0x4000  }
0x78: {  	[sflag:s23] =	ssyncset.done $0x0  }
0x79: {  	s16 =	sadd.s32 s15, s20;
	[sflag:s23] =	ssyncadd.s32 $0xFFFFC000  }
0x7a: {  	[tilespmem:s24], [sflag:$0x2] =	stream.linear.gather [hbm4b:s16+s3], $0x100, $0x38;
	[tilespmem:$0x1C000] =	vst v63  }
0x7b: {  	_ =	swait.ge [sflag:s9], $0x100  }
0x7c: {  	[sflag:s9] =	ssyncset.done $0x0  }
0x7d: {  	[sflag:s9] =	ssyncadd.s32 $0xFFFFFF00  }
0x7e: {  	[tilespmem:s31], [sflag:$0x6] =	stream.indirect.gather [hbm4b:s4+s29], $0x80, s26, s29, $0xb8;
	[tilespmem:$0x1C000] =	vst v63  }
0x7f: {  	_ =	swait.ge [sflag:s0], $0x4000  }
0x80: {  	[sflag:s0] =	ssyncset.done $0x0  }
0x81: {  	[sflag:s0] =	ssyncadd.s32 $0xFFFFC000  }
0x82: {  	[spmem:s2] =	stream.indirect.scatter.add.f32 [tilespmem:s22], [sflag:$0x7], $0x80, s10, s29, $0xb8;
	[tilespmem:$0x1C000] =	vst v63  }
0x83: {  	_ =	swait.ge [sflag:s23], $0x4000  }
0x84: {  	[sflag:s23] =	ssyncset.done $0x0  }
0x85: {  	s16 =	sadd.s32 s15, s19;
	[sflag:s23] =	ssyncadd.s32 $0xFFFFC000  }
0x86: {  	[tilespmem:s25], [sflag:$0x3] =	stream.linear.gather [hbm4b:s16+s3], $0x100, $0x38;
	[tilespmem:$0x1C000] =	vst v63  }
0x87: {  	_ =	swait.ge [sflag:s28], $0x100  }
0x88: {  	[sflag:s28] =	ssyncset.done $0x0  }
0x89: {  	[sflag:s28] =	ssyncadd.s32 $0xFFFFFF00  }
0x8a: {  	[tilespmem:s22], [sflag:$0x5] =	stream.indirect.gather [hbm4b:s4+s29], $0x80, s3, s29, $0xb8;
	[tilespmem:$0x1C000] =	vst v63  }
0x8b: {  	_ =	swait.ge [sflag:s6], $0x4000  }
0x8c: {  	p0 =	seq.s32 s15, $0x900;
	[sflag:s6] =	ssyncset.done $0x0  }
.Ltmp2:
0x8d: {  	[sflag:s6] =	ssyncadd.s32 $0xFFFFC000;
	(pc) =	sbr.rel @p0 .LBB2_4-.Ltmp2, $4  }
0x8e: {  	[spmem:s2] =	stream.indirect.scatter.add.f32 [tilespmem:s31], [sflag:$0x7], $0x80, s11, s29, $0xb8;
	[tilespmem:$0x1C000] =	vst v63  }
0x8f: {  	_ =	swait.ge [sflag:s23], $0x4000  }
0x90: {  	[sflag:s23] =	ssyncset.done $0x0  }
0x91: {  	[sflag:s23] =	ssyncadd.s32 $0xFFFFC000  }
.Ltmp3:
0x92: {  	(pc) =	sbr.rel .LBB2_2-.Ltmp3, $3  }
0x93: {  	_ =	sdelay $0x1  }
0x94: {  	s16 =	sadd.s32 s15, s18;
	s15 =	sadd.s32 $0x80, s15;
	s21 =	sadd.s32 $0x400, s21  }
0x95: {  	[tilespmem:s26], [sflag:$0x4] =	stream.linear.gather [hbm4b:s16+s3], $0x100, $0x38;
	[tilespmem:$0x1C000] =	vst v63  }
.LBB2_5:
0x96: {  	_ =	sfence.sel $0x180000  }
0x97: {  	[bflag:$0x0] =	sbarrier.arrive $0xFFFF  }
0x98: {  	_ =	strace $0x9000004A  }
0x99: {  	s0 =	stileid.u32;
	[bflag:$0x2] =	sbarrier.arrive $0xFFFF  }
0x9a: {  	p0 =	sne.s32 s0, $0x0;
	s0 =	rddreg [dreg:$0x2]  }
0x9b: {  	s0 =	sadd.s32 @!p0 $0x100000, s0  }
0x9c: {  	[sflag:s0] =	ssyncadd.tile.s32 @!p0 $0x1;
	_ =	shalt  }
.Lfunc_end2:
_tile_overlayer_lowered:
.L_overlay_start_2:
0x9d: {  	(tag) =	ssettag $0x2  }
0x9e: {  	s0 =	rddreg [dreg:$0x0];
	s2 =	stileid.u32  }
0x9f: {  	s1 =	rddreg [dreg:$0x1];
	p0 =	sne.s32 s2, $0x0  }
0xa0: {  	s3 =	rddreg [dreg:$0x2];
	[bflag:$0x3] =	sbarrier.arrive $0xFFFF;
	s2 =	simm.s32 @!p0 $0x1C07  }
0xa1: {  	[timem:s3], [sflag:s2] =	dma.local @!p0 [hbm:s0], s1  }
0xa2: {  	s0 =	simm.s32 @!p0 $0x7  }
0xa3: {  	_ =	swait.ge @!p0 [sflag:s0], s1  }
0xa4: {  	s1 =	ssub.s32 @!p0 $0x0, s1;
	[sflag:s0] =	ssyncset.done @!p0 $0x0  }
0xa5: {  	[sflag:s0] =	ssyncadd.s32 @!p0 s1  }
0xa6: {  	[bflag:$0x3] =	sbarrier.arrive $0xFFFF  }
0xa7: {  	_ =	shalt  }

// kernel: kernel.15.cloned.1.call-start
scs
__scs_entry_jumppad:
0x0: {  	(pc) =	sbr.rel $0x88, $3  }
0x1: {  	(tag) =	ssettag $0x0;
	lr =	simm.s32 $0x1  }
0x2: {  	[smem:$0x3F96] =	sst lr;
	_ =	strace $0xD0000000  }
0x3: {  	_ = 	snop  }
0x4: {  	_ = 	snop  }
0x5: {  	_ = 	snop  }
0x6: {  	_ = 	snop  }
0x7: {  	_ = 	snop  }
__scs_overlays_trampoline_lowered:
0x8: {  	[smem:$0x3FA5] =	sst s0  }
0x9: {  	[smem:$0x3FA6] =	sst s1  }
0xa: {  	[smem:$0x3FA7] =	sst s2  }
0xb: {  	[smem:$0x3FA8] =	sst s3  }
0xc: {  	[smem:$0x3FA9] =	sst s4  }
0xd: {  	[smem:$0x3FAA] =	sst s5  }
0xe: {  	[smem:$0x3FAB] =	sst s6  }
0xf: {  	[smem:$0x3FAC] =	sst s7  }
0x10: {  	[smem:$0x3FAD] =	sst s8  }
0x11: {  	[smem:$0x3FAE] =	sst s9;
	s0 =	simm.s32 @!p0 $0x0  }
0x12: {  	s1 =	sld [smem:$0x3F94];
	s0 =	simm.s32 @p0 $0x1  }
0x13: {  	[smem:$0x3FAF] =	sst s0;
	s0 =	simm.s32 @!p1 $0x0  }
0x14: {  	s2 =	sld [smem:$0x3F93];
	s0 =	simm.s32 @p1 $0x1  }
0x15: {  	[smem:$0x3FB0] =	sst s0;
	s0 =	simm.s32 @!p2 $0x0  }
0x16: {  	s3 =	sld [smem:$0x3FDB];
	s0 =	simm.s32 @p2 $0x1  }
0x17: {  	s4 =	simm.s32 $0x1BF5;
	[smem:$0x3FB2] =	sst s0  }
0x18: {  	s0 =	sld [smem:$0x3F95];
	_ =	swait.ge [sflag:s4], $0x0  }
0x19: {  	s7 =	sld [smem:$0x3F96]  }
0x1a: {  	s8 =	sadd.s32 $0xFFFFE003, lr  }
0x1b: {  	s9 =	sadd.s32 $0xFFFFFEF7, lr;
	s5 =	simm.s32 $0xFFFFFFFF;
	p2 =	slt.u32 s8, $0xFFFFF086  }
0x1c: {  	p1 =	slt.u32 s9, $0xF7A;
	s5 =	simm.s32 @!p2 $0x0  }
0x1d: {  	s5 =	simm.s32 @p1 $0x1;
	p0 =	seq.s32 s7, s2  }
0x1e: {  	s7 =	smul.u32 @!p0 $0xF7A, s2;
	p2 =	seq.s32 @!p0 s5, $0x0  }
0x1f: {  	s9 =	smul.u32 $0xF7A, s1;
	s8 =	simm.s32 @!p0 $0x1BF5;
	p2 =	por !p2, p0  }
0x20: {  	[sflag:s8] =	ssyncset.s32 @!p0 $0xFFFFF086;
	s6 =	sadd.s32 @!p0 s3, s7;
	s7 =	simm.s32 @!p0 $0x108  }
0x21: {  	s3 =	sadd.s32 s3, s9;
	s6 =	sadd.s32 @!p0 $0x88, s6;
	s7 =	simm.s32 @p2 $0x1082  }
0x22: {  	[simem:s7], [sflag:s8] =	dma.local @!p0 [hbm:s6], $0xF7A  }
0x23: {  	s9 =	sor.u32 $0xD0000000, s2;
	s6 =	simm.s32 $0x108;
	_ =	swait.ge @!p0 [sflag:s8], $0x0  }
0x24: {  	s3 =	sadd.s32 $0x88, s3;
	s6 =	simm.s32 @!p1 $0x1082;
	[sflag:s4] =	ssyncset.s32 $0xFFFFF086  }
0x25: {  	[simem:s6], [sflag:s4] =	dma.local [hbm:s3], $0xF7A  }
0x26: {  	[smem:$0x3F96] =	sst s1;
	(tag) =	ssettag s2;
	_ =	strace s9  }
0x27: {  	s1 =	sld [smem:$0x3FA6]  }
0x28: {  	s2 =	sld [smem:$0x3FA7]  }
0x29: {  	s4 =	sld [smem:$0x3FA9]  }
0x2a: {  	p0 =	seq.s32 s5, $0x0;
	s5 =	sld [smem:$0x3FAA]  }
0x2b: {  	s6 =	sld [smem:$0x3FAB]  }
0x2c: {  	s7 =	sld [smem:$0x3FAC]  }
0x2d: {  	s3 =	simm.s32 $0x108;
	s8 =	sld [smem:$0x3FAD]  }
0x2e: {  	s3 =	simm.s32 @!p0 $0x1082;
	s9 =	sld [smem:$0x3FAE]  }
0x2f: {  	lr =	sadd.s32 s0, s3;
	s0 =	sld [smem:$0x3FA5]  }
0x30: {  	s3 =	sld [smem:$0x3FA8]  }
0x31: {  	[smem:$0x3FB1] =	sst s10  }
0x32: {  	s10 =	sld [smem:$0x3FAF];
	_ =	sdelay $0x3  }
0x33: {  	p0 =	seq.s32 s10, $0x1;
	s10 =	sld [smem:$0x3FB1];
	_ =	sdelay $0x3  }
0x34: {  	[smem:$0x3FB1] =	sst s10  }
0x35: {  	s10 =	sld [smem:$0x3FB0];
	_ =	sdelay $0x3  }
0x36: {  	p1 =	seq.s32 s10, $0x1;
	s10 =	sld [smem:$0x3FB1];
	_ =	sdelay $0x3  }
0x37: {  	[smem:$0x3FB1] =	sst s10  }
0x38: {  	s10 =	sld [smem:$0x3FB2]  }
0x39: {  	_ = 	snop;
	(pc) =	sbr.ind lr, $3  }
0x3a: {  	_ = 	snop  }
0x3b: {  	_ = 	snop  }
0x3c: {  	p2 =	seq.s32 s10, $0x1;
	s10 =	sld [smem:$0x3FB1]  }
0x3d: {  	_ =	shalt  }
0x3e: {  	_ =	shalt  }
0x3f: {  	_ =	shalt  }
0x40: {  	_ =	shalt  }
0x41: {  	_ =	shalt  }
0x42: {  	_ =	shalt  }
0x43: {  	_ =	shalt  }
0x44: {  	_ =	shalt  }
0x45: {  	_ =	shalt  }
0x46: {  	_ =	shalt  }
0x47: {  	_ =	shalt  }
0x48: {  	_ =	shalt  }
0x49: {  	_ =	shalt  }
0x4a: {  	_ =	shalt  }
0x4b: {  	_ =	shalt  }
0x4c: {  	_ =	shalt  }
0x4d: {  	_ =	shalt  }
0x4e: {  	_ =	shalt  }
0x4f: {  	_ =	shalt  }
0x50: {  	_ =	shalt  }
0x51: {  	_ =	shalt  }
0x52: {  	_ =	shalt  }
0x53: {  	_ =	shalt  }
0x54: {  	_ =	shalt  }
0x55: {  	_ =	shalt  }
0x56: {  	_ =	shalt  }
0x57: {  	_ =	shalt  }
0x58: {  	_ =	shalt  }
0x59: {  	_ =	shalt  }
0x5a: {  	_ =	shalt  }
0x5b: {  	_ =	shalt  }
0x5c: {  	_ =	shalt  }
0x5d: {  	_ =	shalt  }
0x5e: {  	_ =	shalt  }
0x5f: {  	_ =	shalt  }
0x60: {  	_ =	shalt  }
0x61: {  	_ =	shalt  }
0x62: {  	_ =	shalt  }
0x63: {  	_ =	shalt  }
0x64: {  	_ =	shalt  }
0x65: {  	_ =	shalt  }
0x66: {  	_ =	shalt  }
0x67: {  	_ =	shalt  }
0x68: {  	_ =	shalt  }
0x69: {  	_ =	shalt  }
0x6a: {  	_ =	shalt  }
0x6b: {  	_ =	shalt  }
0x6c: {  	_ =	shalt  }
0x6d: {  	_ =	shalt  }
0x6e: {  	_ =	shalt  }
0x6f: {  	_ =	shalt  }
0x70: {  	_ =	shalt  }
0x71: {  	_ =	shalt  }
0x72: {  	_ =	shalt  }
0x73: {  	_ =	shalt  }
0x74: {  	_ =	shalt  }
0x75: {  	_ =	shalt  }
0x76: {  	_ =	shalt  }
0x77: {  	_ =	shalt  }
0x78: {  	_ =	shalt  }
0x79: {  	_ =	shalt  }
0x7a: {  	_ =	shalt  }
0x7b: {  	_ =	shalt  }
0x7c: {  	_ =	shalt  }
0x7d: {  	_ =	shalt  }
0x7e: {  	_ =	shalt  }
0x7f: {  	_ =	shalt  }
0x80: {  	_ =	shalt  }
0x81: {  	_ =	shalt  }
0x82: {  	_ =	shalt  }
0x83: {  	_ =	shalt  }
0x84: {  	_ =	shalt  }
0x85: {  	_ =	shalt  }
0x86: {  	_ =	shalt  }
0x87: {  	_ =	shalt  }
.Lfunc_end0:
.L_simem_size_0:
called_computation.2_lowered:
.L_overlay_start_0:
0x88: {  	s2 =	sld [smem:$0x3FD9]  }
0x89: {  	s3 =	sld [smem:$0x3FFE];
	_ =	sdelay $0x1  }
0x8a: {  	s1 =	srdreg.scid  }
0x8b: {  	s0 =	sand.u32 $0x1, s1  }
0x8c: {  	s16 =	sshll.u32 s0, $0xA;
	s2 =	sadd.s32 s3, s2  }
0x8d: {  	s2 =	sadd.s32 s2, s16  }
0x8e: {  	[smem:$0x3FBD] =	sst s2  }
0x8f: {  	_ = 	snop  }
0x90: {  	(tm) =	ssettm $0x1  }
0x91: {  	s17 =	sld [smem:$0x3FFB];
	_ =	sdelay $0x3  }
0x92: {  	_ =	strace s17  }
0x93: {  	s2 =	sld [smem:$0x3FFC];
	_ =	sdelay $0x3  }
0x94: {  	_ =	strace s2  }
0x95: {  	s2 =	sld [smem:$0x3FFD];
	_ =	sdelay $0x3  }
0x96: {  	_ =	strace s2  }
0x97: {  	_ =	strace $0x8FFFFFFF  }
0x98: {  	s18 =	sld [smem:$0x3FDB];
	_ =	sdelay $0x1  }
0x99: {  	s19 =	simm.s32 $_scs_section_size  }
0x9a: {  	s4 =	simm.s32 $_size__tile_overlayer_lowered;
	s5 =	simm.s32 $_tile_overlayer_lowered  }
0x9b: {  	s22 =	simm.s32 $0x1BFF;
	s21 =	sshll.u32 s5, $0x1;
	s2 =	sadd.s32 s19, s18  }
0x9c: {  	s6 =	simm.s32 $0x0;
	s20 =	sshll.u32 s4, $0x1;
	s4 =	sadd.s32 s21, s2  }
0x9d: {  	[timem:s6], [sflag:s22] =	dma.local [hbm:s4], s20  }
0x9e: {  	_ =	swait.ge [sflag:s22], s20  }
0x9f: {  	s3 =	ssub.s32 $0x0, s20;
	[sflag:s22] =	ssyncset.done $0x0  }
0xa0: {  	[sflag:s22] =	ssyncadd.s32 s3;
	_ =	sdelay $0x1  }
0xa1: {  	s23 =	simm.s32 $0x1B8B  }
0xa2: {  	_ =	swait.ge [sflag:s23], $0x1  }
0xa3: {  	[sflag:s23] =	ssyncset.done $0x0  }
0xa4: {  	s25 =	simm.s32 $0x1B8E;
	s24 =	sld [smem:$0x3FFE];
	[sflag:s23] =	ssyncadd.s32 $0xFFFFFFFF  }
0xa5: {  	s26 =	simm.s32 $execute0_lowered;
	[smem:$0x3FD2] =	sst s25  }
0xa6: {  	s4 =	sshll.u32 s26, $0x1;
	_ =	strace $0x8000004C;
	[dreg:$0x1] =	wrdreg $0xFFFFFFFF  }
0xa7: {  	s28 =	simm.s32 $_size_execute0_lowered;
	s2 =	sadd.s32 s2, s4;
	[dreg:$0x0] =	wrdreg $0x0  }
0xa8: {  	s4 =	sshll.u32 s28, $0x1;
	[dreg:$0x2] =	wrdreg s2  }
0xa9: {  	[dreg:$0x3] =	wrdreg s4  }
0xaa: {  	[dreg:$0x4] =	wrdreg $0xC0  }
0xab: {  	_ =	task [dreg:s6], $0x5FFFF  }
0xac: {  	[dreg:$0x1] =	wrdreg $0xFFFFFFFF  }
0xad: {  	[dreg:$0x0] =	wrdreg $0x60  }
0xae: {  	[dreg:$0x2] =	wrdreg s24  }
0xaf: {  	[dreg:$0x3] =	wrdreg $0x84000  }
0xb0: {  	[dreg:$0x4] =	wrdreg $0x9  }
0xb1: {  	_ =	task.clear_ibuf [dreg:s6], $0x5FFFF;
	_ =	strace $0x9000004C  }
0xb2: {  	s29 =	simm.s32 $0x9;
	_ =	strace $0x8000004E  }
0xb3: {  	_ =	swait.ge [sflag:s29], $0x1  }
0xb4: {  	[sflag:s29] =	ssyncadd.s32 $0xFFFFFFFF  }
0xb5: {  	_ =	strace $0x9000004E  }
0xb6: {  	_ =	sfence  }
0xb7: {  	s30 =	sld [smem:$0x0];
	_ =	sdelay $0x2  }
0xb8: {  	s31 =	sshll.u32 s1, $0xD;
	s1 =	sshrl.u32 s1, $0x2  }
0xb9: {  	s3 =	sand.u32 $0x4000, s31;
	s1 =	sadd.s32 s1, s30  }
0xba: {  	s0 =	sor.u32 s3, s0;
	s1 =	sshll.u32 s1, $0x11  }
0xbb: {  	s0 =	sor.u32 s1, s0  }
0xbc: {  	s0 =	sadd.s32 $0x8F2B, s0  }
0xbd: {  	[sflag:s0] =	ssyncadd.remote.s32 $0x1  }
0xbe: {  	_ =	sfence.sel $0xFFFF  }
0xbf: {  	[dreg:$0x0] =	wrdreg $0xFFFFFFFF;
	(pc) =	sbr.abs _section_cstart, $3  }
0xc0: {  	[dreg:$0x1] =	wrdreg $0xFFFFFFFF  }
0xc1: {  	_ =	task.clear_ibuf [dreg:s6], $0x2FFFF;
	_ =	strace $0x9FFFFFFF  }
0xc2: {  	(tm) =	ssettm $0x7FFFFFFF  }
0xc3: {  	_ =	shalt  }
tec
execute0_lowered:
.L_overlay_start_1:
0x0: {  	(tag) =	ssettag $0x1  }
0x1: {  	s0 =	rddreg [dreg:$0x0];
	s1 =	srdreg.scid  }
0x2: {  	s2 =	rddreg [dreg:$0x1];
	s10 =	stileid.u32  }
0x3: {  	s3 =	simm.s32 $0x0;
	s28 =	simm.s32 $0x1;
	s29 =	simm.s32 $0x80  }
0x4: {  	s30 =	simm.s32 $0x2;
	s31 =	simm.s32 $0x4400;
	s6 =	smul.u32 $0x13C00, s10  }
0x5: {  	s11 =	simm.s32 $0x380;
	s13 =	simm.s32 $0x0;
	s7 =	smul.u32 $0x4F000, s10  }
0x6: {  	s1 =	sand.u32 $0x1, s1;
	[smem:$0x7FF] =	sst s3;
	s21 =	smul.u32 $0x4F00, s10  }
0x7: {  	s4 =	sadd.s32 $0xD000, s0;
	s8 =	sadd.s32 $0xC800, s0;
	s5 =	smul.u32 $0x13C000, s1  }
0x8: {  	_ =	strace $0x8000004D;
	[dreg:$0x3] =	wrdreg s8;
	s15 =	sshll.u32 s1, $0x4  }
0x9: {  	s16 =	ssub.s32 $0x2, s1;
	s1 =	smul.u32 $0x4F000, s1;
	s7 =	sshrl.u32 s7, $0x2  }
0xa: {  	s9 =	sshrl.u32 s16, $0x1;
	s6 =	sadd.s32 s6, s5;
	s5 =	sadd.s32 $0x5C800, s0  }
0xb: {  	s7 =	sadd.s32 s7, s2;
	s8 =	ssub.s32 s16, s9;
	s25 =	sadd.s32 s21, s1  }
0xc: {  	s9 =	simm.s32 $0x4;
	s6 =	sshrl.u32 s6, $0x3;
	s17 =	sadd.s32 $0x4000, s7  }
0xd: {  	s18 =	sadd.s32 $0x8000, s7;
	s19 =	sadd.s32 $0xC000, s7;
	[dreg:$0x4] =	wrdreg s17  }
0xe: {  	s20 =	sadd.s32 $0x10000, s7;
	s1 =	sadd.s32 $0x700, s25;
	[dreg:$0x5] =	wrdreg s18  }
0xf: {  	s26 =	sadd.s32 $0x500, s25;
	s14 =	sadd.s32 $0x400, s25;
	[dreg:$0x6] =	wrdreg s19  }
0x10: {  	s0 =	sadd.s32 s6, s0;
	s6 =	sor.u32 s10, s15;
	[dreg:$0x7] =	wrdreg s20  }
0x11: {  	s17 =	smax.u32 s8, $0x1;
	s1 =	sshrl.u32 s1, $0x3;
	s8 =	sshrl.u32 s26, $0x3  }
0x12: {  	s26 =	simm.s32 $0x300;
	s10 =	simm.s32 $0x280;
	s6 =	smul.u32 $0x4F00, s6  }
0x13: {  	s0 =	sadd.s32 $0x70400, s0;
	s18 =	sadd.s32 s1, s5;
	s20 =	sadd.s32 s8, s5  }
0x14: {  	s1 =	simm.s32 $0x3;
	s8 =	simm.s32 $0x180;
	s6 =	sshrl.u32 s6, $0x3  }
0x15: {  	[dreg:$0xb] =	wrdreg s0;
	s0 =	simm.s32 $0x5;
	s12 =	sadd.s32 s5, s6  }
.Ltmp0:
0x16: {  	s6 =	sadd.s32 $0x600, s25;
	s22 =	sadd.s32 $0x20, s12;
	(pc) =	sbr.rel .LBB2_1-.Ltmp0, $4  }
0x17: {  	s25 =	simm.s32 $0x200;
	s23 =	sadd.s32 $0x40, s12;
	[dreg:$0x8] =	wrdreg s22  }
0x18: {  	s24 =	sadd.s32 $0x60, s12;
	s6 =	sshrl.u32 s6, $0x3;
	[dreg:$0x9] =	wrdreg s23  }
0x19: {  	[dreg:$0xa] =	wrdreg s24;
	s19 =	sadd.s32 s6, s5;
	s22 =	simm.s32 $0x400  }
0x1a: {  	s23 =	simm.s32 $0x7;
	s24 =	simm.s32 $0x100;
	s6 =	simm.s32 $0x6  }
.LBB2_4:
0x1b: {  	_ =	swait.ge [sflag:s30], $0x100  }
0x1c: {  	[sflag:s30] =	ssyncset.done $0x0  }
0x1d: {  	[sflag:s30] =	ssyncadd.s32 $0xFFFFFF00  }
0x1e: {  	[tilespmem:s31], [sflag:$0x6] =	stream.indirect.gather [hbm4b:s4+s29], $0x80, s24, s29, $0xb8;
	[tilespmem:$0x1C000] =	vst v63  }
0x1f: {  	_ =	swait.ge [sflag:s0], $0x4000  }
0x20: {  	[sflag:s0] =	ssyncset.done $0x0  }
0x21: {  	[sflag:s0] =	ssyncadd.s32 $0xFFFFC000  }
0x22: {  	[spmem:s2] =	stream.indirect.scatter.add.f32 [tilespmem:s22], [sflag:$0x7], $0x80, s29, s29, $0xb8;
	[tilespmem:$0x1C000] =	vst v63  }
0x23: {  	_ =	swait.ge [sflag:s23], $0x4000  }
0x24: {  	[sflag:s23] =	ssyncset.done $0x0  }
0x25: {  	[sflag:s23] =	ssyncadd.s32 $0xFFFFC000  }
0x26: {  	_ =	swait.ge [sflag:s1], $0x100  }
0x27: {  	[sflag:s1] =	ssyncset.done $0x0  }
0x28: {  	[sflag:s1] =	ssyncadd.s32 $0xFFFFFF00  }
0x29: {  	[tilespmem:s22], [sflag:$0x5] =	stream.indirect.gather [hbm4b:s4+s29], $0x80, s25, s29, $0xb8;
	[tilespmem:$0x1C000] =	vst v63  }
0x2a: {  	_ =	swait.ge [sflag:s6], $0x4000  }
0x2b: {  	[sflag:s6] =	ssyncset.done $0x0  }
0x2c: {  	[sflag:s6] =	ssyncadd.s32 $0xFFFFC000  }
0x2d: {  	[spmem:s2] =	stream.indirect.scatter.add.f32 [tilespmem:s31], [sflag:$0x7], $0x80, s8, s29, $0xb8;
	[tilespmem:$0x1C000] =	vst v63  }
0x2e: {  	_ =	swait.ge [sflag:s23], $0x4000  }
0x2f: {  	[sflag:s23] =	ssyncset.done $0x0  }
0x30: {  	[sflag:s23] =	ssyncadd.s32 $0xFFFFC000  }
0x31: {  	_ =	swait.ge [sflag:s0], $0x4000  }
0x32: {  	[sflag:s0] =	ssyncset.done $0x0  }
0x33: {  	[sflag:s0] =	ssyncadd.s32 $0xFFFFC000  }
0x34: {  	[spmem:s2] =	stream.indirect.scatter.add.f32 [tilespmem:s22], [sflag:$0x7], $0x80, s10, s29, $0xb8;
	[tilespmem:$0x1C000] =	vst v63  }
0x35: {  	_ =	swait.ge [sflag:s23], $0x4000  }
0x36: {  	s15 =	stileid.u32;
	[sflag:s23] =	ssyncset.done $0x0  }
0x37: {  	s16 =	sshrl.u32 s7, $0x3;
	s13 =	sadd.s32 $0x1, s13;
	[sflag:s23] =	ssyncadd.s32 $0xFFFFC000  }
0x38: {  	s15 =	sshll.u32 s15, $0x6;
	p0 =	sne.s32 s13, s17;
	[bflag:$0x0] =	sbarrier.arrive $0xFFFF  }
.Ltmp1:
0x39: {  	s15 =	sor.u32 $0x1C07, s15;
	s21 =	rddreg [dreg:$0xb];
	(pc) =	sbr.rel @!p0 .LBB2_5-.Ltmp1, $4  }
0x3a: {  	[hbm:s21], [sflag:s15] =	dma.local [spmem:s16], $0x2780  }
0x3b: {  	_ =	swait.ge [sflag:s23], $0x2780  }
0x3c: {  	[sflag:s23] =	ssyncset.done $0x0  }
0x3d: {  	[sflag:s23] =	ssyncadd.s32 $0xFFFFD880  }
.LBB2_1:
0x3e: {  	s15 =	rddreg [dreg:$0x3]  }
0x3f: {  	[tilespmem:s22], [sflag:$0x7] =	stream.linear.gather [hbm4b:s15+s3], $0x4000, $0x38;
	[tilespmem:$0x1C000] =	vst v63  }
0x40: {  	_ =	swait.ge [sflag:s23], $0x4000  }
0x41: {  	[sflag:s23] =	ssyncset.done $0x0  }
0x42: {  	[sflag:s23] =	ssyncadd.s32 $0xFFFFC000  }
0x43: {  	[spmem:s7] =	stream.linear.scatter [tilespmem:s22], [sflag:$0x7], $0x4000, $0x38;
	[tilespmem:$0x1C000] =	vst v63  }
0x44: {  	_ =	swait.ge [sflag:s23], $0x4000  }
0x45: {  	[sflag:s23] =	ssyncset.done $0x0  }
0x46: {  	s21 =	rddreg [dreg:$0x4];
	[sflag:s23] =	ssyncadd.s32 $0xFFFFC000  }
0x47: {  	[spmem:s21] =	stream.linear.scatter [tilespmem:s22], [sflag:$0x7], $0x4000, $0x38;
	[tilespmem:$0x1C000] =	vst v63  }
0x48: {  	_ =	swait.ge [sflag:s23], $0x4000  }
0x49: {  	[sflag:s23] =	ssyncset.done $0x0  }
0x4a: {  	s16 =	rddreg [dreg:$0x5];
	[sflag:s23] =	ssyncadd.s32 $0xFFFFC000  }
0x4b: {  	[spmem:s16] =	stream.linear.scatter [tilespmem:s22], [sflag:$0x7], $0x4000, $0x38;
	[tilespmem:$0x1C000] =	vst v63  }
0x4c: {  	_ =	swait.ge [sflag:s23], $0x4000  }
0x4d: {  	[sflag:s23] =	ssyncset.done $0x0  }
0x4e: {  	s21 =	rddreg [dreg:$0x6];
	[sflag:s23] =	ssyncadd.s32 $0xFFFFC000  }
0x4f: {  	[spmem:s21] =	stream.linear.scatter [tilespmem:s22], [sflag:$0x7], $0x4000, $0x38;
	[tilespmem:$0x1C000] =	vst v63  }
0x50: {  	_ =	swait.ge [sflag:s23], $0x4000  }
0x51: {  	[sflag:s23] =	ssyncset.done $0x0  }
0x52: {  	s16 =	rddreg [dreg:$0x7];
	[sflag:s23] =	ssyncadd.s32 $0xFFFFC000  }
0x53: {  	[spmem:s16] =	stream.linear.scatter [tilespmem:s22], [sflag:$0x7], $0x3C00, $0x38;
	[tilespmem:$0x1C000] =	vst v63  }
0x54: {  	_ =	swait.ge [sflag:s23], $0x3C00  }
0x55: {  	[sflag:s23] =	ssyncset.done $0x0  }
0x56: {  	[sflag:s23] =	ssyncadd.s32 $0xFFFFC400  }
0x57: {  	[bflag:$0x0] =	sbarrier.arrive $0xFFFF  }
0x58: {  	[tilespmem:s3], [sflag:$0x1] =	stream.linear.gather [hbm4b:s12+s3], $0x100, $0x38;
	[tilespmem:$0x1C000] =	vst v63  }
0x59: {  	s21 =	rddreg [dreg:$0x8]  }
0x5a: {  	[tilespmem:s24], [sflag:$0x2] =	stream.linear.gather [hbm4b:s21+s3], $0x100, $0x38;
	[tilespmem:$0x1C000] =	vst v63  }
0x5b: {  	s16 =	rddreg [dreg:$0x9]  }
0x5c: {  	[tilespmem:s25], [sflag:$0x3] =	stream.linear.gather [hbm4b:s16+s3], $0x100, $0x38;
	[tilespmem:$0x1C000] =	vst v63  }
0x5d: {  	s21 =	rddreg [dreg:$0xa]  }
0x5e: {  	[tilespmem:s26], [sflag:$0x4] =	stream.linear.gather [hbm4b:s21+s3], $0x100, $0x38;
	[tilespmem:$0x1C000] =	vst v63  }
0x5f: {  	_ =	swait.ge [sflag:s28], $0x100  }
0x60: {  	[sflag:s28] =	ssyncset.done $0x0  }
0x61: {  	s15 =	simm.s32 $0x0;
	s21 =	smov.u32 s14;
	[sflag:s28] =	ssyncadd.s32 $0xFFFFFF00  }
0x62: {  	[tilespmem:s22], [sflag:$0x5] =	stream.indirect.gather [hbm4b:s4+s29], $0x80, s3, s29, $0xb8;
	[tilespmem:$0x1C000] =	vst v63  }
.LBB2_2:
0x63: {  	_ =	swait.ge [sflag:s30], $0x100  }
0x64: {  	[sflag:s30] =	ssyncset.done $0x0  }
0x65: {  	[sflag:s30] =	ssyncadd.s32 $0xFFFFFF00  }
0x66: {  	[tilespmem:s31], [sflag:$0x6] =	stream.indirect.gather [hbm4b:s4+s29], $0x80, s24, s29, $0xb8;
	[tilespmem:$0x1C000] =	vst v63  }
0x67: {  	_ =	swait.ge [sflag:s0], $0x4000  }
0x68: {  	[sflag:s0] =	ssyncset.done $0x0  }
0x69: {  	[sflag:s0] =	ssyncadd.s32 $0xFFFFC000  }
0x6a: {  	[spmem:s2] =	stream.indirect.scatter.add.f32 [tilespmem:s22], [sflag:$0x7], $0x80, s29, s29, $0xb8;
	[tilespmem:$0x1C000] =	vst v63  }
0x6b: {  	_ =	swait.ge [sflag:s23], $0x4000  }
0x6c: {  	s16 =	sshrl.u32 s21, $0x3;
	[sflag:s23] =	ssyncset.done $0x0  }
0x6d: {  	s16 =	sadd.s32 s5, s16;
	[sflag:s23] =	ssyncadd.s32 $0xFFFFC000  }
0x6e: {  	[tilespmem:s3], [sflag:$0x1] =	stream.linear.gather [hbm4b:s16+s3], $0x100, $0x38;
	[tilespmem:$0x1C000] =	vst v63  }
0x6f: {  	_ =	swait.ge [sflag:s1], $0x100  }
0x70: {  	[sflag:s1] =	ssyncset.done $0x0  }
0x71: {  	[sflag:s1] =	ssyncadd.s32 $0xFFFFFF00  }
0x72: {  	[tilespmem:s22], [sflag:$0x5] =	stream.indirect.gather [hbm4b:s4+s29], $0x80, s25, s29, $0xb8;
	[tilespmem:$0x1C000] =	vst v63  }
0x73: {  	_ =	swait.ge [sflag:s6], $0x4000  }
0x74: {  	[sflag:s6] =	ssyncset.done $0x0  }
0x75: {  	[sflag:s6] =	ssyncadd.s32 $0xFFFFC000  }
0x76: {  	[spmem:s2] =	stream.indirect.scatter.add.f32 [tilespmem:s31], [sflag:$0x7], $0x80, s8, s29, $0xb8;
	[tilespmem:$0x1C000] =	vst v63  }
0x77: {  	_ =	swait.ge [sflag:s23], $0x4000  }
0x78: {  	[sflag:s23] =	ssyncset.done $0x0  }
0x79: {  	s16 =	sadd.s32 s15, s20;
	[sflag:s23] =	ssyncadd.s32 $0xFFFFC000  }
0x7a: {  	[tilespmem:s24], [sflag:$0x2] =	stream.linear.gather [hbm4b:s16+s3], $0x100, $0x38;
	[tilespmem:$0x1C000] =	vst v63  }
0x7b: {  	_ =	swait.ge [sflag:s9], $0x100  }
0x7c: {  	[sflag:s9] =	ssyncset.done $0x0  }
0x7d: {  	[sflag:s9] =	ssyncadd.s32 $0xFFFFFF00  }
0x7e: {  	[tilespmem:s31], [sflag:$0x6] =	stream.indirect.gather [hbm4b:s4+s29], $0x80, s26, s29, $0xb8;
	[tilespmem:$0x1C000] =	vst v63  }
0x7f: {  	_ =	swait.ge [sflag:s0], $0x4000  }
0x80: {  	[sflag:s0] =	ssyncset.done $0x0  }
0x81: {  	[sflag:s0] =	ssyncadd.s32 $0xFFFFC000  }
0x82: {  	[spmem:s2] =	stream.indirect.scatter.add.f32 [tilespmem:s22], [sflag:$0x7], $0x80, s10, s29, $0xb8;
	[tilespmem:$0x1C000] =	vst v63  }
0x83: {  	_ =	swait.ge [sflag:s23], $0x4000  }
0x84: {  	[sflag:s23] =	ssyncset.done $0x0  }
0x85: {  	s16 =	sadd.s32 s15, s19;
	[sflag:s23] =	ssyncadd.s32 $0xFFFFC000  }
0x86: {  	[tilespmem:s25], [sflag:$0x3] =	stream.linear.gather [hbm4b:s16+s3], $0x100, $0x38;
	[tilespmem:$0x1C000] =	vst v63  }
0x87: {  	_ =	swait.ge [sflag:s28], $0x100  }
0x88: {  	[sflag:s28] =	ssyncset.done $0x0  }
0x89: {  	[sflag:s28] =	ssyncadd.s32 $0xFFFFFF00  }
0x8a: {  	[tilespmem:s22], [sflag:$0x5] =	stream.indirect.gather [hbm4b:s4+s29], $0x80, s3, s29, $0xb8;
	[tilespmem:$0x1C000] =	vst v63  }
0x8b: {  	_ =	swait.ge [sflag:s6], $0x4000  }
0x8c: {  	p0 =	seq.s32 s15, $0x900;
	[sflag:s6] =	ssyncset.done $0x0  }
.Ltmp2:
0x8d: {  	[sflag:s6] =	ssyncadd.s32 $0xFFFFC000;
	(pc) =	sbr.rel @p0 .LBB2_4-.Ltmp2, $4  }
0x8e: {  	[spmem:s2] =	stream.indirect.scatter.add.f32 [tilespmem:s31], [sflag:$0x7], $0x80, s11, s29, $0xb8;
	[tilespmem:$0x1C000] =	vst v63  }
0x8f: {  	_ =	swait.ge [sflag:s23], $0x4000  }
0x90: {  	[sflag:s23] =	ssyncset.done $0x0  }
0x91: {  	[sflag:s23] =	ssyncadd.s32 $0xFFFFC000  }
.Ltmp3:
0x92: {  	(pc) =	sbr.rel .LBB2_2-.Ltmp3, $3  }
0x93: {  	_ =	sdelay $0x1  }
0x94: {  	s16 =	sadd.s32 s15, s18;
	s15 =	sadd.s32 $0x80, s15;
	s21 =	sadd.s32 $0x400, s21  }
0x95: {  	[tilespmem:s26], [sflag:$0x4] =	stream.linear.gather [hbm4b:s16+s3], $0x100, $0x38;
	[tilespmem:$0x1C000] =	vst v63  }
.LBB2_5:
0x96: {  	_ =	sfence.sel $0x180000  }
0x97: {  	[bflag:$0x0] =	sbarrier.arrive $0xFFFF  }
0x98: {  	_ =	strace $0x9000004D  }
0x99: {  	s0 =	stileid.u32;
	[bflag:$0x2] =	sbarrier.arrive $0xFFFF  }
0x9a: {  	p0 =	sne.s32 s0, $0x0;
	s0 =	rddreg [dreg:$0x2]  }
0x9b: {  	s0 =	sadd.s32 @!p0 $0x100000, s0  }
0x9c: {  	[sflag:s0] =	ssyncadd.tile.s32 @!p0 $0x1;
	_ =	shalt  }
.Lfunc_end2:
_tile_overlayer_lowered:
.L_overlay_start_2:
0x9d: {  	(tag) =	ssettag $0x2  }
0x9e: {  	s0 =	rddreg [dreg:$0x0];
	s2 =	stileid.u32  }
0x9f: {  	s1 =	rddreg [dreg:$0x1];
	p0 =	sne.s32 s2, $0x0  }
0xa0: {  	s3 =	rddreg [dreg:$0x2];
	[bflag:$0x3] =	sbarrier.arrive $0xFFFF;
	s2 =	simm.s32 @!p0 $0x1C07  }
0xa1: {  	[timem:s3], [sflag:s2] =	dma.local @!p0 [hbm:s0], s1  }
0xa2: {  	s0 =	simm.s32 @!p0 $0x7  }
0xa3: {  	_ =	swait.ge @!p0 [sflag:s0], s1  }
0xa4: {  	s1 =	ssub.s32 @!p0 $0x0, s1;
	[sflag:s0] =	ssyncset.done @!p0 $0x0  }
0xa5: {  	[sflag:s0] =	ssyncadd.s32 @!p0 s1  }
0xa6: {  	[bflag:$0x3] =	sbarrier.arrive $0xFFFF  }
0xa7: {  	_ =	shalt  }

// kernel: kernel.9.cloned.1.call-start
scs
__scs_entry_jumppad:
0x0: {  	(pc) =	sbr.rel $0x88, $3  }
0x1: {  	(tag) =	ssettag $0x0;
	lr =	simm.s32 $0x1  }
0x2: {  	[smem:$0x3F96] =	sst lr;
	_ =	strace $0xD0000000  }
0x3: {  	_ = 	snop  }
0x4: {  	_ = 	snop  }
0x5: {  	_ = 	snop  }
0x6: {  	_ = 	snop  }
0x7: {  	_ = 	snop  }
__scs_overlays_trampoline_lowered:
0x8: {  	[smem:$0x3FA5] =	sst s0  }
0x9: {  	[smem:$0x3FA6] =	sst s1  }
0xa: {  	[smem:$0x3FA7] =	sst s2  }
0xb: {  	[smem:$0x3FA8] =	sst s3  }
0xc: {  	[smem:$0x3FA9] =	sst s4  }
0xd: {  	[smem:$0x3FAA] =	sst s5  }
0xe: {  	[smem:$0x3FAB] =	sst s6  }
0xf: {  	[smem:$0x3FAC] =	sst s7  }
0x10: {  	[smem:$0x3FAD] =	sst s8  }
0x11: {  	[smem:$0x3FAE] =	sst s9;
	s0 =	simm.s32 @!p0 $0x0  }
0x12: {  	s1 =	sld [smem:$0x3F94];
	s0 =	simm.s32 @p0 $0x1  }
0x13: {  	[smem:$0x3FAF] =	sst s0;
	s0 =	simm.s32 @!p1 $0x0  }
0x14: {  	s2 =	sld [smem:$0x3F93];
	s0 =	simm.s32 @p1 $0x1  }
0x15: {  	[smem:$0x3FB0] =	sst s0;
	s0 =	simm.s32 @!p2 $0x0  }
0x16: {  	s3 =	sld [smem:$0x3FDB];
	s0 =	simm.s32 @p2 $0x1  }
0x17: {  	s4 =	simm.s32 $0x1BF5;
	[smem:$0x3FB2] =	sst s0  }
0x18: {  	s0 =	sld [smem:$0x3F95];
	_ =	swait.ge [sflag:s4], $0x0  }
0x19: {  	s7 =	sld [smem:$0x3F96]  }
0x1a: {  	s8 =	sadd.s32 $0xFFFFE003, lr  }
0x1b: {  	s9 =	sadd.s32 $0xFFFFFEF7, lr;
	s5 =	simm.s32 $0xFFFFFFFF;
	p2 =	slt.u32 s8, $0xFFFFF086  }
0x1c: {  	p1 =	slt.u32 s9, $0xF7A;
	s5 =	simm.s32 @!p2 $0x0  }
0x1d: {  	s5 =	simm.s32 @p1 $0x1;
	p0 =	seq.s32 s7, s2  }
0x1e: {  	s7 =	smul.u32 @!p0 $0xF7A, s2;
	p2 =	seq.s32 @!p0 s5, $0x0  }
0x1f: {  	s9 =	smul.u32 $0xF7A, s1;
	s8 =	simm.s32 @!p0 $0x1BF5;
	p2 =	por !p2, p0  }
0x20: {  	[sflag:s8] =	ssyncset.s32 @!p0 $0xFFFFF086;
	s6 =	sadd.s32 @!p0 s3, s7;
	s7 =	simm.s32 @!p0 $0x108  }
0x21: {  	s3 =	sadd.s32 s3, s9;
	s6 =	sadd.s32 @!p0 $0x88, s6;
	s7 =	simm.s32 @p2 $0x1082  }
0x22: {  	[simem:s7], [sflag:s8] =	dma.local @!p0 [hbm:s6], $0xF7A  }
0x23: {  	s9 =	sor.u32 $0xD0000000, s2;
	s6 =	simm.s32 $0x108;
	_ =	swait.ge @!p0 [sflag:s8], $0x0  }
0x24: {  	s3 =	sadd.s32 $0x88, s3;
	s6 =	simm.s32 @!p1 $0x1082;
	[sflag:s4] =	ssyncset.s32 $0xFFFFF086  }
0x25: {  	[simem:s6], [sflag:s4] =	dma.local [hbm:s3], $0xF7A  }
0x26: {  	[smem:$0x3F96] =	sst s1;
	(tag) =	ssettag s2;
	_ =	strace s9  }
0x27: {  	s1 =	sld [smem:$0x3FA6]  }
0x28: {  	s2 =	sld [smem:$0x3FA7]  }
0x29: {  	s4 =	sld [smem:$0x3FA9]  }
0x2a: {  	p0 =	seq.s32 s5, $0x0;
	s5 =	sld [smem:$0x3FAA]  }
0x2b: {  	s6 =	sld [smem:$0x3FAB]  }
0x2c: {  	s7 =	sld [smem:$0x3FAC]  }
0x2d: {  	s3 =	simm.s32 $0x108;
	s8 =	sld [smem:$0x3FAD]  }
0x2e: {  	s3 =	simm.s32 @!p0 $0x1082;
	s9 =	sld [smem:$0x3FAE]  }
0x2f: {  	lr =	sadd.s32 s0, s3;
	s0 =	sld [smem:$0x3FA5]  }
0x30: {  	s3 =	sld [smem:$0x3FA8]  }
0x31: {  	[smem:$0x3FB1] =	sst s10  }
0x32: {  	s10 =	sld [smem:$0x3FAF];
	_ =	sdelay $0x3  }
0x33: {  	p0 =	seq.s32 s10, $0x1;
	s10 =	sld [smem:$0x3FB1];
	_ =	sdelay $0x3  }
0x34: {  	[smem:$0x3FB1] =	sst s10  }
0x35: {  	s10 =	sld [smem:$0x3FB0];
	_ =	sdelay $0x3  }
0x36: {  	p1 =	seq.s32 s10, $0x1;
	s10 =	sld [smem:$0x3FB1];
	_ =	sdelay $0x3  }
0x37: {  	[smem:$0x3FB1] =	sst s10  }
0x38: {  	s10 =	sld [smem:$0x3FB2]  }
0x39: {  	_ = 	snop;
	(pc) =	sbr.ind lr, $3  }
0x3a: {  	_ = 	snop  }
0x3b: {  	_ = 	snop  }
0x3c: {  	p2 =	seq.s32 s10, $0x1;
	s10 =	sld [smem:$0x3FB1]  }
0x3d: {  	_ =	shalt  }
0x3e: {  	_ =	shalt  }
0x3f: {  	_ =	shalt  }
0x40: {  	_ =	shalt  }
0x41: {  	_ =	shalt  }
0x42: {  	_ =	shalt  }
0x43: {  	_ =	shalt  }
0x44: {  	_ =	shalt  }
0x45: {  	_ =	shalt  }
0x46: {  	_ =	shalt  }
0x47: {  	_ =	shalt  }
0x48: {  	_ =	shalt  }
0x49: {  	_ =	shalt  }
0x4a: {  	_ =	shalt  }
0x4b: {  	_ =	shalt  }
0x4c: {  	_ =	shalt  }
0x4d: {  	_ =	shalt  }
0x4e: {  	_ =	shalt  }
0x4f: {  	_ =	shalt  }
0x50: {  	_ =	shalt  }
0x51: {  	_ =	shalt  }
0x52: {  	_ =	shalt  }
0x53: {  	_ =	shalt  }
0x54: {  	_ =	shalt  }
0x55: {  	_ =	shalt  }
0x56: {  	_ =	shalt  }
0x57: {  	_ =	shalt  }
0x58: {  	_ =	shalt  }
0x59: {  	_ =	shalt  }
0x5a: {  	_ =	shalt  }
0x5b: {  	_ =	shalt  }
0x5c: {  	_ =	shalt  }
0x5d: {  	_ =	shalt  }
0x5e: {  	_ =	shalt  }
0x5f: {  	_ =	shalt  }
0x60: {  	_ =	shalt  }
0x61: {  	_ =	shalt  }
0x62: {  	_ =	shalt  }
0x63: {  	_ =	shalt  }
0x64: {  	_ =	shalt  }
0x65: {  	_ =	shalt  }
0x66: {  	_ =	shalt  }
0x67: {  	_ =	shalt  }
0x68: {  	_ =	shalt  }
0x69: {  	_ =	shalt  }
0x6a: {  	_ =	shalt  }
0x6b: {  	_ =	shalt  }
0x6c: {  	_ =	shalt  }
0x6d: {  	_ =	shalt  }
0x6e: {  	_ =	shalt  }
0x6f: {  	_ =	shalt  }
0x70: {  	_ =	shalt  }
0x71: {  	_ =	shalt  }
0x72: {  	_ =	shalt  }
0x73: {  	_ =	shalt  }
0x74: {  	_ =	shalt  }
0x75: {  	_ =	shalt  }
0x76: {  	_ =	shalt  }
0x77: {  	_ =	shalt  }
0x78: {  	_ =	shalt  }
0x79: {  	_ =	shalt  }
0x7a: {  	_ =	shalt  }
0x7b: {  	_ =	shalt  }
0x7c: {  	_ =	shalt  }
0x7d: {  	_ =	shalt  }
0x7e: {  	_ =	shalt  }
0x7f: {  	_ =	shalt  }
0x80: {  	_ =	shalt  }
0x81: {  	_ =	shalt  }
0x82: {  	_ =	shalt  }
0x83: {  	_ =	shalt  }
0x84: {  	_ =	shalt  }
0x85: {  	_ =	shalt  }
0x86: {  	_ =	shalt  }
0x87: {  	_ =	shalt  }
.Lfunc_end0:
.L_simem_size_0:
called_computation_lowered:
.L_overlay_start_0:
0x88: {  	s2 =	sld [smem:$0x3FD9]  }
0x89: {  	s3 =	sld [smem:$0x3FFE];
	_ =	sdelay $0x1  }
0x8a: {  	s1 =	srdreg.scid  }
0x8b: {  	s0 =	sand.u32 $0x1, s1  }
0x8c: {  	s16 =	sshll.u32 s0, $0xA;
	s2 =	sadd.s32 s3, s2  }
0x8d: {  	s2 =	sadd.s32 s2, s16  }
0x8e: {  	[smem:$0x3FBD] =	sst s2  }
0x8f: {  	_ = 	snop  }
0x90: {  	(tm) =	ssettm $0x1  }
0x91: {  	s17 =	sld [smem:$0x3FFB];
	_ =	sdelay $0x3  }
0x92: {  	_ =	strace s17  }
0x93: {  	s2 =	sld [smem:$0x3FFC];
	_ =	sdelay $0x3  }
0x94: {  	_ =	strace s2  }
0x95: {  	s2 =	sld [smem:$0x3FFD];
	_ =	sdelay $0x3  }
0x96: {  	_ =	strace s2  }
0x97: {  	_ =	strace $0x8FFFFFFF  }
0x98: {  	s18 =	sld [smem:$0x3FDB];
	_ =	sdelay $0x1  }
0x99: {  	s19 =	simm.s32 $_scs_section_size  }
0x9a: {  	s4 =	simm.s32 $_size__tile_overlayer_lowered;
	s5 =	simm.s32 $_tile_overlayer_lowered  }
0x9b: {  	s22 =	simm.s32 $0x1BFF;
	s21 =	sshll.u32 s5, $0x1;
	s2 =	sadd.s32 s19, s18  }
0x9c: {  	s6 =	simm.s32 $0x0;
	s20 =	sshll.u32 s4, $0x1;
	s4 =	sadd.s32 s21, s2  }
0x9d: {  	[timem:s6], [sflag:s22] =	dma.local [hbm:s4], s20  }
0x9e: {  	_ =	swait.ge [sflag:s22], s20  }
0x9f: {  	s3 =	ssub.s32 $0x0, s20;
	[sflag:s22] =	ssyncset.done $0x0  }
0xa0: {  	[sflag:s22] =	ssyncadd.s32 s3;
	_ =	sdelay $0x1  }
0xa1: {  	s23 =	simm.s32 $0x1B8B  }
0xa2: {  	_ =	swait.ge [sflag:s23], $0x1  }
0xa3: {  	[sflag:s23] =	ssyncset.done $0x0  }
0xa4: {  	s25 =	simm.s32 $0x1B8E;
	s24 =	sld [smem:$0x3FFE];
	[sflag:s23] =	ssyncadd.s32 $0xFFFFFFFF  }
0xa5: {  	s26 =	simm.s32 $execute0_lowered;
	[smem:$0x3FD2] =	sst s25  }
0xa6: {  	s4 =	sshll.u32 s26, $0x1;
	_ =	strace $0x80000046;
	[dreg:$0x1] =	wrdreg $0xFFFFFFFF  }
0xa7: {  	s28 =	simm.s32 $_size_execute0_lowered;
	s2 =	sadd.s32 s2, s4;
	[dreg:$0x0] =	wrdreg $0x0  }
0xa8: {  	s4 =	sshll.u32 s28, $0x1;
	[dreg:$0x2] =	wrdreg s2  }
0xa9: {  	[dreg:$0x3] =	wrdreg s4  }
0xaa: {  	[dreg:$0x4] =	wrdreg $0xC0  }
0xab: {  	_ =	task [dreg:s6], $0x5FFFF  }
0xac: {  	[dreg:$0x1] =	wrdreg $0xFFFFFFFF  }
0xad: {  	[dreg:$0x0] =	wrdreg $0x60  }
0xae: {  	[dreg:$0x2] =	wrdreg s24  }
0xaf: {  	[dreg:$0x3] =	wrdreg $0xA8000  }
0xb0: {  	[dreg:$0x4] =	wrdreg $0x9  }
0xb1: {  	_ =	task.clear_ibuf [dreg:s6], $0x5FFFF;
	_ =	strace $0x90000046  }
0xb2: {  	s29 =	simm.s32 $0x9;
	_ =	strace $0x80000048  }
0xb3: {  	_ =	swait.ge [sflag:s29], $0x1  }
0xb4: {  	[sflag:s29] =	ssyncadd.s32 $0xFFFFFFFF  }
0xb5: {  	_ =	strace $0x90000048  }
0xb6: {  	_ =	sfence  }
0xb7: {  	s30 =	sld [smem:$0x0];
	_ =	sdelay $0x2  }
0xb8: {  	s31 =	sshll.u32 s1, $0xD;
	s1 =	sshrl.u32 s1, $0x2  }
0xb9: {  	s3 =	sand.u32 $0x4000, s31;
	s1 =	sadd.s32 s1, s30  }
0xba: {  	s0 =	sor.u32 s3, s0;
	s1 =	sshll.u32 s1, $0x11  }
0xbb: {  	s0 =	sor.u32 s1, s0  }
0xbc: {  	s0 =	sadd.s32 $0x8F2B, s0  }
0xbd: {  	[sflag:s0] =	ssyncadd.remote.s32 $0x1  }
0xbe: {  	_ =	sfence.sel $0xFFFF  }
0xbf: {  	[dreg:$0x0] =	wrdreg $0xFFFFFFFF;
	(pc) =	sbr.abs _section_cstart, $3  }
0xc0: {  	[dreg:$0x1] =	wrdreg $0xFFFFFFFF  }
0xc1: {  	_ =	task.clear_ibuf [dreg:s6], $0x2FFFF;
	_ =	strace $0x9FFFFFFF  }
0xc2: {  	(tm) =	ssettm $0x7FFFFFFF  }
0xc3: {  	_ =	shalt  }
tec
execute0_lowered:
.L_overlay_start_1:
0x0: {  	(tag) =	ssettag $0x1  }
0x1: {  	s0 =	srdreg.scid;
	s7 =	rddreg [dreg:$0x0]  }
0x2: {  	s2 =	rddreg [dreg:$0x1];
	s3 =	simm.s32 $0x0;
	s14 =	simm.s32 $0x1  }
0x3: {  	s15 =	simm.s32 $0x2800;
	s16 =	simm.s32 $0x6800;
	s6 =	sand.u32 $0x1, s0  }
0x4: {  	s17 =	simm.s32 $0x80;
	s0 =	stileid.u32;
	s8 =	smul.u32 $0x13C000, s6  }
0x5: {  	s20 =	simm.s32 $0x0;
	[smem:$0x7FF] =	sst s3;
	s9 =	smul.u32 $0x13C00, s0  }
0x6: {  	s5 =	sadd.s32 $0xC800, s7;
	s1 =	sshll.u32 s6, $0x4;
	s11 =	smul.u32 $0x4F000, s0  }
0x7: {  	s6 =	ssub.s32 $0x2, s6;
	s18 =	sshll.u32 s0, $0x6;
	s4 =	sor.u32 s0, s1  }
0x8: {  	s1 =	rddreg [dreg:$0x2];
	_ =	strace $0x80000047;
	s31 =	sshrl.u32 s6, $0x1  }
0x9: {  	s18 =	sor.u32 $0x1C01, s18;
	s4 =	smul.u32 $0x500, s4;
	s8 =	sadd.s32 s9, s8  }
0xa: {  	s11 =	sshrl.u32 s11, $0x2;
	s13 =	ssub.s32 s6, s31;
	s8 =	sshrl.u32 s8, $0x3  }
0xb: {  	s6 =	sadd.s32 s11, s2;
	s13 =	smax.u32 s13, $0x1;
	s10 =	sadd.s32 s4, s7  }
0xc: {  	s4 =	sadd.s32 $0xD000, s7;
	s12 =	sadd.s32 s8, s7;
	s8 =	sadd.s32 $0x4000, s6  }
0xd: {  	s9 =	sadd.s32 $0x8000, s6;
	s11 =	sadd.s32 $0x10000, s6;
	s19 =	sshrl.u32 s6, $0x3  }
0xe: {  	s7 =	sadd.s32 $0x2800, s10;
	s10 =	sadd.s32 $0xC000, s6;
	s12 =	sadd.s32 $0xD800, s12  }
.LBB2_1:
0xf: {  	[tilespmem:s3], [sflag:$0x1] =	stream.linear.gather [hbm4b:s7+s3], $0x2780, $0x38;
	[tilespmem:$0x1E400] =	vst v63  }
0x10: {  	_ =	swait.ge [sflag:s14], $0x2780  }
0x11: {  	[sflag:s14] =	ssyncset.done $0x0  }
0x12: {  	[sflag:s14] =	ssyncadd.s32 $0xFFFFD880  }
0x13: {  	[tilespmem:s15], [sflag:$0x1] =	stream.linear.gather [hbm4b:s4+s3], $0x4000, $0x38;
	[tilespmem:$0x1E400] =	vst v63  }
0x14: {  	_ =	swait.ge [sflag:s14], $0x4000  }
0x15: {  	[sflag:s14] =	ssyncset.done $0x0  }
0x16: {  	[sflag:s14] =	ssyncadd.s32 $0xFFFFC000  }
0x17: {  	[tilespmem:s16], [sflag:$0x1] =	stream.linear.gather [hbm4b:s5+s3], $0x4000, $0x38;
	[tilespmem:$0x1E400] =	vst v63  }
0x18: {  	_ =	swait.ge [sflag:s14], $0x4000  }
0x19: {  	[sflag:s14] =	ssyncset.done $0x0  }
0x1a: {  	[sflag:s14] =	ssyncadd.s32 $0xFFFFC000  }
0x1b: {  	[spmem:s6] =	stream.linear.scatter [tilespmem:s16], [sflag:$0x1], $0x4000, $0x38;
	[tilespmem:$0x1E400] =	vst v63  }
0x1c: {  	_ =	swait.ge [sflag:s14], $0x4000  }
0x1d: {  	[sflag:s14] =	ssyncset.done $0x0  }
0x1e: {  	[sflag:s14] =	ssyncadd.s32 $0xFFFFC000  }
0x1f: {  	[spmem:s8] =	stream.linear.scatter [tilespmem:s16], [sflag:$0x1], $0x4000, $0x38;
	[tilespmem:$0x1E400] =	vst v63  }
0x20: {  	_ =	swait.ge [sflag:s14], $0x4000  }
0x21: {  	[sflag:s14] =	ssyncset.done $0x0  }
0x22: {  	[sflag:s14] =	ssyncadd.s32 $0xFFFFC000  }
0x23: {  	[spmem:s9] =	stream.linear.scatter [tilespmem:s16], [sflag:$0x1], $0x4000, $0x38;
	[tilespmem:$0x1E400] =	vst v63  }
0x24: {  	_ =	swait.ge [sflag:s14], $0x4000  }
0x25: {  	[sflag:s14] =	ssyncset.done $0x0  }
0x26: {  	[sflag:s14] =	ssyncadd.s32 $0xFFFFC000  }
0x27: {  	[spmem:s10] =	stream.linear.scatter [tilespmem:s16], [sflag:$0x1], $0x4000, $0x38;
	[tilespmem:$0x1E400] =	vst v63  }
0x28: {  	_ =	swait.ge [sflag:s14], $0x4000  }
0x29: {  	[sflag:s14] =	ssyncset.done $0x0  }
0x2a: {  	[sflag:s14] =	ssyncadd.s32 $0xFFFFC000  }
0x2b: {  	[spmem:s11] =	stream.linear.scatter [tilespmem:s16], [sflag:$0x1], $0x3C00, $0x38;
	[tilespmem:$0x1E400] =	vst v63  }
0x2c: {  	_ =	swait.ge [sflag:s14], $0x3C00  }
0x2d: {  	[sflag:s14] =	ssyncset.done $0x0  }
0x2e: {  	[sflag:s14] =	ssyncadd.s32 $0xFFFFC400  }
0x2f: {  	s21 =	simm.s32 $0x0;
	[bflag:$0x0] =	sbarrier.arrive $0xFFFF  }
0x30: {  	[spmem:s2] =	stream.indirect.scatter.add.f32 [tilespmem:s15], [sflag:$0x1], $0x80, s21, s17, $0xb8;
	[tilespmem:$0x1E400] =	vst v63  }
0x31: {  	_ =	swait.ge [sflag:s14], $0x4000  }
0x32: {  	s21 =	simm.s32 $0x200;
	[sflag:s14] =	ssyncset.done $0x0  }
.LBB2_2:
0x33: {  	s22 =	sshra.s32 s21, $0x2;
	[sflag:s14] =	ssyncadd.s32 $0xFFFFC000;
	p0 =	sne.s32 s21, $0x9C00  }
0x34: {  	[spmem:s2] =	stream.indirect.scatter.add.f32 [tilespmem:s15], [sflag:$0x1], $0x80, s22, s17, $0xb8;
	[tilespmem:$0x1E400] =	vst v63  }
.Ltmp0:
0x35: {  	_ = 	snop;
	(pc) =	sbr.rel @p0 .LBB2_2-.Ltmp0, $4  }
0x36: {  	_ = 	snop  }
0x37: {  	s21 =	sadd.s32 $0x200, s21  }
0x38: {  	_ =	swait.ge [sflag:s14], $0x4000  }
0x39: {  	[sflag:s14] =	ssyncset.done $0x0  }
0x3a: {  	s20 =	sadd.s32 $0x1, s20  }
0x3b: {  	[sflag:s14] =	ssyncadd.s32 $0xFFFFC000;
	p0 =	sne.s32 s20, s13  }
.Ltmp1:
0x3c: {  	[bflag:$0x0] =	sbarrier.arrive $0xFFFF;
	(pc) =	sbr.rel @p0 .LBB2_1-.Ltmp1, $4  }
0x3d: {  	[hbm:s12], [sflag:s18] =	dma.local [spmem:s19], $0x2780  }
0x3e: {  	_ =	swait.ge [sflag:s14], $0x2780  }
0x3f: {  	[sflag:s14] =	ssyncset.done $0x0  }
0x40: {  	[sflag:s14] =	ssyncadd.s32 $0xFFFFD880  }
0x41: {  	_ =	sfence.sel $0x180000  }
0x42: {  	[bflag:$0x0] =	sbarrier.arrive $0xFFFF  }
0x43: {  	p0 =	sne.s32 s0, $0x0;
	_ =	strace $0x90000047  }
0x44: {  	s0 =	sadd.s32 @!p0 $0x100000, s1;
	[bflag:$0x2] =	sbarrier.arrive $0xFFFF  }
0x45: {  	[sflag:s0] =	ssyncadd.tile.s32 @!p0 $0x1;
	_ =	shalt  }
.Lfunc_end2:
_tile_overlayer_lowered:
.L_overlay_start_2:
0x46: {  	(tag) =	ssettag $0x2  }
0x47: {  	s0 =	rddreg [dreg:$0x0];
	s2 =	stileid.u32  }
0x48: {  	s1 =	rddreg [dreg:$0x1];
	p0 =	sne.s32 s2, $0x0  }
0x49: {  	s3 =	rddreg [dreg:$0x2];
	[bflag:$0x3] =	sbarrier.arrive $0xFFFF;
	s2 =	simm.s32 @!p0 $0x1C01  }
0x4a: {  	[timem:s3], [sflag:s2] =	dma.local @!p0 [hbm:s0], s1  }
0x4b: {  	s0 =	simm.s32 @!p0 $0x1  }
0x4c: {  	_ =	swait.ge @!p0 [sflag:s0], s1  }
0x4d: {  	s1 =	ssub.s32 @!p0 $0x0, s1;
	[sflag:s0] =	ssyncset.done @!p0 $0x0  }
0x4e: {  	[sflag:s0] =	ssyncadd.s32 @!p0 s1  }
0x4f: {  	[bflag:$0x3] =	sbarrier.arrive $0xFFFF  }
0x50: {  	_ =	shalt  }

</sc_bundles>
